<compile_context>
chip_gen: v7x
topology: tpu7x:2x2x1
jax: 0.10.2.dev20260603
libtpu: 0.0.44.dev20260713+nightly
codegen_flags: <defaults>
</compile_context>

<pallas_src>
import functools

import jax
import jax.numpy as jnp
from jax import lax
from jax.experimental import pallas as pl
from jax.experimental.pallas import tpu as pltpu
from jax.experimental.pallas import tpu_sc as plsc

B = 4096
H = 50
EMB = 32
NC = 2
NS = 16
NW = NC * NS
BPW = B // NW
LANES = 16
ROW_VREGS = EMB // LANES


def _sc_gather_pool(vid, wvt, region, cid, vemb, remb, cemb):
  mesh = plsc.VectorSubcoreMesh(core_axis_name="c", subcore_axis_name="s")

  @functools.partial(
      pl.kernel,
      mesh=mesh,
      compiler_params=pltpu.CompilerParams(use_tc_tiling_on_sc=False),
      out_type=jax.ShapeDtypeStruct((4, B, EMB), jnp.float32),
      scratch_types=[
          pltpu.VMEM((BPW,), jnp.int32),
          pltpu.VMEM((BPW,), jnp.int32),
          pltpu.VMEM((BPW,), jnp.int32),
          pltpu.VMEM((H, BPW), jnp.int32),
          pltpu.VMEM((BPW, EMB), jnp.float32),
          pltpu.VMEM((BPW, EMB), jnp.float32),
          pltpu.VMEM((BPW, EMB), jnp.float32),
          pltpu.VMEM((BPW, EMB), jnp.float32),
          pltpu.VMEM((BPW, EMB), jnp.float32),
          pltpu.VMEM((BPW, EMB), jnp.float32),
          pltpu.SemaphoreType.DMA,
          pltpu.SemaphoreType.DMA,
          pltpu.SemaphoreType.DMA,
          pltpu.SemaphoreType.DMA,
          pltpu.SemaphoreType.DMA,
      ],
  )
  def sc_kernel(vid_hbm, wvt_hbm, region_hbm, cid_hbm,
                vemb_hbm, remb_hbm, cemb_hbm, out_hbm,
                vid_v, reg_v, cid_v, wvt_v,
                v_rows, r_rows, c_rows, buf_a, buf_b, acc,
                sem_a, sem_b, sem_v, sem_r, sem_c):
    wid = lax.axis_index("s") * NC + lax.axis_index("c")
    base = wid * BPW
    pltpu.sync_copy(vid_hbm.at[pl.ds(base, BPW)], vid_v)
    pltpu.sync_copy(region_hbm.at[pl.ds(base, BPW)], reg_v)
    pltpu.sync_copy(cid_hbm.at[pl.ds(base, BPW)], cid_v)
    pltpu.sync_copy(wvt_hbm.at[:, pl.ds(base, BPW)], wvt_v)
    cp_v = pltpu.async_copy(vemb_hbm.at[vid_v], v_rows, sem_v)
    cp_r = pltpu.async_copy(remb_hbm.at[reg_v], r_rows, sem_r)
    cp_c = pltpu.async_copy(cemb_hbm.at[cid_v], c_rows, sem_c)
    bufs = (buf_a, buf_b)
    sems = (sem_a, sem_b)
    pltpu.async_copy(vemb_hbm.at[wvt_v.at[0]], acc, sem_a).wait()
    prev = pltpu.async_copy(vemb_hbm.at[wvt_v.at[1]], bufs[1], sem_b)
    for h in range(1, H):
      nxt = None
      if h + 1 < H:
        nxt = pltpu.async_copy(vemb_hbm.at[wvt_v.at[h + 1]],
                               bufs[(h + 1) % 2], sems[(h + 1) % 2])
      prev.wait()
      buf = bufs[h % 2]

      def add_body(b, carry, buf=buf):
        for j in range(ROW_VREGS):
          plsc.addupdate(acc.at[b, pl.ds(j * LANES, LANES)],
                         buf[b, pl.ds(j * LANES, LANES)])
        return carry

      lax.fori_loop(0, BPW, add_body, 0)
      prev = nxt
    cp_v.wait()
    cp_r.wait()
    cp_c.wait()
    pltpu.sync_copy(v_rows, out_hbm.at[0, pl.ds(base, BPW)])
    pltpu.sync_copy(acc, out_hbm.at[1, pl.ds(base, BPW)])
    pltpu.sync_copy(r_rows, out_hbm.at[2, pl.ds(base, BPW)])
    pltpu.sync_copy(c_rows, out_hbm.at[3, pl.ds(base, BPW)])

  return sc_kernel(vid, wvt, region, cid, vemb, remb, cemb)


def _mlp_body(f4_ref, w0, b0, w1, b1, w2, b2, wo, bo, out_ref):
  feat = jnp.concatenate(
      [f4_ref[0], f4_ref[1], f4_ref[2], f4_ref[3]], axis=-1)
  h = jnp.maximum(
      jnp.dot(feat, w0[...], preferred_element_type=jnp.float32) + b0[...], 0.0)
  h = jnp.maximum(
      jnp.dot(h, w1[...], preferred_element_type=jnp.float32) + b1[...], 0.0)
  h = jnp.maximum(
      jnp.dot(h, w2[...], preferred_element_type=jnp.float32) + b2[...], 0.0)
  out_ref[...] = jnp.dot(h, wo[...], preferred_element_type=jnp.float32) + bo[...]


def kernel(vid, watch_vids, region, cid, vemb, remb, cemb,
           W0, b0, W1, b1, W2, b2, Wo, bo):
  vid = vid.astype(jnp.int32)
  region = region.astype(jnp.int32)
  cid = cid.astype(jnp.int32)
  wvt = watch_vids.astype(jnp.int32).T
  f4 = _sc_gather_pool(vid, wvt, region, cid, vemb, remb, cemb)
  logit = pl.pallas_call(
      _mlp_body,
      out_shape=jax.ShapeDtypeStruct((B, 1), jnp.float32),
  )(f4, W0, b0.reshape(1, -1), W1, b1.reshape(1, -1),
    W2, b2.reshape(1, -1), Wo, bo.reshape(1, -1))
  return logit

# --- scband reference (transcript-rebuilt; emitter-appended) ---
"""Pipeline reference for scband-model-72404558676713 (READ-ONLY COPY).

The authoritative reference and input builder live on the scoring server;
editing this copy changes nothing except your own understanding.
"""

import jax, jax.numpy as jnp
import numpy as np

B = 4096
H = 50
VID_VOCAB = 1000000
REGION_VOCAB = 400
CID_VOCAB = 1000
EMB = 32


def setup_inputs(seed: int = 0):
    key = jax.random.key(seed)
    ks = jax.random.split(key, 16)
    inp = {}
    # forward args (index tensors)
    inp["vid"] = jax.random.randint(ks[0], (B,), 0, VID_VOCAB)
    inp["watch_vids"] = jax.random.randint(ks[1], (B, H), 0, VID_VOCAB)
    inp["region"] = jax.random.randint(ks[2], (B,), 0, REGION_VOCAB)
    inp["cid"] = jax.random.randint(ks[3], (B,), 0, CID_VOCAB)
    # learned parameters: embedding tables (util.create_emb equivalents)
    s = 0.02
    inp["vemb"] = jax.random.normal(ks[4], (VID_VOCAB, EMB), jnp.float32) * s
    inp["remb"] = jax.random.normal(ks[5], (REGION_VOCAB, EMB), jnp.float32) * s
    inp["cemb"] = jax.random.normal(ks[6], (CID_VOCAB, EMB), jnp.float32) * s
    # MLP [512, 256, 64] + final Dense(1)
    d_in = EMB * 4
    dims = [512, 256, 64]
    prev = d_in
    for i, d in enumerate(dims):
        inp[f"W{i}"] = jax.random.normal(ks[7 + i], (prev, d), jnp.float32) * (1.0 / np.sqrt(prev))
        inp[f"b{i}"] = jnp.zeros((d,), jnp.float32)
        prev = d
    inp["Wo"] = jax.random.normal(ks[10], (prev, 1), jnp.float32) * (1.0 / np.sqrt(prev))
    inp["bo"] = jnp.zeros((1,), jnp.float32)
    return inp


def reference(vid, watch_vids, region, cid, vemb, remb, cemb,
              W0, b0, W1, b1, W2, b2, Wo, bo):
    # embedding lookups (SparseCore gathers)
    v = jnp.take(vemb, vid, axis=0)                 # [B, EMB] candidate vid emb
    his = jnp.take(vemb, watch_vids, axis=0)        # [B, H, EMB] watch history embs
    his_pooled = jnp.sum(his, axis=1)               # SumPooling over history
    r = jnp.take(remb, region, axis=0)              # [B, EMB]
    c = jnp.take(cemb, cid, axis=0)                 # [B, EMB]
    feat = jnp.concatenate([v, his_pooled, r, c], axis=-1)  # [B, 4*EMB]
    h = jax.nn.relu(feat @ W0 + b0)
    h = jax.nn.relu(h @ W1 + b1)
    h = jax.nn.relu(h @ W2 + b2)
    logit = h @ Wo + bo                             # Dense(1)
    return logit

if __name__ == "__main__":
    import jax
    _d = setup_inputs()
    print(jax.jit(kernel)(*tuple(_d.values())))

</pallas_src>

<mosaic_0001>
#map = affine_map<(d0, d1) -> (0)>
#map1 = affine_map<(d0, d1) -> (0, 0)>
#map2 = affine_map<(d0, d1) -> (0, 0, 0)>
module attributes {stable_mosaic.version = 14 : i64} {
  func.func @sc_kernel(%arg0: i32, %arg1: i32, %arg2: memref<4096xi32, #tpu.memory_space<hbm>>, %arg3: memref<50x4096xi32, #tpu.memory_space<hbm>>, %arg4: memref<4096xi32, #tpu.memory_space<hbm>>, %arg5: memref<4096xi32, #tpu.memory_space<hbm>>, %arg6: memref<1000000x32xf32, #tpu.memory_space<hbm>>, %arg7: memref<400x32xf32, #tpu.memory_space<hbm>>, %arg8: memref<1000x32xf32, #tpu.memory_space<hbm>>, %arg9: memref<4x4096x32xf32, #tpu.memory_space<hbm>>, %arg10: memref<128xi32, #tpu.memory_space<vmem>>, %arg11: memref<128xi32, #tpu.memory_space<vmem>>, %arg12: memref<128xi32, #tpu.memory_space<vmem>>, %arg13: memref<50x128xi32, #tpu.memory_space<vmem>>, %arg14: memref<128x32xf32, #tpu.memory_space<vmem>>, %arg15: memref<128x32xf32, #tpu.memory_space<vmem>>, %arg16: memref<128x32xf32, #tpu.memory_space<vmem>>, %arg17: memref<128x32xf32, #tpu.memory_space<vmem>>, %arg18: memref<128x32xf32, #tpu.memory_space<vmem>>, %arg19: memref<128x32xf32, #tpu.memory_space<vmem>>, %arg20: memref<!tpu.dma_semaphore, #tpu.memory_space<semaphore_mem>>, %arg21: memref<!tpu.dma_semaphore, #tpu.memory_space<semaphore_mem>>, %arg22: memref<!tpu.dma_semaphore, #tpu.memory_space<semaphore_mem>>, %arg23: memref<!tpu.dma_semaphore, #tpu.memory_space<semaphore_mem>>, %arg24: memref<!tpu.dma_semaphore, #tpu.memory_space<semaphore_mem>>) attributes {dimension_semantics = [#tpu.dimension_semantics<core_parallel>, #tpu.dimension_semantics<subcore_parallel>], iteration_bounds = array<i64: 2, 16>, scalar_prefetch = 0 : i64, scratch_operands = 15 : i64, tpu.core_type = #tpu.core_type<sc_vector_subcore>, window_params = [{transform_indices = #map}, {transform_indices = #map1}, {transform_indices = #map}, {transform_indices = #map}, {transform_indices = #map1}, {transform_indices = #map1}, {transform_indices = #map1}, {transform_indices = #map2}]} {
    %mul3A = arith.constant 2 : i32
    %mul3A_0 = arith.muli %arg1, %mul3A : i32
    %add3A = arith.addi %mul3A_0, %arg0 : i32
    %mul3A_1 = arith.constant 128 : i32
    %mul3A_2 = arith.muli %add3A, %mul3A_1 : i32
    "tpu.region"() ({
      %run_scoped3A_1015 = tpu.sem_alloc : memref<!tpu.dma_semaphore, #tpu.memory_space<semaphore_mem>>
      %dma_start3A_1016 = tpu.memref_slice %arg2[%mul3A_2] : memref<4096xi32, #tpu.memory_space<hbm>> -> memref<128xi32, #tpu.memory_space<hbm>>
      %dma_start3A_1017 = tpu.memref_slice %arg2[%mul3A_2] : memref<4096xi32, #tpu.memory_space<hbm>> -> memref<128xi32, #tpu.memory_space<hbm>>
      tpu.enqueue_dma source(%dma_start3A_1017 : memref<128xi32, #tpu.memory_space<hbm>>) target(%arg10 : memref<128xi32, #tpu.memory_space<vmem>>) target_semaphore(%run_scoped3A_1015 : memref<!tpu.dma_semaphore, #tpu.memory_space<semaphore_mem>>)
      %dma_wait3A_1018 = tpu.memref_slice %arg2[%mul3A_2] : memref<4096xi32, #tpu.memory_space<hbm>> -> memref<128xi32, #tpu.memory_space<hbm>>
      %dma_wait3A_1019 = tpu.memref_slice %arg2[%mul3A_2] : memref<4096xi32, #tpu.memory_space<hbm>> -> memref<128xi32, #tpu.memory_space<hbm>>
      tpu.wait_dma2 semaphore(%run_scoped3A_1015 : memref<!tpu.dma_semaphore, #tpu.memory_space<semaphore_mem>>) src(%dma_wait3A_1019 : memref<128xi32, #tpu.memory_space<hbm>>) dst(%arg10 : memref<128xi32, #tpu.memory_space<vmem>>)
      tpu.yield
    }) : () -> ()
    "tpu.region"() ({
      %run_scoped3A_1015 = tpu.sem_alloc : memref<!tpu.dma_semaphore, #tpu.memory_space<semaphore_mem>>
      %dma_start3A_1016 = tpu.memref_slice %arg4[%mul3A_2] : memref<4096xi32, #tpu.memory_space<hbm>> -> memref<128xi32, #tpu.memory_space<hbm>>
      %dma_start3A_1017 = tpu.memref_slice %arg4[%mul3A_2] : memref<4096xi32, #tpu.memory_space<hbm>> -> memref<128xi32, #tpu.memory_space<hbm>>
      tpu.enqueue_dma source(%dma_start3A_1017 : memref<128xi32, #tpu.memory_space<hbm>>) target(%arg11 : memref<128xi32, #tpu.memory_space<vmem>>) target_semaphore(%run_scoped3A_1015 : memref<!tpu.dma_semaphore, #tpu.memory_space<semaphore_mem>>)
      %dma_wait3A_1018 = tpu.memref_slice %arg4[%mul3A_2] : memref<4096xi32, #tpu.memory_space<hbm>> -> memref<128xi32, #tpu.memory_space<hbm>>
      %dma_wait3A_1019 = tpu.memref_slice %arg4[%mul3A_2] : memref<4096xi32, #tpu.memory_space<hbm>> -> memref<128xi32, #tpu.memory_space<hbm>>
      tpu.wait_dma2 semaphore(%run_scoped3A_1015 : memref<!tpu.dma_semaphore, #tpu.memory_space<semaphore_mem>>) src(%dma_wait3A_1019 : memref<128xi32, #tpu.memory_space<hbm>>) dst(%arg11 : memref<128xi32, #tpu.memory_space<vmem>>)
      tpu.yield
    }) : () -> ()
    "tpu.region"() ({
      %run_scoped3A_1015 = tpu.sem_alloc : memref<!tpu.dma_semaphore, #tpu.memory_space<semaphore_mem>>
      %dma_start3A_1016 = tpu.memref_slice %arg5[%mul3A_2] : memref<4096xi32, #tpu.memory_space<hbm>> -> memref<128xi32, #tpu.memory_space<hbm>>
      %dma_start3A_1017 = tpu.memref_slice %arg5[%mul3A_2] : memref<4096xi32, #tpu.memory_space<hbm>> -> memref<128xi32, #tpu.memory_space<hbm>>
      tpu.enqueue_dma source(%dma_start3A_1017 : memref<128xi32, #tpu.memory_space<hbm>>) target(%arg12 : memref<128xi32, #tpu.memory_space<vmem>>) target_semaphore(%run_scoped3A_1015 : memref<!tpu.dma_semaphore, #tpu.memory_space<semaphore_mem>>)
      %dma_wait3A_1018 = tpu.memref_slice %arg5[%mul3A_2] : memref<4096xi32, #tpu.memory_space<hbm>> -> memref<128xi32, #tpu.memory_space<hbm>>
      %dma_wait3A_1019 = tpu.memref_slice %arg5[%mul3A_2] : memref<4096xi32, #tpu.memory_space<hbm>> -> memref<128xi32, #tpu.memory_space<hbm>>
      tpu.wait_dma2 semaphore(%run_scoped3A_1015 : memref<!tpu.dma_semaphore, #tpu.memory_space<semaphore_mem>>) src(%dma_wait3A_1019 : memref<128xi32, #tpu.memory_space<hbm>>) dst(%arg12 : memref<128xi32, #tpu.memory_space<vmem>>)
      tpu.yield
    }) : () -> ()
    "tpu.region"() ({
      %run_scoped3A_1015 = tpu.sem_alloc : memref<!tpu.dma_semaphore, #tpu.memory_space<semaphore_mem>>
      %dma_start3A_1016 = arith.constant 0 : i32
      %dma_start3A_1017 = tpu.memref_slice %arg3[%dma_start3A_1016, %mul3A_2] : memref<50x4096xi32, #tpu.memory_space<hbm>> -> memref<50x128xi32, #tpu.memory_space<hbm>>
      %dma_start3A_1018 = arith.constant 0 : i32
      %dma_start3A_1019 = tpu.memref_slice %arg3[%dma_start3A_1018, %mul3A_2] : memref<50x4096xi32, #tpu.memory_space<hbm>> -> memref<50x128xi32, #tpu.memory_space<hbm>>
      tpu.enqueue_dma source(%dma_start3A_1019 : memref<50x128xi32, #tpu.memory_space<hbm>>) target(%arg13 : memref<50x128xi32, #tpu.memory_space<vmem>>) target_semaphore(%run_scoped3A_1015 : memref<!tpu.dma_semaphore, #tpu.memory_space<semaphore_mem>>)
      %dma_wait3A_1020 = arith.constant 0 : i32
      %dma_wait3A_1021 = tpu.memref_slice %arg3[%dma_wait3A_1020, %mul3A_2] : memref<50x4096xi32, #tpu.memory_space<hbm>> -> memref<50x128xi32, #tpu.memory_space<hbm>>
      %dma_wait3A_1022 = arith.constant 0 : i32
      %dma_wait3A_1023 = tpu.memref_slice %arg3[%dma_wait3A_1022, %mul3A_2] : memref<50x4096xi32, #tpu.memory_space<hbm>> -> memref<50x128xi32, #tpu.memory_space<hbm>>
      tpu.wait_dma2 semaphore(%run_scoped3A_1015 : memref<!tpu.dma_semaphore, #tpu.memory_space<semaphore_mem>>) src(%dma_wait3A_1023 : memref<50x128xi32, #tpu.memory_space<hbm>>) dst(%arg13 : memref<50x128xi32, #tpu.memory_space<vmem>>)
      tpu.yield
    }) : () -> ()
    %dma_start3A = arith.constant 0 : i32
    %dma_start3A_3 = arith.constant 0 : i32
    %dma_start3A_4 = tpu.memref_slice %arg6[%dma_start3A, %dma_start3A_3] : memref<1000000x32xf32, #tpu.memory_space<hbm>> -> memref<1000000x32xf32, #tpu.memory_space<hbm>>
    tpu.enqueue_indirect_dma source(%dma_start3A_4 : memref<1000000x32xf32, #tpu.memory_space<hbm>>) target(%arg14 : memref<128x32xf32, #tpu.memory_space<vmem>>) offsets(%arg10 : memref<128xi32, #tpu.memory_space<vmem>>) semaphore(%arg22 : memref<!tpu.dma_semaphore, #tpu.memory_space<semaphore_mem>>)
    %dma_start3A_5 = arith.constant 0 : i32
    %dma_start3A_6 = arith.constant 0 : i32
    %dma_start3A_7 = tpu.memref_slice %arg7[%dma_start3A_5, %dma_start3A_6] : memref<400x32xf32, #tpu.memory_space<hbm>> -> memref<400x32xf32, #tpu.memory_space<hbm>>
    tpu.enqueue_indirect_dma source(%dma_start3A_7 : memref<400x32xf32, #tpu.memory_space<hbm>>) target(%arg15 : memref<128x32xf32, #tpu.memory_space<vmem>>) offsets(%arg11 : memref<128xi32, #tpu.memory_space<vmem>>) semaphore(%arg23 : memref<!tpu.dma_semaphore, #tpu.memory_space<semaphore_mem>>)
    %dma_start3A_8 = arith.constant 0 : i32
    %dma_start3A_9 = arith.constant 0 : i32
    %dma_start3A_10 = tpu.memref_slice %arg8[%dma_start3A_8, %dma_start3A_9] : memref<1000x32xf32, #tpu.memory_space<hbm>> -> memref<1000x32xf32, #tpu.memory_space<hbm>>
    tpu.enqueue_indirect_dma source(%dma_start3A_10 : memref<1000x32xf32, #tpu.memory_space<hbm>>) target(%arg16 : memref<128x32xf32, #tpu.memory_space<vmem>>) offsets(%arg12 : memref<128xi32, #tpu.memory_space<vmem>>) semaphore(%arg24 : memref<!tpu.dma_semaphore, #tpu.memory_space<semaphore_mem>>)
    %dma_start3A_11 = arith.constant 0 : i32
    %dma_start3A_12 = arith.constant 0 : i32
    %dma_start3A_13 = tpu.memref_slice %arg13[%dma_start3A_11, %dma_start3A_12] : memref<50x128xi32, #tpu.memory_space<vmem>> -> memref<1x128xi32, #tpu.memory_space<vmem>>
    %dma_start3A_14 = tpu.memref_squeeze %dma_start3A_13 : memref<1x128xi32, #tpu.memory_space<vmem>> -> memref<128xi32, #tpu.memory_space<vmem>>
    %dma_start3A_15 = arith.constant 0 : i32
    %dma_start3A_16 = arith.constant 0 : i32
    %dma_start3A_17 = tpu.memref_slice %arg6[%dma_start3A_15, %dma_start3A_16] : memref<1000000x32xf32, #tpu.memory_space<hbm>> -> memref<1000000x32xf32, #tpu.memory_space<hbm>>
    tpu.enqueue_indirect_dma source(%dma_start3A_17 : memref<1000000x32xf32, #tpu.memory_space<hbm>>) target(%arg19 : memref<128x32xf32, #tpu.memory_space<vmem>>) offsets(%dma_start3A_14 : memref<128xi32, #tpu.memory_space<vmem>>) semaphore(%arg20 : memref<!tpu.dma_semaphore, #tpu.memory_space<semaphore_mem>>)
    %dma_wait3A = arith.constant 0 : i32
    %dma_wait3A_18 = arith.constant 0 : i32
    %dma_wait3A_19 = tpu.memref_slice %arg13[%dma_wait3A, %dma_wait3A_18] : memref<50x128xi32, #tpu.memory_space<vmem>> -> memref<1x128xi32, #tpu.memory_space<vmem>>
    %dma_wait3A_20 = tpu.memref_squeeze %dma_wait3A_19 : memref<1x128xi32, #tpu.memory_space<vmem>> -> memref<128xi32, #tpu.memory_space<vmem>>
    %dma_wait3A_21 = arith.constant 0 : i32
    %dma_wait3A_22 = arith.constant 0 : i32
    %dma_wait3A_23 = tpu.memref_slice %arg6[%dma_wait3A_21, %dma_wait3A_22] : memref<1000000x32xf32, #tpu.memory_space<hbm>> -> memref<1000000x32xf32, #tpu.memory_space<hbm>>
    tpu.wait_indirect_dma semaphore(%arg20 : memref<!tpu.dma_semaphore, #tpu.memory_space<semaphore_mem>>) src(%dma_wait3A_23 : memref<1000000x32xf32, #tpu.memory_space<hbm>>) dst(%arg19 : memref<128x32xf32, #tpu.memory_space<vmem>>)
    %dma_start3A_24 = arith.constant 1 : i32
    %dma_start3A_25 = arith.constant 0 : i32
    %dma_start3A_26 = tpu.memref_slice %arg13[%dma_start3A_24, %dma_start3A_25] : memref<50x128xi32, #tpu.memory_space<vmem>> -> memref<1x128xi32, #tpu.memory_space<vmem>>
    %dma_start3A_27 = tpu.memref_squeeze %dma_start3A_26 : memref<1x128xi32, #tpu.memory_space<vmem>> -> memref<128xi32, #tpu.memory_space<vmem>>
    %dma_start3A_28 = arith.constant 0 : i32
    %dma_start3A_29 = arith.constant 0 : i32
    %dma_start3A_30 = tpu.memref_slice %arg6[%dma_start3A_28, %dma_start3A_29] : memref<1000000x32xf32, #tpu.memory_space<hbm>> -> memref<1000000x32xf32, #tpu.memory_space<hbm>>
    tpu.enqueue_indirect_dma source(%dma_start3A_30 : memref<1000000x32xf32, #tpu.memory_space<hbm>>) target(%arg18 : memref<128x32xf32, #tpu.memory_space<vmem>>) offsets(%dma_start3A_27 : memref<128xi32, #tpu.memory_space<vmem>>) semaphore(%arg21 : memref<!tpu.dma_semaphore, #tpu.memory_space<semaphore_mem>>)
    %dma_start3A_31 = arith.constant 2 : i32
    %dma_start3A_32 = arith.constant 0 : i32
    %dma_start3A_33 = tpu.memref_slice %arg13[%dma_start3A_31, %dma_start3A_32] : memref<50x128xi32, #tpu.memory_space<vmem>> -> memref<1x128xi32, #tpu.memory_space<vmem>>
    %dma_start3A_34 = tpu.memref_squeeze %dma_start3A_33 : memref<1x128xi32, #tpu.memory_space<vmem>> -> memref<128xi32, #tpu.memory_space<vmem>>
    %dma_start3A_35 = arith.constant 0 : i32
    %dma_start3A_36 = arith.constant 0 : i32
    %dma_start3A_37 = tpu.memref_slice %arg6[%dma_start3A_35, %dma_start3A_36] : memref<1000000x32xf32, #tpu.memory_space<hbm>> -> memref<1000000x32xf32, #tpu.memory_space<hbm>>
    tpu.enqueue_indirect_dma source(%dma_start3A_37 : memref<1000000x32xf32, #tpu.memory_space<hbm>>) target(%arg17 : memref<128x32xf32, #tpu.memory_space<vmem>>) offsets(%dma_start3A_34 : memref<128xi32, #tpu.memory_space<vmem>>) semaphore(%arg20 : memref<!tpu.dma_semaphore, #tpu.memory_space<semaphore_mem>>)
    %dma_wait3A_38 = arith.constant 1 : i32
    %dma_wait3A_39 = arith.constant 0 : i32
    %dma_wait3A_40 = tpu.memref_slice %arg13[%dma_wait3A_38, %dma_wait3A_39] : memref<50x128xi32, #tpu.memory_space<vmem>> -> memref<1x128xi32, #tpu.memory_space<vmem>>
    %dma_wait3A_41 = tpu.memref_squeeze %dma_wait3A_40 : memref<1x128xi32, #tpu.memory_space<vmem>> -> memref<128xi32, #tpu.memory_space<vmem>>
    %dma_wait3A_42 = arith.constant 0 : i32
    %dma_wait3A_43 = arith.constant 0 : i32
    %dma_wait3A_44 = tpu.memref_slice %arg6[%dma_wait3A_42, %dma_wait3A_43] : memref<1000000x32xf32, #tpu.memory_space<hbm>> -> memref<1000000x32xf32, #tpu.memory_space<hbm>>
    tpu.wait_indirect_dma semaphore(%arg21 : memref<!tpu.dma_semaphore, #tpu.memory_space<semaphore_mem>>) src(%dma_wait3A_44 : memref<1000000x32xf32, #tpu.memory_space<hbm>>) dst(%arg18 : memref<128x32xf32, #tpu.memory_space<vmem>>)
    %scan3A = arith.constant 0 : i32
    %scan3A_45 = arith.constant 0 : i32
    %scan3A_46 = arith.constant 128 : i32
    %scan3A_47 = arith.addi %scan3A_45, %scan3A_46 : i32
    %scan3A_48 = arith.constant 1 : i32
    scf.for %scan3A_1015 = %scan3A_45 to %scan3A_47 step %scan3A_48  : i32 {
      %get3A = arith.index_cast %scan3A_1015 : i32 to index
      %get3A_1016 = arith.constant 0 : index
      %get3A_1017 = tpu.vector_load %arg18[%get3A, %get3A_1016] {strides = array<i32>} : memref<128x32xf32, #tpu.memory_space<vmem>>, vector<1x16xf32>,
      %get3A_1018 = vector.shape_cast %get3A_1017 : vector<1x16xf32> to vector<16xf32>
      %swap3A = arith.index_cast %scan3A_1015 : i32 to index
      %swap3A_1019 = arith.constant 0 : index
      %swap3A_1020 = tpu.vector_load %arg19[%swap3A, %swap3A_1019] {strides = array<i32>} : memref<128x32xf32, #tpu.memory_space<vmem>>, vector<1x16xf32>,
      %swap3A_1021 = vector.shape_cast %swap3A_1020 : vector<1x16xf32> to vector<16xf32>
      %swap3A_1022 = vector.shape_cast %get3A_1018 : vector<16xf32> to vector<1x16xf32>
      tpu.vector_store %arg19[%swap3A, %swap3A_1019], %swap3A_1022 {add = true, strides = array<i32>} : memref<128x32xf32, #tpu.memory_space<vmem>>, vector<1x16xf32>,
      %get3A_1023 = arith.index_cast %scan3A_1015 : i32 to index
      %get3A_1024 = arith.constant 16 : index
      %get3A_1025 = tpu.vector_load %arg18[%get3A_1023, %get3A_1024] {strides = array<i32>} : memref<128x32xf32, #tpu.memory_space<vmem>>, vector<1x16xf32>,
      %get3A_1026 = vector.shape_cast %get3A_1025 : vector<1x16xf32> to vector<16xf32>
      %swap3A_1027 = arith.index_cast %scan3A_1015 : i32 to index
      %swap3A_1028 = arith.constant 16 : index
      %swap3A_1029 = tpu.vector_load %arg19[%swap3A_1027, %swap3A_1028] {strides = array<i32>} : memref<128x32xf32, #tpu.memory_space<vmem>>, vector<1x16xf32>,
      %swap3A_1030 = vector.shape_cast %swap3A_1029 : vector<1x16xf32> to vector<16xf32>
      %swap3A_1031 = vector.shape_cast %get3A_1026 : vector<16xf32> to vector<1x16xf32>
      tpu.vector_store %arg19[%swap3A_1027, %swap3A_1028], %swap3A_1031 {add = true, strides = array<i32>} : memref<128x32xf32, #tpu.memory_space<vmem>>, vector<1x16xf32>,
    }
    %scan3A_49 = arith.constant 128 : i32
    %dma_start3A_50 = arith.constant 3 : i32
    %dma_start3A_51 = arith.constant 0 : i32
    %dma_start3A_52 = tpu.memref_slice %arg13[%dma_start3A_50, %dma_start3A_51] : memref<50x128xi32, #tpu.memory_space<vmem>> -> memref<1x128xi32, #tpu.memory_space<vmem>>
    %dma_start3A_53 = tpu.memref_squeeze %dma_start3A_52 : memref<1x128xi32, #tpu.memory_space<vmem>> -> memref<128xi32, #tpu.memory_space<vmem>>
    %dma_start3A_54 = arith.constant 0 : i32
    %dma_start3A_55 = arith.constant 0 : i32
    %dma_start3A_56 = tpu.memref_slice %arg6[%dma_start3A_54, %dma_start3A_55] : memref<1000000x32xf32, #tpu.memory_space<hbm>> -> memref<1000000x32xf32, #tpu.memory_space<hbm>>
    tpu.enqueue_indirect_dma source(%dma_start3A_56 : memref<1000000x32xf32, #tpu.memory_space<hbm>>) target(%arg18 : memref<128x32xf32, #tpu.memory_space<vmem>>) offsets(%dma_start3A_53 : memref<128xi32, #tpu.memory_space<vmem>>) semaphore(%arg21 : memref<!tpu.dma_semaphore, #tpu.memory_space<semaphore_mem>>)
    %dma_wait3A_57 = arith.constant 2 : i32
    %dma_wait3A_58 = arith.constant 0 : i32
    %dma_wait3A_59 = tpu.memref_slice %arg13[%dma_wait3A_57, %dma_wait3A_58] : memref<50x128xi32, #tpu.memory_space<vmem>> -> memref<1x128xi32, #tpu.memory_space<vmem>>
    %dma_wait3A_60 = tpu.memref_squeeze %dma_wait3A_59 : memref<1x128xi32, #tpu.memory_space<vmem>> -> memref<128xi32, #tpu.memory_space<vmem>>
    %dma_wait3A_61 = arith.constant 0 : i32
    %dma_wait3A_62 = arith.constant 0 : i32
    %dma_wait3A_63 = tpu.memref_slice %arg6[%dma_wait3A_61, %dma_wait3A_62] : memref<1000000x32xf32, #tpu.memory_space<hbm>> -> memref<1000000x32xf32, #tpu.memory_space<hbm>>
    tpu.wait_indirect_dma semaphore(%arg20 : memref<!tpu.dma_semaphore, #tpu.memory_space<semaphore_mem>>) src(%dma_wait3A_63 : memref<1000000x32xf32, #tpu.memory_space<hbm>>) dst(%arg17 : memref<128x32xf32, #tpu.memory_space<vmem>>)
    %scan3A_64 = arith.constant 0 : i32
    %scan3A_65 = arith.constant 0 : i32
    %scan3A_66 = arith.constant 128 : i32
    %scan3A_67 = arith.addi %scan3A_65, %scan3A_66 : i32
    %scan3A_68 = arith.constant 1 : i32
    scf.for %scan3A_1015 = %scan3A_65 to %scan3A_67 step %scan3A_68  : i32 {
      %get3A = arith.index_cast %scan3A_1015 : i32 to index
      %get3A_1016 = arith.constant 0 : index
      %get3A_1017 = tpu.vector_load %arg17[%get3A, %get3A_1016] {strides = array<i32>} : memref<128x32xf32, #tpu.memory_space<vmem>>, vector<1x16xf32>,
      %get3A_1018 = vector.shape_cast %get3A_1017 : vector<1x16xf32> to vector<16xf32>
      %swap3A = arith.index_cast %scan3A_1015 : i32 to index
      %swap3A_1019 = arith.constant 0 : index
      %swap3A_1020 = tpu.vector_load %arg19[%swap3A, %swap3A_1019] {strides = array<i32>} : memref<128x32xf32, #tpu.memory_space<vmem>>, vector<1x16xf32>,
      %swap3A_1021 = vector.shape_cast %swap3A_1020 : vector<1x16xf32> to vector<16xf32>
      %swap3A_1022 = vector.shape_cast %get3A_1018 : vector<16xf32> to vector<1x16xf32>
      tpu.vector_store %arg19[%swap3A, %swap3A_1019], %swap3A_1022 {add = true, strides = array<i32>} : memref<128x32xf32, #tpu.memory_space<vmem>>, vector<1x16xf32>,
      %get3A_1023 = arith.index_cast %scan3A_1015 : i32 to index
      %get3A_1024 = arith.constant 16 : index
      %get3A_1025 = tpu.vector_load %arg17[%get3A_1023, %get3A_1024] {strides = array<i32>} : memref<128x32xf32, #tpu.memory_space<vmem>>, vector<1x16xf32>,
      %get3A_1026 = vector.shape_cast %get3A_1025 : vector<1x16xf32> to vector<16xf32>
      %swap3A_1027 = arith.index_cast %scan3A_1015 : i32 to index
      %swap3A_1028 = arith.constant 16 : index
      %swap3A_1029 = tpu.vector_load %arg19[%swap3A_1027, %swap3A_1028] {strides = array<i32>} : memref<128x32xf32, #tpu.memory_space<vmem>>, vector<1x16xf32>,
      %swap3A_1030 = vector.shape_cast %swap3A_1029 : vector<1x16xf32> to vector<16xf32>
      %swap3A_1031 = vector.shape_cast %get3A_1026 : vector<16xf32> to vector<1x16xf32>
      tpu.vector_store %arg19[%swap3A_1027, %swap3A_1028], %swap3A_1031 {add = true, strides = array<i32>} : memref<128x32xf32, #tpu.memory_space<vmem>>, vector<1x16xf32>,
    }
    %scan3A_69 = arith.constant 128 : i32
    %dma_start3A_70 = arith.constant 4 : i32
    %dma_start3A_71 = arith.constant 0 : i32
    %dma_start3A_72 = tpu.memref_slice %arg13[%dma_start3A_70, %dma_start3A_71] : memref<50x128xi32, #tpu.memory_space<vmem>> -> memref<1x128xi32, #tpu.memory_space<vmem>>
    %dma_start3A_73 = tpu.memref_squeeze %dma_start3A_72 : memref<1x128xi32, #tpu.memory_space<vmem>> -> memref<128xi32, #tpu.memory_space<vmem>>
    %dma_start3A_74 = arith.constant 0 : i32
    %dma_start3A_75 = arith.constant 0 : i32
    %dma_start3A_76 = tpu.memref_slice %arg6[%dma_start3A_74, %dma_start3A_75] : memref<1000000x32xf32, #tpu.memory_space<hbm>> -> memref<1000000x32xf32, #tpu.memory_space<hbm>>
    tpu.enqueue_indirect_dma source(%dma_start3A_76 : memref<1000000x32xf32, #tpu.memory_space<hbm>>) target(%arg17 : memref<128x32xf32, #tpu.memory_space<vmem>>) offsets(%dma_start3A_73 : memref<128xi32, #tpu.memory_space<vmem>>) semaphore(%arg20 : memref<!tpu.dma_semaphore, #tpu.memory_space<semaphore_mem>>)
    %dma_wait3A_77 = arith.constant 3 : i32
    %dma_wait3A_78 = arith.constant 0 : i32
    %dma_wait3A_79 = tpu.memref_slice %arg13[%dma_wait3A_77, %dma_wait3A_78] : memref<50x128xi32, #tpu.memory_space<vmem>> -> memref<1x128xi32, #tpu.memory_space<vmem>>
    %dma_wait3A_80 = tpu.memref_squeeze %dma_wait3A_79 : memref<1x128xi32, #tpu.memory_space<vmem>> -> memref<128xi32, #tpu.memory_space<vmem>>
    %dma_wait3A_81 = arith.constant 0 : i32
    %dma_wait3A_82 = arith.constant 0 : i32
    %dma_wait3A_83 = tpu.memref_slice %arg6[%dma_wait3A_81, %dma_wait3A_82] : memref<1000000x32xf32, #tpu.memory_space<hbm>> -> memref<1000000x32xf32, #tpu.memory_space<hbm>>
    tpu.wait_indirect_dma semaphore(%arg21 : memref<!tpu.dma_semaphore, #tpu.memory_space<semaphore_mem>>) src(%dma_wait3A_83 : memref<1000000x32xf32, #tpu.memory_space<hbm>>) dst(%arg18 : memref<128x32xf32, #tpu.memory_space<vmem>>)
    %scan3A_84 = arith.constant 0 : i32
    %scan3A_85 = arith.constant 0 : i32
    %scan3A_86 = arith.constant 128 : i32
    %scan3A_87 = arith.addi %scan3A_85, %scan3A_86 : i32
    %scan3A_88 = arith.constant 1 : i32
    scf.for %scan3A_1015 = %scan3A_85 to %scan3A_87 step %scan3A_88  : i32 {
      %get3A = arith.index_cast %scan3A_1015 : i32 to index
      %get3A_1016 = arith.constant 0 : index
      %get3A_1017 = tpu.vector_load %arg18[%get3A, %get3A_1016] {strides = array<i32>} : memref<128x32xf32, #tpu.memory_space<vmem>>, vector<1x16xf32>,
      %get3A_1018 = vector.shape_cast %get3A_1017 : vector<1x16xf32> to vector<16xf32>
      %swap3A = arith.index_cast %scan3A_1015 : i32 to index
      %swap3A_1019 = arith.constant 0 : index
      %swap3A_1020 = tpu.vector_load %arg19[%swap3A, %swap3A_1019] {strides = array<i32>} : memref<128x32xf32, #tpu.memory_space<vmem>>, vector<1x16xf32>,
      %swap3A_1021 = vector.shape_cast %swap3A_1020 : vector<1x16xf32> to vector<16xf32>
      %swap3A_1022 = vector.shape_cast %get3A_1018 : vector<16xf32> to vector<1x16xf32>
      tpu.vector_store %arg19[%swap3A, %swap3A_1019], %swap3A_1022 {add = true, strides = array<i32>} : memref<128x32xf32, #tpu.memory_space<vmem>>, vector<1x16xf32>,
      %get3A_1023 = arith.index_cast %scan3A_1015 : i32 to index
      %get3A_1024 = arith.constant 16 : index
      %get3A_1025 = tpu.vector_load %arg18[%get3A_1023, %get3A_1024] {strides = array<i32>} : memref<128x32xf32, #tpu.memory_space<vmem>>, vector<1x16xf32>,
      %get3A_1026 = vector.shape_cast %get3A_1025 : vector<1x16xf32> to vector<16xf32>
      %swap3A_1027 = arith.index_cast %scan3A_1015 : i32 to index
      %swap3A_1028 = arith.constant 16 : index
      %swap3A_1029 = tpu.vector_load %arg19[%swap3A_1027, %swap3A_1028] {strides = array<i32>} : memref<128x32xf32, #tpu.memory_space<vmem>>, vector<1x16xf32>,
      %swap3A_1030 = vector.shape_cast %swap3A_1029 : vector<1x16xf32> to vector<16xf32>
      %swap3A_1031 = vector.shape_cast %get3A_1026 : vector<16xf32> to vector<1x16xf32>
      tpu.vector_store %arg19[%swap3A_1027, %swap3A_1028], %swap3A_1031 {add = true, strides = array<i32>} : memref<128x32xf32, #tpu.memory_space<vmem>>, vector<1x16xf32>,
    }
    %scan3A_89 = arith.constant 128 : i32
    %dma_start3A_90 = arith.constant 5 : i32
    %dma_start3A_91 = arith.constant 0 : i32
    %dma_start3A_92 = tpu.memref_slice %arg13[%dma_start3A_90, %dma_start3A_91] : memref<50x128xi32, #tpu.memory_space<vmem>> -> memref<1x128xi32, #tpu.memory_space<vmem>>
    %dma_start3A_93 = tpu.memref_squeeze %dma_start3A_92 : memref<1x128xi32, #tpu.memory_space<vmem>> -> memref<128xi32, #tpu.memory_space<vmem>>
    %dma_start3A_94 = arith.constant 0 : i32
    %dma_start3A_95 = arith.constant 0 : i32
    %dma_start3A_96 = tpu.memref_slice %arg6[%dma_start3A_94, %dma_start3A_95] : memref<1000000x32xf32, #tpu.memory_space<hbm>> -> memref<1000000x32xf32, #tpu.memory_space<hbm>>
    tpu.enqueue_indirect_dma source(%dma_start3A_96 : memref<1000000x32xf32, #tpu.memory_space<hbm>>) target(%arg18 : memref<128x32xf32, #tpu.memory_space<vmem>>) offsets(%dma_start3A_93 : memref<128xi32, #tpu.memory_space<vmem>>) semaphore(%arg21 : memref<!tpu.dma_semaphore, #tpu.memory_space<semaphore_mem>>)
    %dma_wait3A_97 = arith.constant 4 : i32
    %dma_wait3A_98 = arith.constant 0 : i32
    %dma_wait3A_99 = tpu.memref_slice %arg13[%dma_wait3A_97, %dma_wait3A_98] : memref<50x128xi32, #tpu.memory_space<vmem>> -> memref<1x128xi32, #tpu.memory_space<vmem>>
    %dma_wait3A_100 = tpu.memref_squeeze %dma_wait3A_99 : memref<1x128xi32, #tpu.memory_space<vmem>> -> memref<128xi32, #tpu.memory_space<vmem>>
    %dma_wait3A_101 = arith.constant 0 : i32
    %dma_wait3A_102 = arith.constant 0 : i32
    %dma_wait3A_103 = tpu.memref_slice %arg6[%dma_wait3A_101, %dma_wait3A_102] : memref<1000000x32xf32, #tpu.memory_space<hbm>> -> memref<1000000x32xf32, #tpu.memory_space<hbm>>
    tpu.wait_indirect_dma semaphore(%arg20 : memref<!tpu.dma_semaphore, #tpu.memory_space<semaphore_mem>>) src(%dma_wait3A_103 : memref<1000000x32xf32, #tpu.memory_space<hbm>>) dst(%arg17 : memref<128x32xf32, #tpu.memory_space<vmem>>)
    %scan3A_104 = arith.constant 0 : i32
    %scan3A_105 = arith.constant 0 : i32
    %scan3A_106 = arith.constant 128 : i32
    %scan3A_107 = arith.addi %scan3A_105, %scan3A_106 : i32
    %scan3A_108 = arith.constant 1 : i32
    scf.for %scan3A_1015 = %scan3A_105 to %scan3A_107 step %scan3A_108  : i32 {
      %get3A = arith.index_cast %scan3A_1015 : i32 to index
      %get3A_1016 = arith.constant 0 : index
      %get3A_1017 = tpu.vector_load %arg17[%get3A, %get3A_1016] {strides = array<i32>} : memref<128x32xf32, #tpu.memory_space<vmem>>, vector<1x16xf32>,
      %get3A_1018 = vector.shape_cast %get3A_1017 : vector<1x16xf32> to vector<16xf32>
      %swap3A = arith.index_cast %scan3A_1015 : i32 to index
      %swap3A_1019 = arith.constant 0 : index
      %swap3A_1020 = tpu.vector_load %arg19[%swap3A, %swap3A_1019] {strides = array<i32>} : memref<128x32xf32, #tpu.memory_space<vmem>>, vector<1x16xf32>,
      %swap3A_1021 = vector.shape_cast %swap3A_1020 : vector<1x16xf32> to vector<16xf32>
      %swap3A_1022 = vector.shape_cast %get3A_1018 : vector<16xf32> to vector<1x16xf32>
      tpu.vector_store %arg19[%swap3A, %swap3A_1019], %swap3A_1022 {add = true, strides = array<i32>} : memref<128x32xf32, #tpu.memory_space<vmem>>, vector<1x16xf32>,
      %get3A_1023 = arith.index_cast %scan3A_1015 : i32 to index
      %get3A_1024 = arith.constant 16 : index
      %get3A_1025 = tpu.vector_load %arg17[%get3A_1023, %get3A_1024] {strides = array<i32>} : memref<128x32xf32, #tpu.memory_space<vmem>>, vector<1x16xf32>,
      %get3A_1026 = vector.shape_cast %get3A_1025 : vector<1x16xf32> to vector<16xf32>
      %swap3A_1027 = arith.index_cast %scan3A_1015 : i32 to index
      %swap3A_1028 = arith.constant 16 : index
      %swap3A_1029 = tpu.vector_load %arg19[%swap3A_1027, %swap3A_1028] {strides = array<i32>} : memref<128x32xf32, #tpu.memory_space<vmem>>, vector<1x16xf32>,
      %swap3A_1030 = vector.shape_cast %swap3A_1029 : vector<1x16xf32> to vector<16xf32>
      %swap3A_1031 = vector.shape_cast %get3A_1026 : vector<16xf32> to vector<1x16xf32>
      tpu.vector_store %arg19[%swap3A_1027, %swap3A_1028], %swap3A_1031 {add = true, strides = array<i32>} : memref<128x32xf32, #tpu.memory_space<vmem>>, vector<1x16xf32>,
    }
    %scan3A_109 = arith.constant 128 : i32
    %dma_start3A_110 = arith.constant 6 : i32
    %dma_start3A_111 = arith.constant 0 : i32
    %dma_start3A_112 = tpu.memref_slice %arg13[%dma_start3A_110, %dma_start3A_111] : memref<50x128xi32, #tpu.memory_space<vmem>> -> memref<1x128xi32, #tpu.memory_space<vmem>>
    %dma_start3A_113 = tpu.memref_squeeze %dma_start3A_112 : memref<1x128xi32, #tpu.memory_space<vmem>> -> memref<128xi32, #tpu.memory_space<vmem>>
    %dma_start3A_114 = arith.constant 0 : i32
    %dma_start3A_115 = arith.constant 0 : i32
    %dma_start3A_116 = tpu.memref_slice %arg6[%dma_start3A_114, %dma_start3A_115] : memref<1000000x32xf32, #tpu.memory_space<hbm>> -> memref<1000000x32xf32, #tpu.memory_space<hbm>>
    tpu.enqueue_indirect_dma source(%dma_start3A_116 : memref<1000000x32xf32, #tpu.memory_space<hbm>>) target(%arg17 : memref<128x32xf32, #tpu.memory_space<vmem>>) offsets(%dma_start3A_113 : memref<128xi32, #tpu.memory_space<vmem>>) semaphore(%arg20 : memref<!tpu.dma_semaphore, #tpu.memory_space<semaphore_mem>>)
    %dma_wait3A_117 = arith.constant 5 : i32
    %dma_wait3A_118 = arith.constant 0 : i32
    %dma_wait3A_119 = tpu.memref_slice %arg13[%dma_wait3A_117, %dma_wait3A_118] : memref<50x128xi32, #tpu.memory_space<vmem>> -> memref<1x128xi32, #tpu.memory_space<vmem>>
    %dma_wait3A_120 = tpu.memref_squeeze %dma_wait3A_119 : memref<1x128xi32, #tpu.memory_space<vmem>> -> memref<128xi32, #tpu.memory_space<vmem>>
    %dma_wait3A_121 = arith.constant 0 : i32
    %dma_wait3A_122 = arith.constant 0 : i32
    %dma_wait3A_123 = tpu.memref_slice %arg6[%dma_wait3A_121, %dma_wait3A_122] : memref<1000000x32xf32, #tpu.memory_space<hbm>> -> memref<1000000x32xf32, #tpu.memory_space<hbm>>
    tpu.wait_indirect_dma semaphore(%arg21 : memref<!tpu.dma_semaphore, #tpu.memory_space<semaphore_mem>>) src(%dma_wait3A_123 : memref<1000000x32xf32, #tpu.memory_space<hbm>>) dst(%arg18 : memref<128x32xf32, #tpu.memory_space<vmem>>)
    %scan3A_124 = arith.constant 0 : i32
    %scan3A_125 = arith.constant 0 : i32
    %scan3A_126 = arith.constant 128 : i32
    %scan3A_127 = arith.addi %scan3A_125, %scan3A_126 : i32
    %scan3A_128 = arith.constant 1 : i32
    scf.for %scan3A_1015 = %scan3A_125 to %scan3A_127 step %scan3A_128  : i32 {
      %get3A = arith.index_cast %scan3A_1015 : i32 to index
      %get3A_1016 = arith.constant 0 : index
      %get3A_1017 = tpu.vector_load %arg18[%get3A, %get3A_1016] {strides = array<i32>} : memref<128x32xf32, #tpu.memory_space<vmem>>, vector<1x16xf32>,
      %get3A_1018 = vector.shape_cast %get3A_1017 : vector<1x16xf32> to vector<16xf32>
      %swap3A = arith.index_cast %scan3A_1015 : i32 to index
      %swap3A_1019 = arith.constant 0 : index
      %swap3A_1020 = tpu.vector_load %arg19[%swap3A, %swap3A_1019] {strides = array<i32>} : memref<128x32xf32, #tpu.memory_space<vmem>>, vector<1x16xf32>,
      %swap3A_1021 = vector.shape_cast %swap3A_1020 : vector<1x16xf32> to vector<16xf32>
      %swap3A_1022 = vector.shape_cast %get3A_1018 : vector<16xf32> to vector<1x16xf32>
      tpu.vector_store %arg19[%swap3A, %swap3A_1019], %swap3A_1022 {add = true, strides = array<i32>} : memref<128x32xf32, #tpu.memory_space<vmem>>, vector<1x16xf32>,
      %get3A_1023 = arith.index_cast %scan3A_1015 : i32 to index
      %get3A_1024 = arith.constant 16 : index
      %get3A_1025 = tpu.vector_load %arg18[%get3A_1023, %get3A_1024] {strides = array<i32>} : memref<128x32xf32, #tpu.memory_space<vmem>>, vector<1x16xf32>,
      %get3A_1026 = vector.shape_cast %get3A_1025 : vector<1x16xf32> to vector<16xf32>
      %swap3A_1027 = arith.index_cast %scan3A_1015 : i32 to index
      %swap3A_1028 = arith.constant 16 : index
      %swap3A_1029 = tpu.vector_load %arg19[%swap3A_1027, %swap3A_1028] {strides = array<i32>} : memref<128x32xf32, #tpu.memory_space<vmem>>, vector<1x16xf32>,
      %swap3A_1030 = vector.shape_cast %swap3A_1029 : vector<1x16xf32> to vector<16xf32>
      %swap3A_1031 = vector.shape_cast %get3A_1026 : vector<16xf32> to vector<1x16xf32>
      tpu.vector_store %arg19[%swap3A_1027, %swap3A_1028], %swap3A_1031 {add = true, strides = array<i32>} : memref<128x32xf32, #tpu.memory_space<vmem>>, vector<1x16xf32>,
    }
    %scan3A_129 = arith.constant 128 : i32
    %dma_start3A_130 = arith.constant 7 : i32
    %dma_start3A_131 = arith.constant 0 : i32
    %dma_start3A_132 = tpu.memref_slice %arg13[%dma_start3A_130, %dma_start3A_131] : memref<50x128xi32, #tpu.memory_space<vmem>> -> memref<1x128xi32, #tpu.memory_space<vmem>>
    %dma_start3A_133 = tpu.memref_squeeze %dma_start3A_132 : memref<1x128xi32, #tpu.memory_space<vmem>> -> memref<128xi32, #tpu.memory_space<vmem>>
    %dma_start3A_134 = arith.constant 0 : i32
    %dma_start3A_135 = arith.constant 0 : i32
    %dma_start3A_136 = tpu.memref_slice %arg6[%dma_start3A_134, %dma_start3A_135] : memref<1000000x32xf32, #tpu.memory_space<hbm>> -> memref<1000000x32xf32, #tpu.memory_space<hbm>>
    tpu.enqueue_indirect_dma source(%dma_start3A_136 : memref<1000000x32xf32, #tpu.memory_space<hbm>>) target(%arg18 : memref<128x32xf32, #tpu.memory_space<vmem>>) offsets(%dma_start3A_133 : memref<128xi32, #tpu.memory_space<vmem>>) semaphore(%arg21 : memref<!tpu.dma_semaphore, #tpu.memory_space<semaphore_mem>>)
    %dma_wait3A_137 = arith.constant 6 : i32
    %dma_wait3A_138 = arith.constant 0 : i32
    %dma_wait3A_139 = tpu.memref_slice %arg13[%dma_wait3A_137, %dma_wait3A_138] : memref<50x128xi32, #tpu.memory_space<vmem>> -> memref<1x128xi32, #tpu.memory_space<vmem>>
    %dma_wait3A_140 = tpu.memref_squeeze %dma_wait3A_139 : memref<1x128xi32, #tpu.memory_space<vmem>> -> memref<128xi32, #tpu.memory_space<vmem>>
    %dma_wait3A_141 = arith.constant 0 : i32
    %dma_wait3A_142 = arith.constant 0 : i32
    %dma_wait3A_143 = tpu.memref_slice %arg6[%dma_wait3A_141, %dma_wait3A_142] : memref<1000000x32xf32, #tpu.memory_space<hbm>> -> memref<1000000x32xf32, #tpu.memory_space<hbm>>
    tpu.wait_indirect_dma semaphore(%arg20 : memref<!tpu.dma_semaphore, #tpu.memory_space<semaphore_mem>>) src(%dma_wait3A_143 : memref<1000000x32xf32, #tpu.memory_space<hbm>>) dst(%arg17 : memref<128x32xf32, #tpu.memory_space<vmem>>)
    %scan3A_144 = arith.constant 0 : i32
    %scan3A_145 = arith.constant 0 : i32
    %scan3A_146 = arith.constant 128 : i32
    %scan3A_147 = arith.addi %scan3A_145, %scan3A_146 : i32
    %scan3A_148 = arith.constant 1 : i32
    scf.for %scan3A_1015 = %scan3A_145 to %scan3A_147 step %scan3A_148  : i32 {
      %get3A = arith.index_cast %scan3A_1015 : i32 to index
      %get3A_1016 = arith.constant 0 : index
      %get3A_1017 = tpu.vector_load %arg17[%get3A, %get3A_1016] {strides = array<i32>} : memref<128x32xf32, #tpu.memory_space<vmem>>, vector<1x16xf32>,
      %get3A_1018 = vector.shape_cast %get3A_1017 : vector<1x16xf32> to vector<16xf32>
      %swap3A = arith.index_cast %scan3A_1015 : i32 to index
      %swap3A_1019 = arith.constant 0 : index
      %swap3A_1020 = tpu.vector_load %arg19[%swap3A, %swap3A_1019] {strides = array<i32>} : memref<128x32xf32, #tpu.memory_space<vmem>>, vector<1x16xf32>,
      %swap3A_1021 = vector.shape_cast %swap3A_1020 : vector<1x16xf32> to vector<16xf32>
      %swap3A_1022 = vector.shape_cast %get3A_1018 : vector<16xf32> to vector<1x16xf32>
      tpu.vector_store %arg19[%swap3A, %swap3A_1019], %swap3A_1022 {add = true, strides = array<i32>} : memref<128x32xf32, #tpu.memory_space<vmem>>, vector<1x16xf32>,
      %get3A_1023 = arith.index_cast %scan3A_1015 : i32 to index
      %get3A_1024 = arith.constant 16 : index
      %get3A_1025 = tpu.vector_load %arg17[%get3A_1023, %get3A_1024] {strides = array<i32>} : memref<128x32xf32, #tpu.memory_space<vmem>>, vector<1x16xf32>,
      %get3A_1026 = vector.shape_cast %get3A_1025 : vector<1x16xf32> to vector<16xf32>
      %swap3A_1027 = arith.index_cast %scan3A_1015 : i32 to index
      %swap3A_1028 = arith.constant 16 : index
      %swap3A_1029 = tpu.vector_load %arg19[%swap3A_1027, %swap3A_1028] {strides = array<i32>} : memref<128x32xf32, #tpu.memory_space<vmem>>, vector<1x16xf32>,
      %swap3A_1030 = vector.shape_cast %swap3A_1029 : vector<1x16xf32> to vector<16xf32>
      %swap3A_1031 = vector.shape_cast %get3A_1026 : vector<16xf32> to vector<1x16xf32>
      tpu.vector_store %arg19[%swap3A_1027, %swap3A_1028], %swap3A_1031 {add = true, strides = array<i32>} : memref<128x32xf32, #tpu.memory_space<vmem>>, vector<1x16xf32>,
    }
    %scan3A_149 = arith.constant 128 : i32
    %dma_start3A_150 = arith.constant 8 : i32
    %dma_start3A_151 = arith.constant 0 : i32
    %dma_start3A_152 = tpu.memref_slice %arg13[%dma_start3A_150, %dma_start3A_151] : memref<50x128xi32, #tpu.memory_space<vmem>> -> memref<1x128xi32, #tpu.memory_space<vmem>>
    %dma_start3A_153 = tpu.memref_squeeze %dma_start3A_152 : memref<1x128xi32, #tpu.memory_space<vmem>> -> memref<128xi32, #tpu.memory_space<vmem>>
    %dma_start3A_154 = arith.constant 0 : i32
    %dma_start3A_155 = arith.constant 0 : i32
    %dma_start3A_156 = tpu.memref_slice %arg6[%dma_start3A_154, %dma_start3A_155] : memref<1000000x32xf32, #tpu.memory_space<hbm>> -> memref<1000000x32xf32, #tpu.memory_space<hbm>>
    tpu.enqueue_indirect_dma source(%dma_start3A_156 : memref<1000000x32xf32, #tpu.memory_space<hbm>>) target(%arg17 : memref<128x32xf32, #tpu.memory_space<vmem>>) offsets(%dma_start3A_153 : memref<128xi32, #tpu.memory_space<vmem>>) semaphore(%arg20 : memref<!tpu.dma_semaphore, #tpu.memory_space<semaphore_mem>>)
    %dma_wait3A_157 = arith.constant 7 : i32
    %dma_wait3A_158 = arith.constant 0 : i32
    %dma_wait3A_159 = tpu.memref_slice %arg13[%dma_wait3A_157, %dma_wait3A_158] : memref<50x128xi32, #tpu.memory_space<vmem>> -> memref<1x128xi32, #tpu.memory_space<vmem>>
    %dma_wait3A_160 = tpu.memref_squeeze %dma_wait3A_159 : memref<1x128xi32, #tpu.memory_space<vmem>> -> memref<128xi32, #tpu.memory_space<vmem>>
    %dma_wait3A_161 = arith.constant 0 : i32
    %dma_wait3A_162 = arith.constant 0 : i32
    %dma_wait3A_163 = tpu.memref_slice %arg6[%dma_wait3A_161, %dma_wait3A_162] : memref<1000000x32xf32, #tpu.memory_space<hbm>> -> memref<1000000x32xf32, #tpu.memory_space<hbm>>
    tpu.wait_indirect_dma semaphore(%arg21 : memref<!tpu.dma_semaphore, #tpu.memory_space<semaphore_mem>>) src(%dma_wait3A_163 : memref<1000000x32xf32, #tpu.memory_space<hbm>>) dst(%arg18 : memref<128x32xf32, #tpu.memory_space<vmem>>)
    %scan3A_164 = arith.constant 0 : i32
    %scan3A_165 = arith.constant 0 : i32
    %scan3A_166 = arith.constant 128 : i32
    %scan3A_167 = arith.addi %scan3A_165, %scan3A_166 : i32
    %scan3A_168 = arith.constant 1 : i32
    scf.for %scan3A_1015 = %scan3A_165 to %scan3A_167 step %scan3A_168  : i32 {
      %get3A = arith.index_cast %scan3A_1015 : i32 to index
      %get3A_1016 = arith.constant 0 : index
      %get3A_1017 = tpu.vector_load %arg18[%get3A, %get3A_1016] {strides = array<i32>} : memref<128x32xf32, #tpu.memory_space<vmem>>, vector<1x16xf32>,
      %get3A_1018 = vector.shape_cast %get3A_1017 : vector<1x16xf32> to vector<16xf32>
      %swap3A = arith.index_cast %scan3A_1015 : i32 to index
      %swap3A_1019 = arith.constant 0 : index
      %swap3A_1020 = tpu.vector_load %arg19[%swap3A, %swap3A_1019] {strides = array<i32>} : memref<128x32xf32, #tpu.memory_space<vmem>>, vector<1x16xf32>,
      %swap3A_1021 = vector.shape_cast %swap3A_1020 : vector<1x16xf32> to vector<16xf32>
      %swap3A_1022 = vector.shape_cast %get3A_1018 : vector<16xf32> to vector<1x16xf32>
      tpu.vector_store %arg19[%swap3A, %swap3A_1019], %swap3A_1022 {add = true, strides = array<i32>} : memref<128x32xf32, #tpu.memory_space<vmem>>, vector<1x16xf32>,
      %get3A_1023 = arith.index_cast %scan3A_1015 : i32 to index
      %get3A_1024 = arith.constant 16 : index
      %get3A_1025 = tpu.vector_load %arg18[%get3A_1023, %get3A_1024] {strides = array<i32>} : memref<128x32xf32, #tpu.memory_space<vmem>>, vector<1x16xf32>,
      %get3A_1026 = vector.shape_cast %get3A_1025 : vector<1x16xf32> to vector<16xf32>
      %swap3A_1027 = arith.index_cast %scan3A_1015 : i32 to index
      %swap3A_1028 = arith.constant 16 : index
      %swap3A_1029 = tpu.vector_load %arg19[%swap3A_1027, %swap3A_1028] {strides = array<i32>} : memref<128x32xf32, #tpu.memory_space<vmem>>, vector<1x16xf32>,
      %swap3A_1030 = vector.shape_cast %swap3A_1029 : vector<1x16xf32> to vector<16xf32>
      %swap3A_1031 = vector.shape_cast %get3A_1026 : vector<16xf32> to vector<1x16xf32>
      tpu.vector_store %arg19[%swap3A_1027, %swap3A_1028], %swap3A_1031 {add = true, strides = array<i32>} : memref<128x32xf32, #tpu.memory_space<vmem>>, vector<1x16xf32>,
    }
    %scan3A_169 = arith.constant 128 : i32
    %dma_start3A_170 = arith.constant 9 : i32
    %dma_start3A_171 = arith.constant 0 : i32
    %dma_start3A_172 = tpu.memref_slice %arg13[%dma_start3A_170, %dma_start3A_171] : memref<50x128xi32, #tpu.memory_space<vmem>> -> memref<1x128xi32, #tpu.memory_space<vmem>>
    %dma_start3A_173 = tpu.memref_squeeze %dma_start3A_172 : memref<1x128xi32, #tpu.memory_space<vmem>> -> memref<128xi32, #tpu.memory_space<vmem>>
    %dma_start3A_174 = arith.constant 0 : i32
    %dma_start3A_175 = arith.constant 0 : i32
    %dma_start3A_176 = tpu.memref_slice %arg6[%dma_start3A_174, %dma_start3A_175] : memref<1000000x32xf32, #tpu.memory_space<hbm>> -> memref<1000000x32xf32, #tpu.memory_space<hbm>>
    tpu.enqueue_indirect_dma source(%dma_start3A_176 : memref<1000000x32xf32, #tpu.memory_space<hbm>>) target(%arg18 : memref<128x32xf32, #tpu.memory_space<vmem>>) offsets(%dma_start3A_173 : memref<128xi32, #tpu.memory_space<vmem>>) semaphore(%arg21 : memref<!tpu.dma_semaphore, #tpu.memory_space<semaphore_mem>>)
    %dma_wait3A_177 = arith.constant 8 : i32
    %dma_wait3A_178 = arith.constant 0 : i32
    %dma_wait3A_179 = tpu.memref_slice %arg13[%dma_wait3A_177, %dma_wait3A_178] : memref<50x128xi32, #tpu.memory_space<vmem>> -> memref<1x128xi32, #tpu.memory_space<vmem>>
    %dma_wait3A_180 = tpu.memref_squeeze %dma_wait3A_179 : memref<1x128xi32, #tpu.memory_space<vmem>> -> memref<128xi32, #tpu.memory_space<vmem>>
    %dma_wait3A_181 = arith.constant 0 : i32
    %dma_wait3A_182 = arith.constant 0 : i32
    %dma_wait3A_183 = tpu.memref_slice %arg6[%dma_wait3A_181, %dma_wait3A_182] : memref<1000000x32xf32, #tpu.memory_space<hbm>> -> memref<1000000x32xf32, #tpu.memory_space<hbm>>
    tpu.wait_indirect_dma semaphore(%arg20 : memref<!tpu.dma_semaphore, #tpu.memory_space<semaphore_mem>>) src(%dma_wait3A_183 : memref<1000000x32xf32, #tpu.memory_space<hbm>>) dst(%arg17 : memref<128x32xf32, #tpu.memory_space<vmem>>)
    %scan3A_184 = arith.constant 0 : i32
    %scan3A_185 = arith.constant 0 : i32
    %scan3A_186 = arith.constant 128 : i32
    %scan3A_187 = arith.addi %scan3A_185, %scan3A_186 : i32
    %scan3A_188 = arith.constant 1 : i32
    scf.for %scan3A_1015 = %scan3A_185 to %scan3A_187 step %scan3A_188  : i32 {
      %get3A = arith.index_cast %scan3A_1015 : i32 to index
      %get3A_1016 = arith.constant 0 : index
      %get3A_1017 = tpu.vector_load %arg17[%get3A, %get3A_1016] {strides = array<i32>} : memref<128x32xf32, #tpu.memory_space<vmem>>, vector<1x16xf32>,
      %get3A_1018 = vector.shape_cast %get3A_1017 : vector<1x16xf32> to vector<16xf32>
      %swap3A = arith.index_cast %scan3A_1015 : i32 to index
      %swap3A_1019 = arith.constant 0 : index
      %swap3A_1020 = tpu.vector_load %arg19[%swap3A, %swap3A_1019] {strides = array<i32>} : memref<128x32xf32, #tpu.memory_space<vmem>>, vector<1x16xf32>,
      %swap3A_1021 = vector.shape_cast %swap3A_1020 : vector<1x16xf32> to vector<16xf32>
      %swap3A_1022 = vector.shape_cast %get3A_1018 : vector<16xf32> to vector<1x16xf32>
      tpu.vector_store %arg19[%swap3A, %swap3A_1019], %swap3A_1022 {add = true, strides = array<i32>} : memref<128x32xf32, #tpu.memory_space<vmem>>, vector<1x16xf32>,
      %get3A_1023 = arith.index_cast %scan3A_1015 : i32 to index
      %get3A_1024 = arith.constant 16 : index
      %get3A_1025 = tpu.vector_load %arg17[%get3A_1023, %get3A_1024] {strides = array<i32>} : memref<128x32xf32, #tpu.memory_space<vmem>>, vector<1x16xf32>,
      %get3A_1026 = vector.shape_cast %get3A_1025 : vector<1x16xf32> to vector<16xf32>
      %swap3A_1027 = arith.index_cast %scan3A_1015 : i32 to index
      %swap3A_1028 = arith.constant 16 : index
      %swap3A_1029 = tpu.vector_load %arg19[%swap3A_1027, %swap3A_1028] {strides = array<i32>} : memref<128x32xf32, #tpu.memory_space<vmem>>, vector<1x16xf32>,
      %swap3A_1030 = vector.shape_cast %swap3A_1029 : vector<1x16xf32> to vector<16xf32>
      %swap3A_1031 = vector.shape_cast %get3A_1026 : vector<16xf32> to vector<1x16xf32>
      tpu.vector_store %arg19[%swap3A_1027, %swap3A_1028], %swap3A_1031 {add = true, strides = array<i32>} : memref<128x32xf32, #tpu.memory_space<vmem>>, vector<1x16xf32>,
    }
    %scan3A_189 = arith.constant 128 : i32
    %dma_start3A_190 = arith.constant 10 : i32
    %dma_start3A_191 = arith.constant 0 : i32
    %dma_start3A_192 = tpu.memref_slice %arg13[%dma_start3A_190, %dma_start3A_191] : memref<50x128xi32, #tpu.memory_space<vmem>> -> memref<1x128xi32, #tpu.memory_space<vmem>>
    %dma_start3A_193 = tpu.memref_squeeze %dma_start3A_192 : memref<1x128xi32, #tpu.memory_space<vmem>> -> memref<128xi32, #tpu.memory_space<vmem>>
    %dma_start3A_194 = arith.constant 0 : i32
    %dma_start3A_195 = arith.constant 0 : i32
    %dma_start3A_196 = tpu.memref_slice %arg6[%dma_start3A_194, %dma_start3A_195] : memref<1000000x32xf32, #tpu.memory_space<hbm>> -> memref<1000000x32xf32, #tpu.memory_space<hbm>>
    tpu.enqueue_indirect_dma source(%dma_start3A_196 : memref<1000000x32xf32, #tpu.memory_space<hbm>>) target(%arg17 : memref<128x32xf32, #tpu.memory_space<vmem>>) offsets(%dma_start3A_193 : memref<128xi32, #tpu.memory_space<vmem>>) semaphore(%arg20 : memref<!tpu.dma_semaphore, #tpu.memory_space<semaphore_mem>>)
    %dma_wait3A_197 = arith.constant 9 : i32
    %dma_wait3A_198 = arith.constant 0 : i32
    %dma_wait3A_199 = tpu.memref_slice %arg13[%dma_wait3A_197, %dma_wait3A_198] : memref<50x128xi32, #tpu.memory_space<vmem>> -> memref<1x128xi32, #tpu.memory_space<vmem>>
    %dma_wait3A_200 = tpu.memref_squeeze %dma_wait3A_199 : memref<1x128xi32, #tpu.memory_space<vmem>> -> memref<128xi32, #tpu.memory_space<vmem>>
    %dma_wait3A_201 = arith.constant 0 : i32
    %dma_wait3A_202 = arith.constant 0 : i32
    %dma_wait3A_203 = tpu.memref_slice %arg6[%dma_wait3A_201, %dma_wait3A_202] : memref<1000000x32xf32, #tpu.memory_space<hbm>> -> memref<1000000x32xf32, #tpu.memory_space<hbm>>
    tpu.wait_indirect_dma semaphore(%arg21 : memref<!tpu.dma_semaphore, #tpu.memory_space<semaphore_mem>>) src(%dma_wait3A_203 : memref<1000000x32xf32, #tpu.memory_space<hbm>>) dst(%arg18 : memref<128x32xf32, #tpu.memory_space<vmem>>)
    %scan3A_204 = arith.constant 0 : i32
    %scan3A_205 = arith.constant 0 : i32
    %scan3A_206 = arith.constant 128 : i32
    %scan3A_207 = arith.addi %scan3A_205, %scan3A_206 : i32
    %scan3A_208 = arith.constant 1 : i32
    scf.for %scan3A_1015 = %scan3A_205 to %scan3A_207 step %scan3A_208  : i32 {
      %get3A = arith.index_cast %scan3A_1015 : i32 to index
      %get3A_1016 = arith.constant 0 : index
      %get3A_1017 = tpu.vector_load %arg18[%get3A, %get3A_1016] {strides = array<i32>} : memref<128x32xf32, #tpu.memory_space<vmem>>, vector<1x16xf32>,
      %get3A_1018 = vector.shape_cast %get3A_1017 : vector<1x16xf32> to vector<16xf32>
      %swap3A = arith.index_cast %scan3A_1015 : i32 to index
      %swap3A_1019 = arith.constant 0 : index
      %swap3A_1020 = tpu.vector_load %arg19[%swap3A, %swap3A_1019] {strides = array<i32>} : memref<128x32xf32, #tpu.memory_space<vmem>>, vector<1x16xf32>,
      %swap3A_1021 = vector.shape_cast %swap3A_1020 : vector<1x16xf32> to vector<16xf32>
      %swap3A_1022 = vector.shape_cast %get3A_1018 : vector<16xf32> to vector<1x16xf32>
      tpu.vector_store %arg19[%swap3A, %swap3A_1019], %swap3A_1022 {add = true, strides = array<i32>} : memref<128x32xf32, #tpu.memory_space<vmem>>, vector<1x16xf32>,
      %get3A_1023 = arith.index_cast %scan3A_1015 : i32 to index
      %get3A_1024 = arith.constant 16 : index
      %get3A_1025 = tpu.vector_load %arg18[%get3A_1023, %get3A_1024] {strides = array<i32>} : memref<128x32xf32, #tpu.memory_space<vmem>>, vector<1x16xf32>,
      %get3A_1026 = vector.shape_cast %get3A_1025 : vector<1x16xf32> to vector<16xf32>
      %swap3A_1027 = arith.index_cast %scan3A_1015 : i32 to index
      %swap3A_1028 = arith.constant 16 : index
      %swap3A_1029 = tpu.vector_load %arg19[%swap3A_1027, %swap3A_1028] {strides = array<i32>} : memref<128x32xf32, #tpu.memory_space<vmem>>, vector<1x16xf32>,
      %swap3A_1030 = vector.shape_cast %swap3A_1029 : vector<1x16xf32> to vector<16xf32>
      %swap3A_1031 = vector.shape_cast %get3A_1026 : vector<16xf32> to vector<1x16xf32>
      tpu.vector_store %arg19[%swap3A_1027, %swap3A_1028], %swap3A_1031 {add = true, strides = array<i32>} : memref<128x32xf32, #tpu.memory_space<vmem>>, vector<1x16xf32>,
    }
    %scan3A_209 = arith.constant 128 : i32
    %dma_start3A_210 = arith.constant 11 : i32
    %dma_start3A_211 = arith.constant 0 : i32
    %dma_start3A_212 = tpu.memref_slice %arg13[%dma_start3A_210, %dma_start3A_211] : memref<50x128xi32, #tpu.memory_space<vmem>> -> memref<1x128xi32, #tpu.memory_space<vmem>>
    %dma_start3A_213 = tpu.memref_squeeze %dma_start3A_212 : memref<1x128xi32, #tpu.memory_space<vmem>> -> memref<128xi32, #tpu.memory_space<vmem>>
    %dma_start3A_214 = arith.constant 0 : i32
    %dma_start3A_215 = arith.constant 0 : i32
    %dma_start3A_216 = tpu.memref_slice %arg6[%dma_start3A_214, %dma_start3A_215] : memref<1000000x32xf32, #tpu.memory_space<hbm>> -> memref<1000000x32xf32, #tpu.memory_space<hbm>>
    tpu.enqueue_indirect_dma source(%dma_start3A_216 : memref<1000000x32xf32, #tpu.memory_space<hbm>>) target(%arg18 : memref<128x32xf32, #tpu.memory_space<vmem>>) offsets(%dma_start3A_213 : memref<128xi32, #tpu.memory_space<vmem>>) semaphore(%arg21 : memref<!tpu.dma_semaphore, #tpu.memory_space<semaphore_mem>>)
    %dma_wait3A_217 = arith.constant 10 : i32
    %dma_wait3A_218 = arith.constant 0 : i32
    %dma_wait3A_219 = tpu.memref_slice %arg13[%dma_wait3A_217, %dma_wait3A_218] : memref<50x128xi32, #tpu.memory_space<vmem>> -> memref<1x128xi32, #tpu.memory_space<vmem>>
    %dma_wait3A_220 = tpu.memref_squeeze %dma_wait3A_219 : memref<1x128xi32, #tpu.memory_space<vmem>> -> memref<128xi32, #tpu.memory_space<vmem>>
    %dma_wait3A_221 = arith.constant 0 : i32
    %dma_wait3A_222 = arith.constant 0 : i32
    %dma_wait3A_223 = tpu.memref_slice %arg6[%dma_wait3A_221, %dma_wait3A_222] : memref<1000000x32xf32, #tpu.memory_space<hbm>> -> memref<1000000x32xf32, #tpu.memory_space<hbm>>
    tpu.wait_indirect_dma semaphore(%arg20 : memref<!tpu.dma_semaphore, #tpu.memory_space<semaphore_mem>>) src(%dma_wait3A_223 : memref<1000000x32xf32, #tpu.memory_space<hbm>>) dst(%arg17 : memref<128x32xf32, #tpu.memory_space<vmem>>)
    %scan3A_224 = arith.constant 0 : i32
    %scan3A_225 = arith.constant 0 : i32
    %scan3A_226 = arith.constant 128 : i32
    %scan3A_227 = arith.addi %scan3A_225, %scan3A_226 : i32
    %scan3A_228 = arith.constant 1 : i32
    scf.for %scan3A_1015 = %scan3A_225 to %scan3A_227 step %scan3A_228  : i32 {
      %get3A = arith.index_cast %scan3A_1015 : i32 to index
      %get3A_1016 = arith.constant 0 : index
      %get3A_1017 = tpu.vector_load %arg17[%get3A, %get3A_1016] {strides = array<i32>} : memref<128x32xf32, #tpu.memory_space<vmem>>, vector<1x16xf32>,
      %get3A_1018 = vector.shape_cast %get3A_1017 : vector<1x16xf32> to vector<16xf32>
      %swap3A = arith.index_cast %scan3A_1015 : i32 to index
      %swap3A_1019 = arith.constant 0 : index
      %swap3A_1020 = tpu.vector_load %arg19[%swap3A, %swap3A_1019] {strides = array<i32>} : memref<128x32xf32, #tpu.memory_space<vmem>>, vector<1x16xf32>,
      %swap3A_1021 = vector.shape_cast %swap3A_1020 : vector<1x16xf32> to vector<16xf32>
      %swap3A_1022 = vector.shape_cast %get3A_1018 : vector<16xf32> to vector<1x16xf32>
      tpu.vector_store %arg19[%swap3A, %swap3A_1019], %swap3A_1022 {add = true, strides = array<i32>} : memref<128x32xf32, #tpu.memory_space<vmem>>, vector<1x16xf32>,
      %get3A_1023 = arith.index_cast %scan3A_1015 : i32 to index
      %get3A_1024 = arith.constant 16 : index
      %get3A_1025 = tpu.vector_load %arg17[%get3A_1023, %get3A_1024] {strides = array<i32>} : memref<128x32xf32, #tpu.memory_space<vmem>>, vector<1x16xf32>,
      %get3A_1026 = vector.shape_cast %get3A_1025 : vector<1x16xf32> to vector<16xf32>
      %swap3A_1027 = arith.index_cast %scan3A_1015 : i32 to index
      %swap3A_1028 = arith.constant 16 : index
      %swap3A_1029 = tpu.vector_load %arg19[%swap3A_1027, %swap3A_1028] {strides = array<i32>} : memref<128x32xf32, #tpu.memory_space<vmem>>, vector<1x16xf32>,
      %swap3A_1030 = vector.shape_cast %swap3A_1029 : vector<1x16xf32> to vector<16xf32>
      %swap3A_1031 = vector.shape_cast %get3A_1026 : vector<16xf32> to vector<1x16xf32>
      tpu.vector_store %arg19[%swap3A_1027, %swap3A_1028], %swap3A_1031 {add = true, strides = array<i32>} : memref<128x32xf32, #tpu.memory_space<vmem>>, vector<1x16xf32>,
    }
    %scan3A_229 = arith.constant 128 : i32
    %dma_start3A_230 = arith.constant 12 : i32
    %dma_start3A_231 = arith.constant 0 : i32
    %dma_start3A_232 = tpu.memref_slice %arg13[%dma_start3A_230, %dma_start3A_231] : memref<50x128xi32, #tpu.memory_space<vmem>> -> memref<1x128xi32, #tpu.memory_space<vmem>>
    %dma_start3A_233 = tpu.memref_squeeze %dma_start3A_232 : memref<1x128xi32, #tpu.memory_space<vmem>> -> memref<128xi32, #tpu.memory_space<vmem>>
    %dma_start3A_234 = arith.constant 0 : i32
    %dma_start3A_235 = arith.constant 0 : i32
    %dma_start3A_236 = tpu.memref_slice %arg6[%dma_start3A_234, %dma_start3A_235] : memref<1000000x32xf32, #tpu.memory_space<hbm>> -> memref<1000000x32xf32, #tpu.memory_space<hbm>>
    tpu.enqueue_indirect_dma source(%dma_start3A_236 : memref<1000000x32xf32, #tpu.memory_space<hbm>>) target(%arg17 : memref<128x32xf32, #tpu.memory_space<vmem>>) offsets(%dma_start3A_233 : memref<128xi32, #tpu.memory_space<vmem>>) semaphore(%arg20 : memref<!tpu.dma_semaphore, #tpu.memory_space<semaphore_mem>>)
    %dma_wait3A_237 = arith.constant 11 : i32
    %dma_wait3A_238 = arith.constant 0 : i32
    %dma_wait3A_239 = tpu.memref_slice %arg13[%dma_wait3A_237, %dma_wait3A_238] : memref<50x128xi32, #tpu.memory_space<vmem>> -> memref<1x128xi32, #tpu.memory_space<vmem>>
    %dma_wait3A_240 = tpu.memref_squeeze %dma_wait3A_239 : memref<1x128xi32, #tpu.memory_space<vmem>> -> memref<128xi32, #tpu.memory_space<vmem>>
    %dma_wait3A_241 = arith.constant 0 : i32
    %dma_wait3A_242 = arith.constant 0 : i32
    %dma_wait3A_243 = tpu.memref_slice %arg6[%dma_wait3A_241, %dma_wait3A_242] : memref<1000000x32xf32, #tpu.memory_space<hbm>> -> memref<1000000x32xf32, #tpu.memory_space<hbm>>
    tpu.wait_indirect_dma semaphore(%arg21 : memref<!tpu.dma_semaphore, #tpu.memory_space<semaphore_mem>>) src(%dma_wait3A_243 : memref<1000000x32xf32, #tpu.memory_space<hbm>>) dst(%arg18 : memref<128x32xf32, #tpu.memory_space<vmem>>)
    %scan3A_244 = arith.constant 0 : i32
    %scan3A_245 = arith.constant 0 : i32
    %scan3A_246 = arith.constant 128 : i32
    %scan3A_247 = arith.addi %scan3A_245, %scan3A_246 : i32
    %scan3A_248 = arith.constant 1 : i32
    scf.for %scan3A_1015 = %scan3A_245 to %scan3A_247 step %scan3A_248  : i32 {
      %get3A = arith.index_cast %scan3A_1015 : i32 to index
      %get3A_1016 = arith.constant 0 : index
      %get3A_1017 = tpu.vector_load %arg18[%get3A, %get3A_1016] {strides = array<i32>} : memref<128x32xf32, #tpu.memory_space<vmem>>, vector<1x16xf32>,
      %get3A_1018 = vector.shape_cast %get3A_1017 : vector<1x16xf32> to vector<16xf32>
      %swap3A = arith.index_cast %scan3A_1015 : i32 to index
      %swap3A_1019 = arith.constant 0 : index
      %swap3A_1020 = tpu.vector_load %arg19[%swap3A, %swap3A_1019] {strides = array<i32>} : memref<128x32xf32, #tpu.memory_space<vmem>>, vector<1x16xf32>,
      %swap3A_1021 = vector.shape_cast %swap3A_1020 : vector<1x16xf32> to vector<16xf32>
      %swap3A_1022 = vector.shape_cast %get3A_1018 : vector<16xf32> to vector<1x16xf32>
      tpu.vector_store %arg19[%swap3A, %swap3A_1019], %swap3A_1022 {add = true, strides = array<i32>} : memref<128x32xf32, #tpu.memory_space<vmem>>, vector<1x16xf32>,
      %get3A_1023 = arith.index_cast %scan3A_1015 : i32 to index
      %get3A_1024 = arith.constant 16 : index
      %get3A_1025 = tpu.vector_load %arg18[%get3A_1023, %get3A_1024] {strides = array<i32>} : memref<128x32xf32, #tpu.memory_space<vmem>>, vector<1x16xf32>,
      %get3A_1026 = vector.shape_cast %get3A_1025 : vector<1x16xf32> to vector<16xf32>
      %swap3A_1027 = arith.index_cast %scan3A_1015 : i32 to index
      %swap3A_1028 = arith.constant 16 : index
      %swap3A_1029 = tpu.vector_load %arg19[%swap3A_1027, %swap3A_1028] {strides = array<i32>} : memref<128x32xf32, #tpu.memory_space<vmem>>, vector<1x16xf32>,
      %swap3A_1030 = vector.shape_cast %swap3A_1029 : vector<1x16xf32> to vector<16xf32>
      %swap3A_1031 = vector.shape_cast %get3A_1026 : vector<16xf32> to vector<1x16xf32>
      tpu.vector_store %arg19[%swap3A_1027, %swap3A_1028], %swap3A_1031 {add = true, strides = array<i32>} : memref<128x32xf32, #tpu.memory_space<vmem>>, vector<1x16xf32>,
    }
    %scan3A_249 = arith.constant 128 : i32
    %dma_start3A_250 = arith.constant 13 : i32
    %dma_start3A_251 = arith.constant 0 : i32
    %dma_start3A_252 = tpu.memref_slice %arg13[%dma_start3A_250, %dma_start3A_251] : memref<50x128xi32, #tpu.memory_space<vmem>> -> memref<1x128xi32, #tpu.memory_space<vmem>>
    %dma_start3A_253 = tpu.memref_squeeze %dma_start3A_252 : memref<1x128xi32, #tpu.memory_space<vmem>> -> memref<128xi32, #tpu.memory_space<vmem>>
    %dma_start3A_254 = arith.constant 0 : i32
    %dma_start3A_255 = arith.constant 0 : i32
    %dma_start3A_256 = tpu.memref_slice %arg6[%dma_start3A_254, %dma_start3A_255] : memref<1000000x32xf32, #tpu.memory_space<hbm>> -> memref<1000000x32xf32, #tpu.memory_space<hbm>>
    tpu.enqueue_indirect_dma source(%dma_start3A_256 : memref<1000000x32xf32, #tpu.memory_space<hbm>>) target(%arg18 : memref<128x32xf32, #tpu.memory_space<vmem>>) offsets(%dma_start3A_253 : memref<128xi32, #tpu.memory_space<vmem>>) semaphore(%arg21 : memref<!tpu.dma_semaphore, #tpu.memory_space<semaphore_mem>>)
    %dma_wait3A_257 = arith.constant 12 : i32
    %dma_wait3A_258 = arith.constant 0 : i32
    %dma_wait3A_259 = tpu.memref_slice %arg13[%dma_wait3A_257, %dma_wait3A_258] : memref<50x128xi32, #tpu.memory_space<vmem>> -> memref<1x128xi32, #tpu.memory_space<vmem>>
    %dma_wait3A_260 = tpu.memref_squeeze %dma_wait3A_259 : memref<1x128xi32, #tpu.memory_space<vmem>> -> memref<128xi32, #tpu.memory_space<vmem>>
    %dma_wait3A_261 = arith.constant 0 : i32
    %dma_wait3A_262 = arith.constant 0 : i32
    %dma_wait3A_263 = tpu.memref_slice %arg6[%dma_wait3A_261, %dma_wait3A_262] : memref<1000000x32xf32, #tpu.memory_space<hbm>> -> memref<1000000x32xf32, #tpu.memory_space<hbm>>
    tpu.wait_indirect_dma semaphore(%arg20 : memref<!tpu.dma_semaphore, #tpu.memory_space<semaphore_mem>>) src(%dma_wait3A_263 : memref<1000000x32xf32, #tpu.memory_space<hbm>>) dst(%arg17 : memref<128x32xf32, #tpu.memory_space<vmem>>)
    %scan3A_264 = arith.constant 0 : i32
    %scan3A_265 = arith.constant 0 : i32
    %scan3A_266 = arith.constant 128 : i32
    %scan3A_267 = arith.addi %scan3A_265, %scan3A_266 : i32
    %scan3A_268 = arith.constant 1 : i32
    scf.for %scan3A_1015 = %scan3A_265 to %scan3A_267 step %scan3A_268  : i32 {
      %get3A = arith.index_cast %scan3A_1015 : i32 to index
      %get3A_1016 = arith.constant 0 : index
      %get3A_1017 = tpu.vector_load %arg17[%get3A, %get3A_1016] {strides = array<i32>} : memref<128x32xf32, #tpu.memory_space<vmem>>, vector<1x16xf32>,
      %get3A_1018 = vector.shape_cast %get3A_1017 : vector<1x16xf32> to vector<16xf32>
      %swap3A = arith.index_cast %scan3A_1015 : i32 to index
      %swap3A_1019 = arith.constant 0 : index
      %swap3A_1020 = tpu.vector_load %arg19[%swap3A, %swap3A_1019] {strides = array<i32>} : memref<128x32xf32, #tpu.memory_space<vmem>>, vector<1x16xf32>,
      %swap3A_1021 = vector.shape_cast %swap3A_1020 : vector<1x16xf32> to vector<16xf32>
      %swap3A_1022 = vector.shape_cast %get3A_1018 : vector<16xf32> to vector<1x16xf32>
      tpu.vector_store %arg19[%swap3A, %swap3A_1019], %swap3A_1022 {add = true, strides = array<i32>} : memref<128x32xf32, #tpu.memory_space<vmem>>, vector<1x16xf32>,
      %get3A_1023 = arith.index_cast %scan3A_1015 : i32 to index
      %get3A_1024 = arith.constant 16 : index
      %get3A_1025 = tpu.vector_load %arg17[%get3A_1023, %get3A_1024] {strides = array<i32>} : memref<128x32xf32, #tpu.memory_space<vmem>>, vector<1x16xf32>,
      %get3A_1026 = vector.shape_cast %get3A_1025 : vector<1x16xf32> to vector<16xf32>
      %swap3A_1027 = arith.index_cast %scan3A_1015 : i32 to index
      %swap3A_1028 = arith.constant 16 : index
      %swap3A_1029 = tpu.vector_load %arg19[%swap3A_1027, %swap3A_1028] {strides = array<i32>} : memref<128x32xf32, #tpu.memory_space<vmem>>, vector<1x16xf32>,
      %swap3A_1030 = vector.shape_cast %swap3A_1029 : vector<1x16xf32> to vector<16xf32>
      %swap3A_1031 = vector.shape_cast %get3A_1026 : vector<16xf32> to vector<1x16xf32>
      tpu.vector_store %arg19[%swap3A_1027, %swap3A_1028], %swap3A_1031 {add = true, strides = array<i32>} : memref<128x32xf32, #tpu.memory_space<vmem>>, vector<1x16xf32>,
    }
    %scan3A_269 = arith.constant 128 : i32
    %dma_start3A_270 = arith.constant 14 : i32
    %dma_start3A_271 = arith.constant 0 : i32
    %dma_start3A_272 = tpu.memref_slice %arg13[%dma_start3A_270, %dma_start3A_271] : memref<50x128xi32, #tpu.memory_space<vmem>> -> memref<1x128xi32, #tpu.memory_space<vmem>>
    %dma_start3A_273 = tpu.memref_squeeze %dma_start3A_272 : memref<1x128xi32, #tpu.memory_space<vmem>> -> memref<128xi32, #tpu.memory_space<vmem>>
    %dma_start3A_274 = arith.constant 0 : i32
    %dma_start3A_275 = arith.constant 0 : i32
    %dma_start3A_276 = tpu.memref_slice %arg6[%dma_start3A_274, %dma_start3A_275] : memref<1000000x32xf32, #tpu.memory_space<hbm>> -> memref<1000000x32xf32, #tpu.memory_space<hbm>>
    tpu.enqueue_indirect_dma source(%dma_start3A_276 : memref<1000000x32xf32, #tpu.memory_space<hbm>>) target(%arg17 : memref<128x32xf32, #tpu.memory_space<vmem>>) offsets(%dma_start3A_273 : memref<128xi32, #tpu.memory_space<vmem>>) semaphore(%arg20 : memref<!tpu.dma_semaphore, #tpu.memory_space<semaphore_mem>>)
    %dma_wait3A_277 = arith.constant 13 : i32
    %dma_wait3A_278 = arith.constant 0 : i32
    %dma_wait3A_279 = tpu.memref_slice %arg13[%dma_wait3A_277, %dma_wait3A_278] : memref<50x128xi32, #tpu.memory_space<vmem>> -> memref<1x128xi32, #tpu.memory_space<vmem>>
    %dma_wait3A_280 = tpu.memref_squeeze %dma_wait3A_279 : memref<1x128xi32, #tpu.memory_space<vmem>> -> memref<128xi32, #tpu.memory_space<vmem>>
    %dma_wait3A_281 = arith.constant 0 : i32
    %dma_wait3A_282 = arith.constant 0 : i32
    %dma_wait3A_283 = tpu.memref_slice %arg6[%dma_wait3A_281, %dma_wait3A_282] : memref<1000000x32xf32, #tpu.memory_space<hbm>> -> memref<1000000x32xf32, #tpu.memory_space<hbm>>
    tpu.wait_indirect_dma semaphore(%arg21 : memref<!tpu.dma_semaphore, #tpu.memory_space<semaphore_mem>>) src(%dma_wait3A_283 : memref<1000000x32xf32, #tpu.memory_space<hbm>>) dst(%arg18 : memref<128x32xf32, #tpu.memory_space<vmem>>)
    %scan3A_284 = arith.constant 0 : i32
    %scan3A_285 = arith.constant 0 : i32
    %scan3A_286 = arith.constant 128 : i32
    %scan3A_287 = arith.addi %scan3A_285, %scan3A_286 : i32
    %scan3A_288 = arith.constant 1 : i32
    scf.for %scan3A_1015 = %scan3A_285 to %scan3A_287 step %scan3A_288  : i32 {
      %get3A = arith.index_cast %scan3A_1015 : i32 to index
      %get3A_1016 = arith.constant 0 : index
      %get3A_1017 = tpu.vector_load %arg18[%get3A, %get3A_1016] {strides = array<i32>} : memref<128x32xf32, #tpu.memory_space<vmem>>, vector<1x16xf32>,
      %get3A_1018 = vector.shape_cast %get3A_1017 : vector<1x16xf32> to vector<16xf32>
      %swap3A = arith.index_cast %scan3A_1015 : i32 to index
      %swap3A_1019 = arith.constant 0 : index
      %swap3A_1020 = tpu.vector_load %arg19[%swap3A, %swap3A_1019] {strides = array<i32>} : memref<128x32xf32, #tpu.memory_space<vmem>>, vector<1x16xf32>,
      %swap3A_1021 = vector.shape_cast %swap3A_1020 : vector<1x16xf32> to vector<16xf32>
      %swap3A_1022 = vector.shape_cast %get3A_1018 : vector<16xf32> to vector<1x16xf32>
      tpu.vector_store %arg19[%swap3A, %swap3A_1019], %swap3A_1022 {add = true, strides = array<i32>} : memref<128x32xf32, #tpu.memory_space<vmem>>, vector<1x16xf32>,
      %get3A_1023 = arith.index_cast %scan3A_1015 : i32 to index
      %get3A_1024 = arith.constant 16 : index
      %get3A_1025 = tpu.vector_load %arg18[%get3A_1023, %get3A_1024] {strides = array<i32>} : memref<128x32xf32, #tpu.memory_space<vmem>>, vector<1x16xf32>,
      %get3A_1026 = vector.shape_cast %get3A_1025 : vector<1x16xf32> to vector<16xf32>
      %swap3A_1027 = arith.index_cast %scan3A_1015 : i32 to index
      %swap3A_1028 = arith.constant 16 : index
      %swap3A_1029 = tpu.vector_load %arg19[%swap3A_1027, %swap3A_1028] {strides = array<i32>} : memref<128x32xf32, #tpu.memory_space<vmem>>, vector<1x16xf32>,
      %swap3A_1030 = vector.shape_cast %swap3A_1029 : vector<1x16xf32> to vector<16xf32>
      %swap3A_1031 = vector.shape_cast %get3A_1026 : vector<16xf32> to vector<1x16xf32>
      tpu.vector_store %arg19[%swap3A_1027, %swap3A_1028], %swap3A_1031 {add = true, strides = array<i32>} : memref<128x32xf32, #tpu.memory_space<vmem>>, vector<1x16xf32>,
    }
    %scan3A_289 = arith.constant 128 : i32
    %dma_start3A_290 = arith.constant 15 : i32
    %dma_start3A_291 = arith.constant 0 : i32
    %dma_start3A_292 = tpu.memref_slice %arg13[%dma_start3A_290, %dma_start3A_291] : memref<50x128xi32, #tpu.memory_space<vmem>> -> memref<1x128xi32, #tpu.memory_space<vmem>>
    %dma_start3A_293 = tpu.memref_squeeze %dma_start3A_292 : memref<1x128xi32, #tpu.memory_space<vmem>> -> memref<128xi32, #tpu.memory_space<vmem>>
    %dma_start3A_294 = arith.constant 0 : i32
    %dma_start3A_295 = arith.constant 0 : i32
    %dma_start3A_296 = tpu.memref_slice %arg6[%dma_start3A_294, %dma_start3A_295] : memref<1000000x32xf32, #tpu.memory_space<hbm>> -> memref<1000000x32xf32, #tpu.memory_space<hbm>>
    tpu.enqueue_indirect_dma source(%dma_start3A_296 : memref<1000000x32xf32, #tpu.memory_space<hbm>>) target(%arg18 : memref<128x32xf32, #tpu.memory_space<vmem>>) offsets(%dma_start3A_293 : memref<128xi32, #tpu.memory_space<vmem>>) semaphore(%arg21 : memref<!tpu.dma_semaphore, #tpu.memory_space<semaphore_mem>>)
    %dma_wait3A_297 = arith.constant 14 : i32
    %dma_wait3A_298 = arith.constant 0 : i32
    %dma_wait3A_299 = tpu.memref_slice %arg13[%dma_wait3A_297, %dma_wait3A_298] : memref<50x128xi32, #tpu.memory_space<vmem>> -> memref<1x128xi32, #tpu.memory_space<vmem>>
    %dma_wait3A_300 = tpu.memref_squeeze %dma_wait3A_299 : memref<1x128xi32, #tpu.memory_space<vmem>> -> memref<128xi32, #tpu.memory_space<vmem>>
    %dma_wait3A_301 = arith.constant 0 : i32
    %dma_wait3A_302 = arith.constant 0 : i32
    %dma_wait3A_303 = tpu.memref_slice %arg6[%dma_wait3A_301, %dma_wait3A_302] : memref<1000000x32xf32, #tpu.memory_space<hbm>> -> memref<1000000x32xf32, #tpu.memory_space<hbm>>
    tpu.wait_indirect_dma semaphore(%arg20 : memref<!tpu.dma_semaphore, #tpu.memory_space<semaphore_mem>>) src(%dma_wait3A_303 : memref<1000000x32xf32, #tpu.memory_space<hbm>>) dst(%arg17 : memref<128x32xf32, #tpu.memory_space<vmem>>)
    %scan3A_304 = arith.constant 0 : i32
    %scan3A_305 = arith.constant 0 : i32
    %scan3A_306 = arith.constant 128 : i32
    %scan3A_307 = arith.addi %scan3A_305, %scan3A_306 : i32
    %scan3A_308 = arith.constant 1 : i32
    scf.for %scan3A_1015 = %scan3A_305 to %scan3A_307 step %scan3A_308  : i32 {
      %get3A = arith.index_cast %scan3A_1015 : i32 to index
      %get3A_1016 = arith.constant 0 : index
      %get3A_1017 = tpu.vector_load %arg17[%get3A, %get3A_1016] {strides = array<i32>} : memref<128x32xf32, #tpu.memory_space<vmem>>, vector<1x16xf32>,
      %get3A_1018 = vector.shape_cast %get3A_1017 : vector<1x16xf32> to vector<16xf32>
      %swap3A = arith.index_cast %scan3A_1015 : i32 to index
      %swap3A_1019 = arith.constant 0 : index
      %swap3A_1020 = tpu.vector_load %arg19[%swap3A, %swap3A_1019] {strides = array<i32>} : memref<128x32xf32, #tpu.memory_space<vmem>>, vector<1x16xf32>,
      %swap3A_1021 = vector.shape_cast %swap3A_1020 : vector<1x16xf32> to vector<16xf32>
      %swap3A_1022 = vector.shape_cast %get3A_1018 : vector<16xf32> to vector<1x16xf32>
      tpu.vector_store %arg19[%swap3A, %swap3A_1019], %swap3A_1022 {add = true, strides = array<i32>} : memref<128x32xf32, #tpu.memory_space<vmem>>, vector<1x16xf32>,
      %get3A_1023 = arith.index_cast %scan3A_1015 : i32 to index
      %get3A_1024 = arith.constant 16 : index
      %get3A_1025 = tpu.vector_load %arg17[%get3A_1023, %get3A_1024] {strides = array<i32>} : memref<128x32xf32, #tpu.memory_space<vmem>>, vector<1x16xf32>,
      %get3A_1026 = vector.shape_cast %get3A_1025 : vector<1x16xf32> to vector<16xf32>
      %swap3A_1027 = arith.index_cast %scan3A_1015 : i32 to index
      %swap3A_1028 = arith.constant 16 : index
      %swap3A_1029 = tpu.vector_load %arg19[%swap3A_1027, %swap3A_1028] {strides = array<i32>} : memref<128x32xf32, #tpu.memory_space<vmem>>, vector<1x16xf32>,
      %swap3A_1030 = vector.shape_cast %swap3A_1029 : vector<1x16xf32> to vector<16xf32>
      %swap3A_1031 = vector.shape_cast %get3A_1026 : vector<16xf32> to vector<1x16xf32>
      tpu.vector_store %arg19[%swap3A_1027, %swap3A_1028], %swap3A_1031 {add = true, strides = array<i32>} : memref<128x32xf32, #tpu.memory_space<vmem>>, vector<1x16xf32>,
    }
    %scan3A_309 = arith.constant 128 : i32
    %dma_start3A_310 = arith.constant 16 : i32
    %dma_start3A_311 = arith.constant 0 : i32
    %dma_start3A_312 = tpu.memref_slice %arg13[%dma_start3A_310, %dma_start3A_311] : memref<50x128xi32, #tpu.memory_space<vmem>> -> memref<1x128xi32, #tpu.memory_space<vmem>>
    %dma_start3A_313 = tpu.memref_squeeze %dma_start3A_312 : memref<1x128xi32, #tpu.memory_space<vmem>> -> memref<128xi32, #tpu.memory_space<vmem>>
    %dma_start3A_314 = arith.constant 0 : i32
    %dma_start3A_315 = arith.constant 0 : i32
    %dma_start3A_316 = tpu.memref_slice %arg6[%dma_start3A_314, %dma_start3A_315] : memref<1000000x32xf32, #tpu.memory_space<hbm>> -> memref<1000000x32xf32, #tpu.memory_space<hbm>>
    tpu.enqueue_indirect_dma source(%dma_start3A_316 : memref<1000000x32xf32, #tpu.memory_space<hbm>>) target(%arg17 : memref<128x32xf32, #tpu.memory_space<vmem>>) offsets(%dma_start3A_313 : memref<128xi32, #tpu.memory_space<vmem>>) semaphore(%arg20 : memref<!tpu.dma_semaphore, #tpu.memory_space<semaphore_mem>>)
    %dma_wait3A_317 = arith.constant 15 : i32
    %dma_wait3A_318 = arith.constant 0 : i32
    %dma_wait3A_319 = tpu.memref_slice %arg13[%dma_wait3A_317, %dma_wait3A_318] : memref<50x128xi32, #tpu.memory_space<vmem>> -> memref<1x128xi32, #tpu.memory_space<vmem>>
    %dma_wait3A_320 = tpu.memref_squeeze %dma_wait3A_319 : memref<1x128xi32, #tpu.memory_space<vmem>> -> memref<128xi32, #tpu.memory_space<vmem>>
    %dma_wait3A_321 = arith.constant 0 : i32
    %dma_wait3A_322 = arith.constant 0 : i32
    %dma_wait3A_323 = tpu.memref_slice %arg6[%dma_wait3A_321, %dma_wait3A_322] : memref<1000000x32xf32, #tpu.memory_space<hbm>> -> memref<1000000x32xf32, #tpu.memory_space<hbm>>
    tpu.wait_indirect_dma semaphore(%arg21 : memref<!tpu.dma_semaphore, #tpu.memory_space<semaphore_mem>>) src(%dma_wait3A_323 : memref<1000000x32xf32, #tpu.memory_space<hbm>>) dst(%arg18 : memref<128x32xf32, #tpu.memory_space<vmem>>)
    %scan3A_324 = arith.constant 0 : i32
    %scan3A_325 = arith.constant 0 : i32
    %scan3A_326 = arith.constant 128 : i32
    %scan3A_327 = arith.addi %scan3A_325, %scan3A_326 : i32
    %scan3A_328 = arith.constant 1 : i32
    scf.for %scan3A_1015 = %scan3A_325 to %scan3A_327 step %scan3A_328  : i32 {
      %get3A = arith.index_cast %scan3A_1015 : i32 to index
      %get3A_1016 = arith.constant 0 : index
      %get3A_1017 = tpu.vector_load %arg18[%get3A, %get3A_1016] {strides = array<i32>} : memref<128x32xf32, #tpu.memory_space<vmem>>, vector<1x16xf32>,
      %get3A_1018 = vector.shape_cast %get3A_1017 : vector<1x16xf32> to vector<16xf32>
      %swap3A = arith.index_cast %scan3A_1015 : i32 to index
      %swap3A_1019 = arith.constant 0 : index
      %swap3A_1020 = tpu.vector_load %arg19[%swap3A, %swap3A_1019] {strides = array<i32>} : memref<128x32xf32, #tpu.memory_space<vmem>>, vector<1x16xf32>,
      %swap3A_1021 = vector.shape_cast %swap3A_1020 : vector<1x16xf32> to vector<16xf32>
      %swap3A_1022 = vector.shape_cast %get3A_1018 : vector<16xf32> to vector<1x16xf32>
      tpu.vector_store %arg19[%swap3A, %swap3A_1019], %swap3A_1022 {add = true, strides = array<i32>} : memref<128x32xf32, #tpu.memory_space<vmem>>, vector<1x16xf32>,
      %get3A_1023 = arith.index_cast %scan3A_1015 : i32 to index
      %get3A_1024 = arith.constant 16 : index
      %get3A_1025 = tpu.vector_load %arg18[%get3A_1023, %get3A_1024] {strides = array<i32>} : memref<128x32xf32, #tpu.memory_space<vmem>>, vector<1x16xf32>,
      %get3A_1026 = vector.shape_cast %get3A_1025 : vector<1x16xf32> to vector<16xf32>
      %swap3A_1027 = arith.index_cast %scan3A_1015 : i32 to index
      %swap3A_1028 = arith.constant 16 : index
      %swap3A_1029 = tpu.vector_load %arg19[%swap3A_1027, %swap3A_1028] {strides = array<i32>} : memref<128x32xf32, #tpu.memory_space<vmem>>, vector<1x16xf32>,
      %swap3A_1030 = vector.shape_cast %swap3A_1029 : vector<1x16xf32> to vector<16xf32>
      %swap3A_1031 = vector.shape_cast %get3A_1026 : vector<16xf32> to vector<1x16xf32>
      tpu.vector_store %arg19[%swap3A_1027, %swap3A_1028], %swap3A_1031 {add = true, strides = array<i32>} : memref<128x32xf32, #tpu.memory_space<vmem>>, vector<1x16xf32>,
    }
    %scan3A_329 = arith.constant 128 : i32
    %dma_start3A_330 = arith.constant 17 : i32
    %dma_start3A_331 = arith.constant 0 : i32
    %dma_start3A_332 = tpu.memref_slice %arg13[%dma_start3A_330, %dma_start3A_331] : memref<50x128xi32, #tpu.memory_space<vmem>> -> memref<1x128xi32, #tpu.memory_space<vmem>>
    %dma_start3A_333 = tpu.memref_squeeze %dma_start3A_332 : memref<1x128xi32, #tpu.memory_space<vmem>> -> memref<128xi32, #tpu.memory_space<vmem>>
    %dma_start3A_334 = arith.constant 0 : i32
    %dma_start3A_335 = arith.constant 0 : i32
    %dma_start3A_336 = tpu.memref_slice %arg6[%dma_start3A_334, %dma_start3A_335] : memref<1000000x32xf32, #tpu.memory_space<hbm>> -> memref<1000000x32xf32, #tpu.memory_space<hbm>>
    tpu.enqueue_indirect_dma source(%dma_start3A_336 : memref<1000000x32xf32, #tpu.memory_space<hbm>>) target(%arg18 : memref<128x32xf32, #tpu.memory_space<vmem>>) offsets(%dma_start3A_333 : memref<128xi32, #tpu.memory_space<vmem>>) semaphore(%arg21 : memref<!tpu.dma_semaphore, #tpu.memory_space<semaphore_mem>>)
    %dma_wait3A_337 = arith.constant 16 : i32
    %dma_wait3A_338 = arith.constant 0 : i32
    %dma_wait3A_339 = tpu.memref_slice %arg13[%dma_wait3A_337, %dma_wait3A_338] : memref<50x128xi32, #tpu.memory_space<vmem>> -> memref<1x128xi32, #tpu.memory_space<vmem>>
    %dma_wait3A_340 = tpu.memref_squeeze %dma_wait3A_339 : memref<1x128xi32, #tpu.memory_space<vmem>> -> memref<128xi32, #tpu.memory_space<vmem>>
    %dma_wait3A_341 = arith.constant 0 : i32
    %dma_wait3A_342 = arith.constant 0 : i32
    %dma_wait3A_343 = tpu.memref_slice %arg6[%dma_wait3A_341, %dma_wait3A_342] : memref<1000000x32xf32, #tpu.memory_space<hbm>> -> memref<1000000x32xf32, #tpu.memory_space<hbm>>
    tpu.wait_indirect_dma semaphore(%arg20 : memref<!tpu.dma_semaphore, #tpu.memory_space<semaphore_mem>>) src(%dma_wait3A_343 : memref<1000000x32xf32, #tpu.memory_space<hbm>>) dst(%arg17 : memref<128x32xf32, #tpu.memory_space<vmem>>)
    %scan3A_344 = arith.constant 0 : i32
    %scan3A_345 = arith.constant 0 : i32
    %scan3A_346 = arith.constant 128 : i32
    %scan3A_347 = arith.addi %scan3A_345, %scan3A_346 : i32
    %scan3A_348 = arith.constant 1 : i32
    scf.for %scan3A_1015 = %scan3A_345 to %scan3A_347 step %scan3A_348  : i32 {
      %get3A = arith.index_cast %scan3A_1015 : i32 to index
      %get3A_1016 = arith.constant 0 : index
      %get3A_1017 = tpu.vector_load %arg17[%get3A, %get3A_1016] {strides = array<i32>} : memref<128x32xf32, #tpu.memory_space<vmem>>, vector<1x16xf32>,
      %get3A_1018 = vector.shape_cast %get3A_1017 : vector<1x16xf32> to vector<16xf32>
      %swap3A = arith.index_cast %scan3A_1015 : i32 to index
      %swap3A_1019 = arith.constant 0 : index
      %swap3A_1020 = tpu.vector_load %arg19[%swap3A, %swap3A_1019] {strides = array<i32>} : memref<128x32xf32, #tpu.memory_space<vmem>>, vector<1x16xf32>,
      %swap3A_1021 = vector.shape_cast %swap3A_1020 : vector<1x16xf32> to vector<16xf32>
      %swap3A_1022 = vector.shape_cast %get3A_1018 : vector<16xf32> to vector<1x16xf32>
      tpu.vector_store %arg19[%swap3A, %swap3A_1019], %swap3A_1022 {add = true, strides = array<i32>} : memref<128x32xf32, #tpu.memory_space<vmem>>, vector<1x16xf32>,
      %get3A_1023 = arith.index_cast %scan3A_1015 : i32 to index
      %get3A_1024 = arith.constant 16 : index
      %get3A_1025 = tpu.vector_load %arg17[%get3A_1023, %get3A_1024] {strides = array<i32>} : memref<128x32xf32, #tpu.memory_space<vmem>>, vector<1x16xf32>,
      %get3A_1026 = vector.shape_cast %get3A_1025 : vector<1x16xf32> to vector<16xf32>
      %swap3A_1027 = arith.index_cast %scan3A_1015 : i32 to index
      %swap3A_1028 = arith.constant 16 : index
      %swap3A_1029 = tpu.vector_load %arg19[%swap3A_1027, %swap3A_1028] {strides = array<i32>} : memref<128x32xf32, #tpu.memory_space<vmem>>, vector<1x16xf32>,
      %swap3A_1030 = vector.shape_cast %swap3A_1029 : vector<1x16xf32> to vector<16xf32>
      %swap3A_1031 = vector.shape_cast %get3A_1026 : vector<16xf32> to vector<1x16xf32>
      tpu.vector_store %arg19[%swap3A_1027, %swap3A_1028], %swap3A_1031 {add = true, strides = array<i32>} : memref<128x32xf32, #tpu.memory_space<vmem>>, vector<1x16xf32>,
    }
    %scan3A_349 = arith.constant 128 : i32
    %dma_start3A_350 = arith.constant 18 : i32
    %dma_start3A_351 = arith.constant 0 : i32
    %dma_start3A_352 = tpu.memref_slice %arg13[%dma_start3A_350, %dma_start3A_351] : memref<50x128xi32, #tpu.memory_space<vmem>> -> memref<1x128xi32, #tpu.memory_space<vmem>>
    %dma_start3A_353 = tpu.memref_squeeze %dma_start3A_352 : memref<1x128xi32, #tpu.memory_space<vmem>> -> memref<128xi32, #tpu.memory_space<vmem>>
    %dma_start3A_354 = arith.constant 0 : i32
    %dma_start3A_355 = arith.constant 0 : i32
    %dma_start3A_356 = tpu.memref_slice %arg6[%dma_start3A_354, %dma_start3A_355] : memref<1000000x32xf32, #tpu.memory_space<hbm>> -> memref<1000000x32xf32, #tpu.memory_space<hbm>>
    tpu.enqueue_indirect_dma source(%dma_start3A_356 : memref<1000000x32xf32, #tpu.memory_space<hbm>>) target(%arg17 : memref<128x32xf32, #tpu.memory_space<vmem>>) offsets(%dma_start3A_353 : memref<128xi32, #tpu.memory_space<vmem>>) semaphore(%arg20 : memref<!tpu.dma_semaphore, #tpu.memory_space<semaphore_mem>>)
    %dma_wait3A_357 = arith.constant 17 : i32
    %dma_wait3A_358 = arith.constant 0 : i32
    %dma_wait3A_359 = tpu.memref_slice %arg13[%dma_wait3A_357, %dma_wait3A_358] : memref<50x128xi32, #tpu.memory_space<vmem>> -> memref<1x128xi32, #tpu.memory_space<vmem>>
    %dma_wait3A_360 = tpu.memref_squeeze %dma_wait3A_359 : memref<1x128xi32, #tpu.memory_space<vmem>> -> memref<128xi32, #tpu.memory_space<vmem>>
    %dma_wait3A_361 = arith.constant 0 : i32
    %dma_wait3A_362 = arith.constant 0 : i32
    %dma_wait3A_363 = tpu.memref_slice %arg6[%dma_wait3A_361, %dma_wait3A_362] : memref<1000000x32xf32, #tpu.memory_space<hbm>> -> memref<1000000x32xf32, #tpu.memory_space<hbm>>
    tpu.wait_indirect_dma semaphore(%arg21 : memref<!tpu.dma_semaphore, #tpu.memory_space<semaphore_mem>>) src(%dma_wait3A_363 : memref<1000000x32xf32, #tpu.memory_space<hbm>>) dst(%arg18 : memref<128x32xf32, #tpu.memory_space<vmem>>)
    %scan3A_364 = arith.constant 0 : i32
    %scan3A_365 = arith.constant 0 : i32
    %scan3A_366 = arith.constant 128 : i32
    %scan3A_367 = arith.addi %scan3A_365, %scan3A_366 : i32
    %scan3A_368 = arith.constant 1 : i32
    scf.for %scan3A_1015 = %scan3A_365 to %scan3A_367 step %scan3A_368  : i32 {
      %get3A = arith.index_cast %scan3A_1015 : i32 to index
      %get3A_1016 = arith.constant 0 : index
      %get3A_1017 = tpu.vector_load %arg18[%get3A, %get3A_1016] {strides = array<i32>} : memref<128x32xf32, #tpu.memory_space<vmem>>, vector<1x16xf32>,
      %get3A_1018 = vector.shape_cast %get3A_1017 : vector<1x16xf32> to vector<16xf32>
      %swap3A = arith.index_cast %scan3A_1015 : i32 to index
      %swap3A_1019 = arith.constant 0 : index
      %swap3A_1020 = tpu.vector_load %arg19[%swap3A, %swap3A_1019] {strides = array<i32>} : memref<128x32xf32, #tpu.memory_space<vmem>>, vector<1x16xf32>,
      %swap3A_1021 = vector.shape_cast %swap3A_1020 : vector<1x16xf32> to vector<16xf32>
      %swap3A_1022 = vector.shape_cast %get3A_1018 : vector<16xf32> to vector<1x16xf32>
      tpu.vector_store %arg19[%swap3A, %swap3A_1019], %swap3A_1022 {add = true, strides = array<i32>} : memref<128x32xf32, #tpu.memory_space<vmem>>, vector<1x16xf32>,
      %get3A_1023 = arith.index_cast %scan3A_1015 : i32 to index
      %get3A_1024 = arith.constant 16 : index
      %get3A_1025 = tpu.vector_load %arg18[%get3A_1023, %get3A_1024] {strides = array<i32>} : memref<128x32xf32, #tpu.memory_space<vmem>>, vector<1x16xf32>,
      %get3A_1026 = vector.shape_cast %get3A_1025 : vector<1x16xf32> to vector<16xf32>
      %swap3A_1027 = arith.index_cast %scan3A_1015 : i32 to index
      %swap3A_1028 = arith.constant 16 : index
      %swap3A_1029 = tpu.vector_load %arg19[%swap3A_1027, %swap3A_1028] {strides = array<i32>} : memref<128x32xf32, #tpu.memory_space<vmem>>, vector<1x16xf32>,
      %swap3A_1030 = vector.shape_cast %swap3A_1029 : vector<1x16xf32> to vector<16xf32>
      %swap3A_1031 = vector.shape_cast %get3A_1026 : vector<16xf32> to vector<1x16xf32>
      tpu.vector_store %arg19[%swap3A_1027, %swap3A_1028], %swap3A_1031 {add = true, strides = array<i32>} : memref<128x32xf32, #tpu.memory_space<vmem>>, vector<1x16xf32>,
    }
    %scan3A_369 = arith.constant 128 : i32
    %dma_start3A_370 = arith.constant 19 : i32
    %dma_start3A_371 = arith.constant 0 : i32
    %dma_start3A_372 = tpu.memref_slice %arg13[%dma_start3A_370, %dma_start3A_371] : memref<50x128xi32, #tpu.memory_space<vmem>> -> memref<1x128xi32, #tpu.memory_space<vmem>>
    %dma_start3A_373 = tpu.memref_squeeze %dma_start3A_372 : memref<1x128xi32, #tpu.memory_space<vmem>> -> memref<128xi32, #tpu.memory_space<vmem>>
    %dma_start3A_374 = arith.constant 0 : i32
    %dma_start3A_375 = arith.constant 0 : i32
    %dma_start3A_376 = tpu.memref_slice %arg6[%dma_start3A_374, %dma_start3A_375] : memref<1000000x32xf32, #tpu.memory_space<hbm>> -> memref<1000000x32xf32, #tpu.memory_space<hbm>>
    tpu.enqueue_indirect_dma source(%dma_start3A_376 : memref<1000000x32xf32, #tpu.memory_space<hbm>>) target(%arg18 : memref<128x32xf32, #tpu.memory_space<vmem>>) offsets(%dma_start3A_373 : memref<128xi32, #tpu.memory_space<vmem>>) semaphore(%arg21 : memref<!tpu.dma_semaphore, #tpu.memory_space<semaphore_mem>>)
    %dma_wait3A_377 = arith.constant 18 : i32
    %dma_wait3A_378 = arith.constant 0 : i32
    %dma_wait3A_379 = tpu.memref_slice %arg13[%dma_wait3A_377, %dma_wait3A_378] : memref<50x128xi32, #tpu.memory_space<vmem>> -> memref<1x128xi32, #tpu.memory_space<vmem>>
    %dma_wait3A_380 = tpu.memref_squeeze %dma_wait3A_379 : memref<1x128xi32, #tpu.memory_space<vmem>> -> memref<128xi32, #tpu.memory_space<vmem>>
    %dma_wait3A_381 = arith.constant 0 : i32
    %dma_wait3A_382 = arith.constant 0 : i32
    %dma_wait3A_383 = tpu.memref_slice %arg6[%dma_wait3A_381, %dma_wait3A_382] : memref<1000000x32xf32, #tpu.memory_space<hbm>> -> memref<1000000x32xf32, #tpu.memory_space<hbm>>
    tpu.wait_indirect_dma semaphore(%arg20 : memref<!tpu.dma_semaphore, #tpu.memory_space<semaphore_mem>>) src(%dma_wait3A_383 : memref<1000000x32xf32, #tpu.memory_space<hbm>>) dst(%arg17 : memref<128x32xf32, #tpu.memory_space<vmem>>)
    %scan3A_384 = arith.constant 0 : i32
    %scan3A_385 = arith.constant 0 : i32
    %scan3A_386 = arith.constant 128 : i32
    %scan3A_387 = arith.addi %scan3A_385, %scan3A_386 : i32
    %scan3A_388 = arith.constant 1 : i32
    scf.for %scan3A_1015 = %scan3A_385 to %scan3A_387 step %scan3A_388  : i32 {
      %get3A = arith.index_cast %scan3A_1015 : i32 to index
      %get3A_1016 = arith.constant 0 : index
      %get3A_1017 = tpu.vector_load %arg17[%get3A, %get3A_1016] {strides = array<i32>} : memref<128x32xf32, #tpu.memory_space<vmem>>, vector<1x16xf32>,
      %get3A_1018 = vector.shape_cast %get3A_1017 : vector<1x16xf32> to vector<16xf32>
      %swap3A = arith.index_cast %scan3A_1015 : i32 to index
      %swap3A_1019 = arith.constant 0 : index
      %swap3A_1020 = tpu.vector_load %arg19[%swap3A, %swap3A_1019] {strides = array<i32>} : memref<128x32xf32, #tpu.memory_space<vmem>>, vector<1x16xf32>,
      %swap3A_1021 = vector.shape_cast %swap3A_1020 : vector<1x16xf32> to vector<16xf32>
      %swap3A_1022 = vector.shape_cast %get3A_1018 : vector<16xf32> to vector<1x16xf32>
      tpu.vector_store %arg19[%swap3A, %swap3A_1019], %swap3A_1022 {add = true, strides = array<i32>} : memref<128x32xf32, #tpu.memory_space<vmem>>, vector<1x16xf32>,
      %get3A_1023 = arith.index_cast %scan3A_1015 : i32 to index
      %get3A_1024 = arith.constant 16 : index
      %get3A_1025 = tpu.vector_load %arg17[%get3A_1023, %get3A_1024] {strides = array<i32>} : memref<128x32xf32, #tpu.memory_space<vmem>>, vector<1x16xf32>,
      %get3A_1026 = vector.shape_cast %get3A_1025 : vector<1x16xf32> to vector<16xf32>
      %swap3A_1027 = arith.index_cast %scan3A_1015 : i32 to index
      %swap3A_1028 = arith.constant 16 : index
      %swap3A_1029 = tpu.vector_load %arg19[%swap3A_1027, %swap3A_1028] {strides = array<i32>} : memref<128x32xf32, #tpu.memory_space<vmem>>, vector<1x16xf32>,
      %swap3A_1030 = vector.shape_cast %swap3A_1029 : vector<1x16xf32> to vector<16xf32>
      %swap3A_1031 = vector.shape_cast %get3A_1026 : vector<16xf32> to vector<1x16xf32>
      tpu.vector_store %arg19[%swap3A_1027, %swap3A_1028], %swap3A_1031 {add = true, strides = array<i32>} : memref<128x32xf32, #tpu.memory_space<vmem>>, vector<1x16xf32>,
    }
    %scan3A_389 = arith.constant 128 : i32
    %dma_start3A_390 = arith.constant 20 : i32
    %dma_start3A_391 = arith.constant 0 : i32
    %dma_start3A_392 = tpu.memref_slice %arg13[%dma_start3A_390, %dma_start3A_391] : memref<50x128xi32, #tpu.memory_space<vmem>> -> memref<1x128xi32, #tpu.memory_space<vmem>>
    %dma_start3A_393 = tpu.memref_squeeze %dma_start3A_392 : memref<1x128xi32, #tpu.memory_space<vmem>> -> memref<128xi32, #tpu.memory_space<vmem>>
    %dma_start3A_394 = arith.constant 0 : i32
    %dma_start3A_395 = arith.constant 0 : i32
    %dma_start3A_396 = tpu.memref_slice %arg6[%dma_start3A_394, %dma_start3A_395] : memref<1000000x32xf32, #tpu.memory_space<hbm>> -> memref<1000000x32xf32, #tpu.memory_space<hbm>>
    tpu.enqueue_indirect_dma source(%dma_start3A_396 : memref<1000000x32xf32, #tpu.memory_space<hbm>>) target(%arg17 : memref<128x32xf32, #tpu.memory_space<vmem>>) offsets(%dma_start3A_393 : memref<128xi32, #tpu.memory_space<vmem>>) semaphore(%arg20 : memref<!tpu.dma_semaphore, #tpu.memory_space<semaphore_mem>>)
    %dma_wait3A_397 = arith.constant 19 : i32
    %dma_wait3A_398 = arith.constant 0 : i32
    %dma_wait3A_399 = tpu.memref_slice %arg13[%dma_wait3A_397, %dma_wait3A_398] : memref<50x128xi32, #tpu.memory_space<vmem>> -> memref<1x128xi32, #tpu.memory_space<vmem>>
    %dma_wait3A_400 = tpu.memref_squeeze %dma_wait3A_399 : memref<1x128xi32, #tpu.memory_space<vmem>> -> memref<128xi32, #tpu.memory_space<vmem>>
    %dma_wait3A_401 = arith.constant 0 : i32
    %dma_wait3A_402 = arith.constant 0 : i32
    %dma_wait3A_403 = tpu.memref_slice %arg6[%dma_wait3A_401, %dma_wait3A_402] : memref<1000000x32xf32, #tpu.memory_space<hbm>> -> memref<1000000x32xf32, #tpu.memory_space<hbm>>
    tpu.wait_indirect_dma semaphore(%arg21 : memref<!tpu.dma_semaphore, #tpu.memory_space<semaphore_mem>>) src(%dma_wait3A_403 : memref<1000000x32xf32, #tpu.memory_space<hbm>>) dst(%arg18 : memref<128x32xf32, #tpu.memory_space<vmem>>)
    %scan3A_404 = arith.constant 0 : i32
    %scan3A_405 = arith.constant 0 : i32
    %scan3A_406 = arith.constant 128 : i32
    %scan3A_407 = arith.addi %scan3A_405, %scan3A_406 : i32
    %scan3A_408 = arith.constant 1 : i32
    scf.for %scan3A_1015 = %scan3A_405 to %scan3A_407 step %scan3A_408  : i32 {
      %get3A = arith.index_cast %scan3A_1015 : i32 to index
      %get3A_1016 = arith.constant 0 : index
      %get3A_1017 = tpu.vector_load %arg18[%get3A, %get3A_1016] {strides = array<i32>} : memref<128x32xf32, #tpu.memory_space<vmem>>, vector<1x16xf32>,
      %get3A_1018 = vector.shape_cast %get3A_1017 : vector<1x16xf32> to vector<16xf32>
      %swap3A = arith.index_cast %scan3A_1015 : i32 to index
      %swap3A_1019 = arith.constant 0 : index
      %swap3A_1020 = tpu.vector_load %arg19[%swap3A, %swap3A_1019] {strides = array<i32>} : memref<128x32xf32, #tpu.memory_space<vmem>>, vector<1x16xf32>,
      %swap3A_1021 = vector.shape_cast %swap3A_1020 : vector<1x16xf32> to vector<16xf32>
      %swap3A_1022 = vector.shape_cast %get3A_1018 : vector<16xf32> to vector<1x16xf32>
      tpu.vector_store %arg19[%swap3A, %swap3A_1019], %swap3A_1022 {add = true, strides = array<i32>} : memref<128x32xf32, #tpu.memory_space<vmem>>, vector<1x16xf32>,
      %get3A_1023 = arith.index_cast %scan3A_1015 : i32 to index
      %get3A_1024 = arith.constant 16 : index
      %get3A_1025 = tpu.vector_load %arg18[%get3A_1023, %get3A_1024] {strides = array<i32>} : memref<128x32xf32, #tpu.memory_space<vmem>>, vector<1x16xf32>,
      %get3A_1026 = vector.shape_cast %get3A_1025 : vector<1x16xf32> to vector<16xf32>
      %swap3A_1027 = arith.index_cast %scan3A_1015 : i32 to index
      %swap3A_1028 = arith.constant 16 : index
      %swap3A_1029 = tpu.vector_load %arg19[%swap3A_1027, %swap3A_1028] {strides = array<i32>} : memref<128x32xf32, #tpu.memory_space<vmem>>, vector<1x16xf32>,
      %swap3A_1030 = vector.shape_cast %swap3A_1029 : vector<1x16xf32> to vector<16xf32>
      %swap3A_1031 = vector.shape_cast %get3A_1026 : vector<16xf32> to vector<1x16xf32>
      tpu.vector_store %arg19[%swap3A_1027, %swap3A_1028], %swap3A_1031 {add = true, strides = array<i32>} : memref<128x32xf32, #tpu.memory_space<vmem>>, vector<1x16xf32>,
    }
    %scan3A_409 = arith.constant 128 : i32
    %dma_start3A_410 = arith.constant 21 : i32
    %dma_start3A_411 = arith.constant 0 : i32
    %dma_start3A_412 = tpu.memref_slice %arg13[%dma_start3A_410, %dma_start3A_411] : memref<50x128xi32, #tpu.memory_space<vmem>> -> memref<1x128xi32, #tpu.memory_space<vmem>>
    %dma_start3A_413 = tpu.memref_squeeze %dma_start3A_412 : memref<1x128xi32, #tpu.memory_space<vmem>> -> memref<128xi32, #tpu.memory_space<vmem>>
    %dma_start3A_414 = arith.constant 0 : i32
    %dma_start3A_415 = arith.constant 0 : i32
    %dma_start3A_416 = tpu.memref_slice %arg6[%dma_start3A_414, %dma_start3A_415] : memref<1000000x32xf32, #tpu.memory_space<hbm>> -> memref<1000000x32xf32, #tpu.memory_space<hbm>>
    tpu.enqueue_indirect_dma source(%dma_start3A_416 : memref<1000000x32xf32, #tpu.memory_space<hbm>>) target(%arg18 : memref<128x32xf32, #tpu.memory_space<vmem>>) offsets(%dma_start3A_413 : memref<128xi32, #tpu.memory_space<vmem>>) semaphore(%arg21 : memref<!tpu.dma_semaphore, #tpu.memory_space<semaphore_mem>>)
    %dma_wait3A_417 = arith.constant 20 : i32
    %dma_wait3A_418 = arith.constant 0 : i32
    %dma_wait3A_419 = tpu.memref_slice %arg13[%dma_wait3A_417, %dma_wait3A_418] : memref<50x128xi32, #tpu.memory_space<vmem>> -> memref<1x128xi32, #tpu.memory_space<vmem>>
    %dma_wait3A_420 = tpu.memref_squeeze %dma_wait3A_419 : memref<1x128xi32, #tpu.memory_space<vmem>> -> memref<128xi32, #tpu.memory_space<vmem>>
    %dma_wait3A_421 = arith.constant 0 : i32
    %dma_wait3A_422 = arith.constant 0 : i32
    %dma_wait3A_423 = tpu.memref_slice %arg6[%dma_wait3A_421, %dma_wait3A_422] : memref<1000000x32xf32, #tpu.memory_space<hbm>> -> memref<1000000x32xf32, #tpu.memory_space<hbm>>
    tpu.wait_indirect_dma semaphore(%arg20 : memref<!tpu.dma_semaphore, #tpu.memory_space<semaphore_mem>>) src(%dma_wait3A_423 : memref<1000000x32xf32, #tpu.memory_space<hbm>>) dst(%arg17 : memref<128x32xf32, #tpu.memory_space<vmem>>)
    %scan3A_424 = arith.constant 0 : i32
    %scan3A_425 = arith.constant 0 : i32
    %scan3A_426 = arith.constant 128 : i32
    %scan3A_427 = arith.addi %scan3A_425, %scan3A_426 : i32
    %scan3A_428 = arith.constant 1 : i32
    scf.for %scan3A_1015 = %scan3A_425 to %scan3A_427 step %scan3A_428  : i32 {
      %get3A = arith.index_cast %scan3A_1015 : i32 to index
      %get3A_1016 = arith.constant 0 : index
      %get3A_1017 = tpu.vector_load %arg17[%get3A, %get3A_1016] {strides = array<i32>} : memref<128x32xf32, #tpu.memory_space<vmem>>, vector<1x16xf32>,
      %get3A_1018 = vector.shape_cast %get3A_1017 : vector<1x16xf32> to vector<16xf32>
      %swap3A = arith.index_cast %scan3A_1015 : i32 to index
      %swap3A_1019 = arith.constant 0 : index
      %swap3A_1020 = tpu.vector_load %arg19[%swap3A, %swap3A_1019] {strides = array<i32>} : memref<128x32xf32, #tpu.memory_space<vmem>>, vector<1x16xf32>,
      %swap3A_1021 = vector.shape_cast %swap3A_1020 : vector<1x16xf32> to vector<16xf32>
      %swap3A_1022 = vector.shape_cast %get3A_1018 : vector<16xf32> to vector<1x16xf32>
      tpu.vector_store %arg19[%swap3A, %swap3A_1019], %swap3A_1022 {add = true, strides = array<i32>} : memref<128x32xf32, #tpu.memory_space<vmem>>, vector<1x16xf32>,
      %get3A_1023 = arith.index_cast %scan3A_1015 : i32 to index
      %get3A_1024 = arith.constant 16 : index
      %get3A_1025 = tpu.vector_load %arg17[%get3A_1023, %get3A_1024] {strides = array<i32>} : memref<128x32xf32, #tpu.memory_space<vmem>>, vector<1x16xf32>,
      %get3A_1026 = vector.shape_cast %get3A_1025 : vector<1x16xf32> to vector<16xf32>
      %swap3A_1027 = arith.index_cast %scan3A_1015 : i32 to index
      %swap3A_1028 = arith.constant 16 : index
      %swap3A_1029 = tpu.vector_load %arg19[%swap3A_1027, %swap3A_1028] {strides = array<i32>} : memref<128x32xf32, #tpu.memory_space<vmem>>, vector<1x16xf32>,
      %swap3A_1030 = vector.shape_cast %swap3A_1029 : vector<1x16xf32> to vector<16xf32>
      %swap3A_1031 = vector.shape_cast %get3A_1026 : vector<16xf32> to vector<1x16xf32>
      tpu.vector_store %arg19[%swap3A_1027, %swap3A_1028], %swap3A_1031 {add = true, strides = array<i32>} : memref<128x32xf32, #tpu.memory_space<vmem>>, vector<1x16xf32>,
    }
    %scan3A_429 = arith.constant 128 : i32
    %dma_start3A_430 = arith.constant 22 : i32
    %dma_start3A_431 = arith.constant 0 : i32
    %dma_start3A_432 = tpu.memref_slice %arg13[%dma_start3A_430, %dma_start3A_431] : memref<50x128xi32, #tpu.memory_space<vmem>> -> memref<1x128xi32, #tpu.memory_space<vmem>>
    %dma_start3A_433 = tpu.memref_squeeze %dma_start3A_432 : memref<1x128xi32, #tpu.memory_space<vmem>> -> memref<128xi32, #tpu.memory_space<vmem>>
    %dma_start3A_434 = arith.constant 0 : i32
    %dma_start3A_435 = arith.constant 0 : i32
    %dma_start3A_436 = tpu.memref_slice %arg6[%dma_start3A_434, %dma_start3A_435] : memref<1000000x32xf32, #tpu.memory_space<hbm>> -> memref<1000000x32xf32, #tpu.memory_space<hbm>>
    tpu.enqueue_indirect_dma source(%dma_start3A_436 : memref<1000000x32xf32, #tpu.memory_space<hbm>>) target(%arg17 : memref<128x32xf32, #tpu.memory_space<vmem>>) offsets(%dma_start3A_433 : memref<128xi32, #tpu.memory_space<vmem>>) semaphore(%arg20 : memref<!tpu.dma_semaphore, #tpu.memory_space<semaphore_mem>>)
    %dma_wait3A_437 = arith.constant 21 : i32
    %dma_wait3A_438 = arith.constant 0 : i32
    %dma_wait3A_439 = tpu.memref_slice %arg13[%dma_wait3A_437, %dma_wait3A_438] : memref<50x128xi32, #tpu.memory_space<vmem>> -> memref<1x128xi32, #tpu.memory_space<vmem>>
    %dma_wait3A_440 = tpu.memref_squeeze %dma_wait3A_439 : memref<1x128xi32, #tpu.memory_space<vmem>> -> memref<128xi32, #tpu.memory_space<vmem>>
    %dma_wait3A_441 = arith.constant 0 : i32
    %dma_wait3A_442 = arith.constant 0 : i32
    %dma_wait3A_443 = tpu.memref_slice %arg6[%dma_wait3A_441, %dma_wait3A_442] : memref<1000000x32xf32, #tpu.memory_space<hbm>> -> memref<1000000x32xf32, #tpu.memory_space<hbm>>
    tpu.wait_indirect_dma semaphore(%arg21 : memref<!tpu.dma_semaphore, #tpu.memory_space<semaphore_mem>>) src(%dma_wait3A_443 : memref<1000000x32xf32, #tpu.memory_space<hbm>>) dst(%arg18 : memref<128x32xf32, #tpu.memory_space<vmem>>)
    %scan3A_444 = arith.constant 0 : i32
    %scan3A_445 = arith.constant 0 : i32
    %scan3A_446 = arith.constant 128 : i32
    %scan3A_447 = arith.addi %scan3A_445, %scan3A_446 : i32
    %scan3A_448 = arith.constant 1 : i32
    scf.for %scan3A_1015 = %scan3A_445 to %scan3A_447 step %scan3A_448  : i32 {
      %get3A = arith.index_cast %scan3A_1015 : i32 to index
      %get3A_1016 = arith.constant 0 : index
      %get3A_1017 = tpu.vector_load %arg18[%get3A, %get3A_1016] {strides = array<i32>} : memref<128x32xf32, #tpu.memory_space<vmem>>, vector<1x16xf32>,
      %get3A_1018 = vector.shape_cast %get3A_1017 : vector<1x16xf32> to vector<16xf32>
      %swap3A = arith.index_cast %scan3A_1015 : i32 to index
      %swap3A_1019 = arith.constant 0 : index
      %swap3A_1020 = tpu.vector_load %arg19[%swap3A, %swap3A_1019] {strides = array<i32>} : memref<128x32xf32, #tpu.memory_space<vmem>>, vector<1x16xf32>,
      %swap3A_1021 = vector.shape_cast %swap3A_1020 : vector<1x16xf32> to vector<16xf32>
      %swap3A_1022 = vector.shape_cast %get3A_1018 : vector<16xf32> to vector<1x16xf32>
      tpu.vector_store %arg19[%swap3A, %swap3A_1019], %swap3A_1022 {add = true, strides = array<i32>} : memref<128x32xf32, #tpu.memory_space<vmem>>, vector<1x16xf32>,
      %get3A_1023 = arith.index_cast %scan3A_1015 : i32 to index
      %get3A_1024 = arith.constant 16 : index
      %get3A_1025 = tpu.vector_load %arg18[%get3A_1023, %get3A_1024] {strides = array<i32>} : memref<128x32xf32, #tpu.memory_space<vmem>>, vector<1x16xf32>,
      %get3A_1026 = vector.shape_cast %get3A_1025 : vector<1x16xf32> to vector<16xf32>
      %swap3A_1027 = arith.index_cast %scan3A_1015 : i32 to index
      %swap3A_1028 = arith.constant 16 : index
      %swap3A_1029 = tpu.vector_load %arg19[%swap3A_1027, %swap3A_1028] {strides = array<i32>} : memref<128x32xf32, #tpu.memory_space<vmem>>, vector<1x16xf32>,
      %swap3A_1030 = vector.shape_cast %swap3A_1029 : vector<1x16xf32> to vector<16xf32>
      %swap3A_1031 = vector.shape_cast %get3A_1026 : vector<16xf32> to vector<1x16xf32>
      tpu.vector_store %arg19[%swap3A_1027, %swap3A_1028], %swap3A_1031 {add = true, strides = array<i32>} : memref<128x32xf32, #tpu.memory_space<vmem>>, vector<1x16xf32>,
    }
    %scan3A_449 = arith.constant 128 : i32
    %dma_start3A_450 = arith.constant 23 : i32
    %dma_start3A_451 = arith.constant 0 : i32
    %dma_start3A_452 = tpu.memref_slice %arg13[%dma_start3A_450, %dma_start3A_451] : memref<50x128xi32, #tpu.memory_space<vmem>> -> memref<1x128xi32, #tpu.memory_space<vmem>>
    %dma_start3A_453 = tpu.memref_squeeze %dma_start3A_452 : memref<1x128xi32, #tpu.memory_space<vmem>> -> memref<128xi32, #tpu.memory_space<vmem>>
    %dma_start3A_454 = arith.constant 0 : i32
    %dma_start3A_455 = arith.constant 0 : i32
    %dma_start3A_456 = tpu.memref_slice %arg6[%dma_start3A_454, %dma_start3A_455] : memref<1000000x32xf32, #tpu.memory_space<hbm>> -> memref<1000000x32xf32, #tpu.memory_space<hbm>>
    tpu.enqueue_indirect_dma source(%dma_start3A_456 : memref<1000000x32xf32, #tpu.memory_space<hbm>>) target(%arg18 : memref<128x32xf32, #tpu.memory_space<vmem>>) offsets(%dma_start3A_453 : memref<128xi32, #tpu.memory_space<vmem>>) semaphore(%arg21 : memref<!tpu.dma_semaphore, #tpu.memory_space<semaphore_mem>>)
    %dma_wait3A_457 = arith.constant 22 : i32
    %dma_wait3A_458 = arith.constant 0 : i32
    %dma_wait3A_459 = tpu.memref_slice %arg13[%dma_wait3A_457, %dma_wait3A_458] : memref<50x128xi32, #tpu.memory_space<vmem>> -> memref<1x128xi32, #tpu.memory_space<vmem>>
    %dma_wait3A_460 = tpu.memref_squeeze %dma_wait3A_459 : memref<1x128xi32, #tpu.memory_space<vmem>> -> memref<128xi32, #tpu.memory_space<vmem>>
    %dma_wait3A_461 = arith.constant 0 : i32
    %dma_wait3A_462 = arith.constant 0 : i32
    %dma_wait3A_463 = tpu.memref_slice %arg6[%dma_wait3A_461, %dma_wait3A_462] : memref<1000000x32xf32, #tpu.memory_space<hbm>> -> memref<1000000x32xf32, #tpu.memory_space<hbm>>
    tpu.wait_indirect_dma semaphore(%arg20 : memref<!tpu.dma_semaphore, #tpu.memory_space<semaphore_mem>>) src(%dma_wait3A_463 : memref<1000000x32xf32, #tpu.memory_space<hbm>>) dst(%arg17 : memref<128x32xf32, #tpu.memory_space<vmem>>)
    %scan3A_464 = arith.constant 0 : i32
    %scan3A_465 = arith.constant 0 : i32
    %scan3A_466 = arith.constant 128 : i32
    %scan3A_467 = arith.addi %scan3A_465, %scan3A_466 : i32
    %scan3A_468 = arith.constant 1 : i32
    scf.for %scan3A_1015 = %scan3A_465 to %scan3A_467 step %scan3A_468  : i32 {
      %get3A = arith.index_cast %scan3A_1015 : i32 to index
      %get3A_1016 = arith.constant 0 : index
      %get3A_1017 = tpu.vector_load %arg17[%get3A, %get3A_1016] {strides = array<i32>} : memref<128x32xf32, #tpu.memory_space<vmem>>, vector<1x16xf32>,
      %get3A_1018 = vector.shape_cast %get3A_1017 : vector<1x16xf32> to vector<16xf32>
      %swap3A = arith.index_cast %scan3A_1015 : i32 to index
      %swap3A_1019 = arith.constant 0 : index
      %swap3A_1020 = tpu.vector_load %arg19[%swap3A, %swap3A_1019] {strides = array<i32>} : memref<128x32xf32, #tpu.memory_space<vmem>>, vector<1x16xf32>,
      %swap3A_1021 = vector.shape_cast %swap3A_1020 : vector<1x16xf32> to vector<16xf32>
      %swap3A_1022 = vector.shape_cast %get3A_1018 : vector<16xf32> to vector<1x16xf32>
      tpu.vector_store %arg19[%swap3A, %swap3A_1019], %swap3A_1022 {add = true, strides = array<i32>} : memref<128x32xf32, #tpu.memory_space<vmem>>, vector<1x16xf32>,
      %get3A_1023 = arith.index_cast %scan3A_1015 : i32 to index
      %get3A_1024 = arith.constant 16 : index
      %get3A_1025 = tpu.vector_load %arg17[%get3A_1023, %get3A_1024] {strides = array<i32>} : memref<128x32xf32, #tpu.memory_space<vmem>>, vector<1x16xf32>,
      %get3A_1026 = vector.shape_cast %get3A_1025 : vector<1x16xf32> to vector<16xf32>
      %swap3A_1027 = arith.index_cast %scan3A_1015 : i32 to index
      %swap3A_1028 = arith.constant 16 : index
      %swap3A_1029 = tpu.vector_load %arg19[%swap3A_1027, %swap3A_1028] {strides = array<i32>} : memref<128x32xf32, #tpu.memory_space<vmem>>, vector<1x16xf32>,
      %swap3A_1030 = vector.shape_cast %swap3A_1029 : vector<1x16xf32> to vector<16xf32>
      %swap3A_1031 = vector.shape_cast %get3A_1026 : vector<16xf32> to vector<1x16xf32>
      tpu.vector_store %arg19[%swap3A_1027, %swap3A_1028], %swap3A_1031 {add = true, strides = array<i32>} : memref<128x32xf32, #tpu.memory_space<vmem>>, vector<1x16xf32>,
    }
    %scan3A_469 = arith.constant 128 : i32
    %dma_start3A_470 = arith.constant 24 : i32
    %dma_start3A_471 = arith.constant 0 : i32
    %dma_start3A_472 = tpu.memref_slice %arg13[%dma_start3A_470, %dma_start3A_471] : memref<50x128xi32, #tpu.memory_space<vmem>> -> memref<1x128xi32, #tpu.memory_space<vmem>>
    %dma_start3A_473 = tpu.memref_squeeze %dma_start3A_472 : memref<1x128xi32, #tpu.memory_space<vmem>> -> memref<128xi32, #tpu.memory_space<vmem>>
    %dma_start3A_474 = arith.constant 0 : i32
    %dma_start3A_475 = arith.constant 0 : i32
    %dma_start3A_476 = tpu.memref_slice %arg6[%dma_start3A_474, %dma_start3A_475] : memref<1000000x32xf32, #tpu.memory_space<hbm>> -> memref<1000000x32xf32, #tpu.memory_space<hbm>>
    tpu.enqueue_indirect_dma source(%dma_start3A_476 : memref<1000000x32xf32, #tpu.memory_space<hbm>>) target(%arg17 : memref<128x32xf32, #tpu.memory_space<vmem>>) offsets(%dma_start3A_473 : memref<128xi32, #tpu.memory_space<vmem>>) semaphore(%arg20 : memref<!tpu.dma_semaphore, #tpu.memory_space<semaphore_mem>>)
    %dma_wait3A_477 = arith.constant 23 : i32
    %dma_wait3A_478 = arith.constant 0 : i32
    %dma_wait3A_479 = tpu.memref_slice %arg13[%dma_wait3A_477, %dma_wait3A_478] : memref<50x128xi32, #tpu.memory_space<vmem>> -> memref<1x128xi32, #tpu.memory_space<vmem>>
    %dma_wait3A_480 = tpu.memref_squeeze %dma_wait3A_479 : memref<1x128xi32, #tpu.memory_space<vmem>> -> memref<128xi32, #tpu.memory_space<vmem>>
    %dma_wait3A_481 = arith.constant 0 : i32
    %dma_wait3A_482 = arith.constant 0 : i32
    %dma_wait3A_483 = tpu.memref_slice %arg6[%dma_wait3A_481, %dma_wait3A_482] : memref<1000000x32xf32, #tpu.memory_space<hbm>> -> memref<1000000x32xf32, #tpu.memory_space<hbm>>
    tpu.wait_indirect_dma semaphore(%arg21 : memref<!tpu.dma_semaphore, #tpu.memory_space<semaphore_mem>>) src(%dma_wait3A_483 : memref<1000000x32xf32, #tpu.memory_space<hbm>>) dst(%arg18 : memref<128x32xf32, #tpu.memory_space<vmem>>)
    %scan3A_484 = arith.constant 0 : i32
    %scan3A_485 = arith.constant 0 : i32
    %scan3A_486 = arith.constant 128 : i32
    %scan3A_487 = arith.addi %scan3A_485, %scan3A_486 : i32
    %scan3A_488 = arith.constant 1 : i32
    scf.for %scan3A_1015 = %scan3A_485 to %scan3A_487 step %scan3A_488  : i32 {
      %get3A = arith.index_cast %scan3A_1015 : i32 to index
      %get3A_1016 = arith.constant 0 : index
      %get3A_1017 = tpu.vector_load %arg18[%get3A, %get3A_1016] {strides = array<i32>} : memref<128x32xf32, #tpu.memory_space<vmem>>, vector<1x16xf32>,
      %get3A_1018 = vector.shape_cast %get3A_1017 : vector<1x16xf32> to vector<16xf32>
      %swap3A = arith.index_cast %scan3A_1015 : i32 to index
      %swap3A_1019 = arith.constant 0 : index
      %swap3A_1020 = tpu.vector_load %arg19[%swap3A, %swap3A_1019] {strides = array<i32>} : memref<128x32xf32, #tpu.memory_space<vmem>>, vector<1x16xf32>,
      %swap3A_1021 = vector.shape_cast %swap3A_1020 : vector<1x16xf32> to vector<16xf32>
      %swap3A_1022 = vector.shape_cast %get3A_1018 : vector<16xf32> to vector<1x16xf32>
      tpu.vector_store %arg19[%swap3A, %swap3A_1019], %swap3A_1022 {add = true, strides = array<i32>} : memref<128x32xf32, #tpu.memory_space<vmem>>, vector<1x16xf32>,
      %get3A_1023 = arith.index_cast %scan3A_1015 : i32 to index
      %get3A_1024 = arith.constant 16 : index
      %get3A_1025 = tpu.vector_load %arg18[%get3A_1023, %get3A_1024] {strides = array<i32>} : memref<128x32xf32, #tpu.memory_space<vmem>>, vector<1x16xf32>,
      %get3A_1026 = vector.shape_cast %get3A_1025 : vector<1x16xf32> to vector<16xf32>
      %swap3A_1027 = arith.index_cast %scan3A_1015 : i32 to index
      %swap3A_1028 = arith.constant 16 : index
      %swap3A_1029 = tpu.vector_load %arg19[%swap3A_1027, %swap3A_1028] {strides = array<i32>} : memref<128x32xf32, #tpu.memory_space<vmem>>, vector<1x16xf32>,
      %swap3A_1030 = vector.shape_cast %swap3A_1029 : vector<1x16xf32> to vector<16xf32>
      %swap3A_1031 = vector.shape_cast %get3A_1026 : vector<16xf32> to vector<1x16xf32>
      tpu.vector_store %arg19[%swap3A_1027, %swap3A_1028], %swap3A_1031 {add = true, strides = array<i32>} : memref<128x32xf32, #tpu.memory_space<vmem>>, vector<1x16xf32>,
    }
    %scan3A_489 = arith.constant 128 : i32
    %dma_start3A_490 = arith.constant 25 : i32
    %dma_start3A_491 = arith.constant 0 : i32
    %dma_start3A_492 = tpu.memref_slice %arg13[%dma_start3A_490, %dma_start3A_491] : memref<50x128xi32, #tpu.memory_space<vmem>> -> memref<1x128xi32, #tpu.memory_space<vmem>>
    %dma_start3A_493 = tpu.memref_squeeze %dma_start3A_492 : memref<1x128xi32, #tpu.memory_space<vmem>> -> memref<128xi32, #tpu.memory_space<vmem>>
    %dma_start3A_494 = arith.constant 0 : i32
    %dma_start3A_495 = arith.constant 0 : i32
    %dma_start3A_496 = tpu.memref_slice %arg6[%dma_start3A_494, %dma_start3A_495] : memref<1000000x32xf32, #tpu.memory_space<hbm>> -> memref<1000000x32xf32, #tpu.memory_space<hbm>>
    tpu.enqueue_indirect_dma source(%dma_start3A_496 : memref<1000000x32xf32, #tpu.memory_space<hbm>>) target(%arg18 : memref<128x32xf32, #tpu.memory_space<vmem>>) offsets(%dma_start3A_493 : memref<128xi32, #tpu.memory_space<vmem>>) semaphore(%arg21 : memref<!tpu.dma_semaphore, #tpu.memory_space<semaphore_mem>>)
    %dma_wait3A_497 = arith.constant 24 : i32
    %dma_wait3A_498 = arith.constant 0 : i32
    %dma_wait3A_499 = tpu.memref_slice %arg13[%dma_wait3A_497, %dma_wait3A_498] : memref<50x128xi32, #tpu.memory_space<vmem>> -> memref<1x128xi32, #tpu.memory_space<vmem>>
    %dma_wait3A_500 = tpu.memref_squeeze %dma_wait3A_499 : memref<1x128xi32, #tpu.memory_space<vmem>> -> memref<128xi32, #tpu.memory_space<vmem>>
    %dma_wait3A_501 = arith.constant 0 : i32
    %dma_wait3A_502 = arith.constant 0 : i32
    %dma_wait3A_503 = tpu.memref_slice %arg6[%dma_wait3A_501, %dma_wait3A_502] : memref<1000000x32xf32, #tpu.memory_space<hbm>> -> memref<1000000x32xf32, #tpu.memory_space<hbm>>
    tpu.wait_indirect_dma semaphore(%arg20 : memref<!tpu.dma_semaphore, #tpu.memory_space<semaphore_mem>>) src(%dma_wait3A_503 : memref<1000000x32xf32, #tpu.memory_space<hbm>>) dst(%arg17 : memref<128x32xf32, #tpu.memory_space<vmem>>)
    %scan3A_504 = arith.constant 0 : i32
    %scan3A_505 = arith.constant 0 : i32
    %scan3A_506 = arith.constant 128 : i32
    %scan3A_507 = arith.addi %scan3A_505, %scan3A_506 : i32
    %scan3A_508 = arith.constant 1 : i32
    scf.for %scan3A_1015 = %scan3A_505 to %scan3A_507 step %scan3A_508  : i32 {
      %get3A = arith.index_cast %scan3A_1015 : i32 to index
      %get3A_1016 = arith.constant 0 : index
      %get3A_1017 = tpu.vector_load %arg17[%get3A, %get3A_1016] {strides = array<i32>} : memref<128x32xf32, #tpu.memory_space<vmem>>, vector<1x16xf32>,
      %get3A_1018 = vector.shape_cast %get3A_1017 : vector<1x16xf32> to vector<16xf32>
      %swap3A = arith.index_cast %scan3A_1015 : i32 to index
      %swap3A_1019 = arith.constant 0 : index
      %swap3A_1020 = tpu.vector_load %arg19[%swap3A, %swap3A_1019] {strides = array<i32>} : memref<128x32xf32, #tpu.memory_space<vmem>>, vector<1x16xf32>,
      %swap3A_1021 = vector.shape_cast %swap3A_1020 : vector<1x16xf32> to vector<16xf32>
      %swap3A_1022 = vector.shape_cast %get3A_1018 : vector<16xf32> to vector<1x16xf32>
      tpu.vector_store %arg19[%swap3A, %swap3A_1019], %swap3A_1022 {add = true, strides = array<i32>} : memref<128x32xf32, #tpu.memory_space<vmem>>, vector<1x16xf32>,
      %get3A_1023 = arith.index_cast %scan3A_1015 : i32 to index
      %get3A_1024 = arith.constant 16 : index
      %get3A_1025 = tpu.vector_load %arg17[%get3A_1023, %get3A_1024] {strides = array<i32>} : memref<128x32xf32, #tpu.memory_space<vmem>>, vector<1x16xf32>,
      %get3A_1026 = vector.shape_cast %get3A_1025 : vector<1x16xf32> to vector<16xf32>
      %swap3A_1027 = arith.index_cast %scan3A_1015 : i32 to index
      %swap3A_1028 = arith.constant 16 : index
      %swap3A_1029 = tpu.vector_load %arg19[%swap3A_1027, %swap3A_1028] {strides = array<i32>} : memref<128x32xf32, #tpu.memory_space<vmem>>, vector<1x16xf32>,
      %swap3A_1030 = vector.shape_cast %swap3A_1029 : vector<1x16xf32> to vector<16xf32>
      %swap3A_1031 = vector.shape_cast %get3A_1026 : vector<16xf32> to vector<1x16xf32>
      tpu.vector_store %arg19[%swap3A_1027, %swap3A_1028], %swap3A_1031 {add = true, strides = array<i32>} : memref<128x32xf32, #tpu.memory_space<vmem>>, vector<1x16xf32>,
    }
    %scan3A_509 = arith.constant 128 : i32
    %dma_start3A_510 = arith.constant 26 : i32
    %dma_start3A_511 = arith.constant 0 : i32
    %dma_start3A_512 = tpu.memref_slice %arg13[%dma_start3A_510, %dma_start3A_511] : memref<50x128xi32, #tpu.memory_space<vmem>> -> memref<1x128xi32, #tpu.memory_space<vmem>>
    %dma_start3A_513 = tpu.memref_squeeze %dma_start3A_512 : memref<1x128xi32, #tpu.memory_space<vmem>> -> memref<128xi32, #tpu.memory_space<vmem>>
    %dma_start3A_514 = arith.constant 0 : i32
    %dma_start3A_515 = arith.constant 0 : i32
    %dma_start3A_516 = tpu.memref_slice %arg6[%dma_start3A_514, %dma_start3A_515] : memref<1000000x32xf32, #tpu.memory_space<hbm>> -> memref<1000000x32xf32, #tpu.memory_space<hbm>>
    tpu.enqueue_indirect_dma source(%dma_start3A_516 : memref<1000000x32xf32, #tpu.memory_space<hbm>>) target(%arg17 : memref<128x32xf32, #tpu.memory_space<vmem>>) offsets(%dma_start3A_513 : memref<128xi32, #tpu.memory_space<vmem>>) semaphore(%arg20 : memref<!tpu.dma_semaphore, #tpu.memory_space<semaphore_mem>>)
    %dma_wait3A_517 = arith.constant 25 : i32
    %dma_wait3A_518 = arith.constant 0 : i32
    %dma_wait3A_519 = tpu.memref_slice %arg13[%dma_wait3A_517, %dma_wait3A_518] : memref<50x128xi32, #tpu.memory_space<vmem>> -> memref<1x128xi32, #tpu.memory_space<vmem>>
    %dma_wait3A_520 = tpu.memref_squeeze %dma_wait3A_519 : memref<1x128xi32, #tpu.memory_space<vmem>> -> memref<128xi32, #tpu.memory_space<vmem>>
    %dma_wait3A_521 = arith.constant 0 : i32
    %dma_wait3A_522 = arith.constant 0 : i32
    %dma_wait3A_523 = tpu.memref_slice %arg6[%dma_wait3A_521, %dma_wait3A_522] : memref<1000000x32xf32, #tpu.memory_space<hbm>> -> memref<1000000x32xf32, #tpu.memory_space<hbm>>
    tpu.wait_indirect_dma semaphore(%arg21 : memref<!tpu.dma_semaphore, #tpu.memory_space<semaphore_mem>>) src(%dma_wait3A_523 : memref<1000000x32xf32, #tpu.memory_space<hbm>>) dst(%arg18 : memref<128x32xf32, #tpu.memory_space<vmem>>)
    %scan3A_524 = arith.constant 0 : i32
    %scan3A_525 = arith.constant 0 : i32
    %scan3A_526 = arith.constant 128 : i32
    %scan3A_527 = arith.addi %scan3A_525, %scan3A_526 : i32
    %scan3A_528 = arith.constant 1 : i32
    scf.for %scan3A_1015 = %scan3A_525 to %scan3A_527 step %scan3A_528  : i32 {
      %get3A = arith.index_cast %scan3A_1015 : i32 to index
      %get3A_1016 = arith.constant 0 : index
      %get3A_1017 = tpu.vector_load %arg18[%get3A, %get3A_1016] {strides = array<i32>} : memref<128x32xf32, #tpu.memory_space<vmem>>, vector<1x16xf32>,
      %get3A_1018 = vector.shape_cast %get3A_1017 : vector<1x16xf32> to vector<16xf32>
      %swap3A = arith.index_cast %scan3A_1015 : i32 to index
      %swap3A_1019 = arith.constant 0 : index
      %swap3A_1020 = tpu.vector_load %arg19[%swap3A, %swap3A_1019] {strides = array<i32>} : memref<128x32xf32, #tpu.memory_space<vmem>>, vector<1x16xf32>,
      %swap3A_1021 = vector.shape_cast %swap3A_1020 : vector<1x16xf32> to vector<16xf32>
      %swap3A_1022 = vector.shape_cast %get3A_1018 : vector<16xf32> to vector<1x16xf32>
      tpu.vector_store %arg19[%swap3A, %swap3A_1019], %swap3A_1022 {add = true, strides = array<i32>} : memref<128x32xf32, #tpu.memory_space<vmem>>, vector<1x16xf32>,
      %get3A_1023 = arith.index_cast %scan3A_1015 : i32 to index
      %get3A_1024 = arith.constant 16 : index
      %get3A_1025 = tpu.vector_load %arg18[%get3A_1023, %get3A_1024] {strides = array<i32>} : memref<128x32xf32, #tpu.memory_space<vmem>>, vector<1x16xf32>,
      %get3A_1026 = vector.shape_cast %get3A_1025 : vector<1x16xf32> to vector<16xf32>
      %swap3A_1027 = arith.index_cast %scan3A_1015 : i32 to index
      %swap3A_1028 = arith.constant 16 : index
      %swap3A_1029 = tpu.vector_load %arg19[%swap3A_1027, %swap3A_1028] {strides = array<i32>} : memref<128x32xf32, #tpu.memory_space<vmem>>, vector<1x16xf32>,
      %swap3A_1030 = vector.shape_cast %swap3A_1029 : vector<1x16xf32> to vector<16xf32>
      %swap3A_1031 = vector.shape_cast %get3A_1026 : vector<16xf32> to vector<1x16xf32>
      tpu.vector_store %arg19[%swap3A_1027, %swap3A_1028], %swap3A_1031 {add = true, strides = array<i32>} : memref<128x32xf32, #tpu.memory_space<vmem>>, vector<1x16xf32>,
    }
    %scan3A_529 = arith.constant 128 : i32
    %dma_start3A_530 = arith.constant 27 : i32
    %dma_start3A_531 = arith.constant 0 : i32
    %dma_start3A_532 = tpu.memref_slice %arg13[%dma_start3A_530, %dma_start3A_531] : memref<50x128xi32, #tpu.memory_space<vmem>> -> memref<1x128xi32, #tpu.memory_space<vmem>>
    %dma_start3A_533 = tpu.memref_squeeze %dma_start3A_532 : memref<1x128xi32, #tpu.memory_space<vmem>> -> memref<128xi32, #tpu.memory_space<vmem>>
    %dma_start3A_534 = arith.constant 0 : i32
    %dma_start3A_535 = arith.constant 0 : i32
    %dma_start3A_536 = tpu.memref_slice %arg6[%dma_start3A_534, %dma_start3A_535] : memref<1000000x32xf32, #tpu.memory_space<hbm>> -> memref<1000000x32xf32, #tpu.memory_space<hbm>>
    tpu.enqueue_indirect_dma source(%dma_start3A_536 : memref<1000000x32xf32, #tpu.memory_space<hbm>>) target(%arg18 : memref<128x32xf32, #tpu.memory_space<vmem>>) offsets(%dma_start3A_533 : memref<128xi32, #tpu.memory_space<vmem>>) semaphore(%arg21 : memref<!tpu.dma_semaphore, #tpu.memory_space<semaphore_mem>>)
    %dma_wait3A_537 = arith.constant 26 : i32
    %dma_wait3A_538 = arith.constant 0 : i32
    %dma_wait3A_539 = tpu.memref_slice %arg13[%dma_wait3A_537, %dma_wait3A_538] : memref<50x128xi32, #tpu.memory_space<vmem>> -> memref<1x128xi32, #tpu.memory_space<vmem>>
    %dma_wait3A_540 = tpu.memref_squeeze %dma_wait3A_539 : memref<1x128xi32, #tpu.memory_space<vmem>> -> memref<128xi32, #tpu.memory_space<vmem>>
    %dma_wait3A_541 = arith.constant 0 : i32
    %dma_wait3A_542 = arith.constant 0 : i32
    %dma_wait3A_543 = tpu.memref_slice %arg6[%dma_wait3A_541, %dma_wait3A_542] : memref<1000000x32xf32, #tpu.memory_space<hbm>> -> memref<1000000x32xf32, #tpu.memory_space<hbm>>
    tpu.wait_indirect_dma semaphore(%arg20 : memref<!tpu.dma_semaphore, #tpu.memory_space<semaphore_mem>>) src(%dma_wait3A_543 : memref<1000000x32xf32, #tpu.memory_space<hbm>>) dst(%arg17 : memref<128x32xf32, #tpu.memory_space<vmem>>)
    %scan3A_544 = arith.constant 0 : i32
    %scan3A_545 = arith.constant 0 : i32
    %scan3A_546 = arith.constant 128 : i32
    %scan3A_547 = arith.addi %scan3A_545, %scan3A_546 : i32
    %scan3A_548 = arith.constant 1 : i32
    scf.for %scan3A_1015 = %scan3A_545 to %scan3A_547 step %scan3A_548  : i32 {
      %get3A = arith.index_cast %scan3A_1015 : i32 to index
      %get3A_1016 = arith.constant 0 : index
      %get3A_1017 = tpu.vector_load %arg17[%get3A, %get3A_1016] {strides = array<i32>} : memref<128x32xf32, #tpu.memory_space<vmem>>, vector<1x16xf32>,
      %get3A_1018 = vector.shape_cast %get3A_1017 : vector<1x16xf32> to vector<16xf32>
      %swap3A = arith.index_cast %scan3A_1015 : i32 to index
      %swap3A_1019 = arith.constant 0 : index
      %swap3A_1020 = tpu.vector_load %arg19[%swap3A, %swap3A_1019] {strides = array<i32>} : memref<128x32xf32, #tpu.memory_space<vmem>>, vector<1x16xf32>,
      %swap3A_1021 = vector.shape_cast %swap3A_1020 : vector<1x16xf32> to vector<16xf32>
      %swap3A_1022 = vector.shape_cast %get3A_1018 : vector<16xf32> to vector<1x16xf32>
      tpu.vector_store %arg19[%swap3A, %swap3A_1019], %swap3A_1022 {add = true, strides = array<i32>} : memref<128x32xf32, #tpu.memory_space<vmem>>, vector<1x16xf32>,
      %get3A_1023 = arith.index_cast %scan3A_1015 : i32 to index
      %get3A_1024 = arith.constant 16 : index
      %get3A_1025 = tpu.vector_load %arg17[%get3A_1023, %get3A_1024] {strides = array<i32>} : memref<128x32xf32, #tpu.memory_space<vmem>>, vector<1x16xf32>,
      %get3A_1026 = vector.shape_cast %get3A_1025 : vector<1x16xf32> to vector<16xf32>
      %swap3A_1027 = arith.index_cast %scan3A_1015 : i32 to index
      %swap3A_1028 = arith.constant 16 : index
      %swap3A_1029 = tpu.vector_load %arg19[%swap3A_1027, %swap3A_1028] {strides = array<i32>} : memref<128x32xf32, #tpu.memory_space<vmem>>, vector<1x16xf32>,
      %swap3A_1030 = vector.shape_cast %swap3A_1029 : vector<1x16xf32> to vector<16xf32>
      %swap3A_1031 = vector.shape_cast %get3A_1026 : vector<16xf32> to vector<1x16xf32>
      tpu.vector_store %arg19[%swap3A_1027, %swap3A_1028], %swap3A_1031 {add = true, strides = array<i32>} : memref<128x32xf32, #tpu.memory_space<vmem>>, vector<1x16xf32>,
    }
    %scan3A_549 = arith.constant 128 : i32
    %dma_start3A_550 = arith.constant 28 : i32
    %dma_start3A_551 = arith.constant 0 : i32
    %dma_start3A_552 = tpu.memref_slice %arg13[%dma_start3A_550, %dma_start3A_551] : memref<50x128xi32, #tpu.memory_space<vmem>> -> memref<1x128xi32, #tpu.memory_space<vmem>>
    %dma_start3A_553 = tpu.memref_squeeze %dma_start3A_552 : memref<1x128xi32, #tpu.memory_space<vmem>> -> memref<128xi32, #tpu.memory_space<vmem>>
    %dma_start3A_554 = arith.constant 0 : i32
    %dma_start3A_555 = arith.constant 0 : i32
    %dma_start3A_556 = tpu.memref_slice %arg6[%dma_start3A_554, %dma_start3A_555] : memref<1000000x32xf32, #tpu.memory_space<hbm>> -> memref<1000000x32xf32, #tpu.memory_space<hbm>>
    tpu.enqueue_indirect_dma source(%dma_start3A_556 : memref<1000000x32xf32, #tpu.memory_space<hbm>>) target(%arg17 : memref<128x32xf32, #tpu.memory_space<vmem>>) offsets(%dma_start3A_553 : memref<128xi32, #tpu.memory_space<vmem>>) semaphore(%arg20 : memref<!tpu.dma_semaphore, #tpu.memory_space<semaphore_mem>>)
    %dma_wait3A_557 = arith.constant 27 : i32
    %dma_wait3A_558 = arith.constant 0 : i32
    %dma_wait3A_559 = tpu.memref_slice %arg13[%dma_wait3A_557, %dma_wait3A_558] : memref<50x128xi32, #tpu.memory_space<vmem>> -> memref<1x128xi32, #tpu.memory_space<vmem>>
    %dma_wait3A_560 = tpu.memref_squeeze %dma_wait3A_559 : memref<1x128xi32, #tpu.memory_space<vmem>> -> memref<128xi32, #tpu.memory_space<vmem>>
    %dma_wait3A_561 = arith.constant 0 : i32
    %dma_wait3A_562 = arith.constant 0 : i32
    %dma_wait3A_563 = tpu.memref_slice %arg6[%dma_wait3A_561, %dma_wait3A_562] : memref<1000000x32xf32, #tpu.memory_space<hbm>> -> memref<1000000x32xf32, #tpu.memory_space<hbm>>
    tpu.wait_indirect_dma semaphore(%arg21 : memref<!tpu.dma_semaphore, #tpu.memory_space<semaphore_mem>>) src(%dma_wait3A_563 : memref<1000000x32xf32, #tpu.memory_space<hbm>>) dst(%arg18 : memref<128x32xf32, #tpu.memory_space<vmem>>)
    %scan3A_564 = arith.constant 0 : i32
    %scan3A_565 = arith.constant 0 : i32
    %scan3A_566 = arith.constant 128 : i32
    %scan3A_567 = arith.addi %scan3A_565, %scan3A_566 : i32
    %scan3A_568 = arith.constant 1 : i32
    scf.for %scan3A_1015 = %scan3A_565 to %scan3A_567 step %scan3A_568  : i32 {
      %get3A = arith.index_cast %scan3A_1015 : i32 to index
      %get3A_1016 = arith.constant 0 : index
      %get3A_1017 = tpu.vector_load %arg18[%get3A, %get3A_1016] {strides = array<i32>} : memref<128x32xf32, #tpu.memory_space<vmem>>, vector<1x16xf32>,
      %get3A_1018 = vector.shape_cast %get3A_1017 : vector<1x16xf32> to vector<16xf32>
      %swap3A = arith.index_cast %scan3A_1015 : i32 to index
      %swap3A_1019 = arith.constant 0 : index
      %swap3A_1020 = tpu.vector_load %arg19[%swap3A, %swap3A_1019] {strides = array<i32>} : memref<128x32xf32, #tpu.memory_space<vmem>>, vector<1x16xf32>,
      %swap3A_1021 = vector.shape_cast %swap3A_1020 : vector<1x16xf32> to vector<16xf32>
      %swap3A_1022 = vector.shape_cast %get3A_1018 : vector<16xf32> to vector<1x16xf32>
      tpu.vector_store %arg19[%swap3A, %swap3A_1019], %swap3A_1022 {add = true, strides = array<i32>} : memref<128x32xf32, #tpu.memory_space<vmem>>, vector<1x16xf32>,
      %get3A_1023 = arith.index_cast %scan3A_1015 : i32 to index
      %get3A_1024 = arith.constant 16 : index
      %get3A_1025 = tpu.vector_load %arg18[%get3A_1023, %get3A_1024] {strides = array<i32>} : memref<128x32xf32, #tpu.memory_space<vmem>>, vector<1x16xf32>,
      %get3A_1026 = vector.shape_cast %get3A_1025 : vector<1x16xf32> to vector<16xf32>
      %swap3A_1027 = arith.index_cast %scan3A_1015 : i32 to index
      %swap3A_1028 = arith.constant 16 : index
      %swap3A_1029 = tpu.vector_load %arg19[%swap3A_1027, %swap3A_1028] {strides = array<i32>} : memref<128x32xf32, #tpu.memory_space<vmem>>, vector<1x16xf32>,
      %swap3A_1030 = vector.shape_cast %swap3A_1029 : vector<1x16xf32> to vector<16xf32>
      %swap3A_1031 = vector.shape_cast %get3A_1026 : vector<16xf32> to vector<1x16xf32>
      tpu.vector_store %arg19[%swap3A_1027, %swap3A_1028], %swap3A_1031 {add = true, strides = array<i32>} : memref<128x32xf32, #tpu.memory_space<vmem>>, vector<1x16xf32>,
    }
    %scan3A_569 = arith.constant 128 : i32
    %dma_start3A_570 = arith.constant 29 : i32
    %dma_start3A_571 = arith.constant 0 : i32
    %dma_start3A_572 = tpu.memref_slice %arg13[%dma_start3A_570, %dma_start3A_571] : memref<50x128xi32, #tpu.memory_space<vmem>> -> memref<1x128xi32, #tpu.memory_space<vmem>>
    %dma_start3A_573 = tpu.memref_squeeze %dma_start3A_572 : memref<1x128xi32, #tpu.memory_space<vmem>> -> memref<128xi32, #tpu.memory_space<vmem>>
    %dma_start3A_574 = arith.constant 0 : i32
    %dma_start3A_575 = arith.constant 0 : i32
    %dma_start3A_576 = tpu.memref_slice %arg6[%dma_start3A_574, %dma_start3A_575] : memref<1000000x32xf32, #tpu.memory_space<hbm>> -> memref<1000000x32xf32, #tpu.memory_space<hbm>>
    tpu.enqueue_indirect_dma source(%dma_start3A_576 : memref<1000000x32xf32, #tpu.memory_space<hbm>>) target(%arg18 : memref<128x32xf32, #tpu.memory_space<vmem>>) offsets(%dma_start3A_573 : memref<128xi32, #tpu.memory_space<vmem>>) semaphore(%arg21 : memref<!tpu.dma_semaphore, #tpu.memory_space<semaphore_mem>>)
    %dma_wait3A_577 = arith.constant 28 : i32
    %dma_wait3A_578 = arith.constant 0 : i32
    %dma_wait3A_579 = tpu.memref_slice %arg13[%dma_wait3A_577, %dma_wait3A_578] : memref<50x128xi32, #tpu.memory_space<vmem>> -> memref<1x128xi32, #tpu.memory_space<vmem>>
    %dma_wait3A_580 = tpu.memref_squeeze %dma_wait3A_579 : memref<1x128xi32, #tpu.memory_space<vmem>> -> memref<128xi32, #tpu.memory_space<vmem>>
    %dma_wait3A_581 = arith.constant 0 : i32
    %dma_wait3A_582 = arith.constant 0 : i32
    %dma_wait3A_583 = tpu.memref_slice %arg6[%dma_wait3A_581, %dma_wait3A_582] : memref<1000000x32xf32, #tpu.memory_space<hbm>> -> memref<1000000x32xf32, #tpu.memory_space<hbm>>
    tpu.wait_indirect_dma semaphore(%arg20 : memref<!tpu.dma_semaphore, #tpu.memory_space<semaphore_mem>>) src(%dma_wait3A_583 : memref<1000000x32xf32, #tpu.memory_space<hbm>>) dst(%arg17 : memref<128x32xf32, #tpu.memory_space<vmem>>)
    %scan3A_584 = arith.constant 0 : i32
    %scan3A_585 = arith.constant 0 : i32
    %scan3A_586 = arith.constant 128 : i32
    %scan3A_587 = arith.addi %scan3A_585, %scan3A_586 : i32
    %scan3A_588 = arith.constant 1 : i32
    scf.for %scan3A_1015 = %scan3A_585 to %scan3A_587 step %scan3A_588  : i32 {
      %get3A = arith.index_cast %scan3A_1015 : i32 to index
      %get3A_1016 = arith.constant 0 : index
      %get3A_1017 = tpu.vector_load %arg17[%get3A, %get3A_1016] {strides = array<i32>} : memref<128x32xf32, #tpu.memory_space<vmem>>, vector<1x16xf32>,
      %get3A_1018 = vector.shape_cast %get3A_1017 : vector<1x16xf32> to vector<16xf32>
      %swap3A = arith.index_cast %scan3A_1015 : i32 to index
      %swap3A_1019 = arith.constant 0 : index
      %swap3A_1020 = tpu.vector_load %arg19[%swap3A, %swap3A_1019] {strides = array<i32>} : memref<128x32xf32, #tpu.memory_space<vmem>>, vector<1x16xf32>,
      %swap3A_1021 = vector.shape_cast %swap3A_1020 : vector<1x16xf32> to vector<16xf32>
      %swap3A_1022 = vector.shape_cast %get3A_1018 : vector<16xf32> to vector<1x16xf32>
      tpu.vector_store %arg19[%swap3A, %swap3A_1019], %swap3A_1022 {add = true, strides = array<i32>} : memref<128x32xf32, #tpu.memory_space<vmem>>, vector<1x16xf32>,
      %get3A_1023 = arith.index_cast %scan3A_1015 : i32 to index
      %get3A_1024 = arith.constant 16 : index
      %get3A_1025 = tpu.vector_load %arg17[%get3A_1023, %get3A_1024] {strides = array<i32>} : memref<128x32xf32, #tpu.memory_space<vmem>>, vector<1x16xf32>,
      %get3A_1026 = vector.shape_cast %get3A_1025 : vector<1x16xf32> to vector<16xf32>
      %swap3A_1027 = arith.index_cast %scan3A_1015 : i32 to index
      %swap3A_1028 = arith.constant 16 : index
      %swap3A_1029 = tpu.vector_load %arg19[%swap3A_1027, %swap3A_1028] {strides = array<i32>} : memref<128x32xf32, #tpu.memory_space<vmem>>, vector<1x16xf32>,
      %swap3A_1030 = vector.shape_cast %swap3A_1029 : vector<1x16xf32> to vector<16xf32>
      %swap3A_1031 = vector.shape_cast %get3A_1026 : vector<16xf32> to vector<1x16xf32>
      tpu.vector_store %arg19[%swap3A_1027, %swap3A_1028], %swap3A_1031 {add = true, strides = array<i32>} : memref<128x32xf32, #tpu.memory_space<vmem>>, vector<1x16xf32>,
    }
    %scan3A_589 = arith.constant 128 : i32
    %dma_start3A_590 = arith.constant 30 : i32
    %dma_start3A_591 = arith.constant 0 : i32
    %dma_start3A_592 = tpu.memref_slice %arg13[%dma_start3A_590, %dma_start3A_591] : memref<50x128xi32, #tpu.memory_space<vmem>> -> memref<1x128xi32, #tpu.memory_space<vmem>>
    %dma_start3A_593 = tpu.memref_squeeze %dma_start3A_592 : memref<1x128xi32, #tpu.memory_space<vmem>> -> memref<128xi32, #tpu.memory_space<vmem>>
    %dma_start3A_594 = arith.constant 0 : i32
    %dma_start3A_595 = arith.constant 0 : i32
    %dma_start3A_596 = tpu.memref_slice %arg6[%dma_start3A_594, %dma_start3A_595] : memref<1000000x32xf32, #tpu.memory_space<hbm>> -> memref<1000000x32xf32, #tpu.memory_space<hbm>>
    tpu.enqueue_indirect_dma source(%dma_start3A_596 : memref<1000000x32xf32, #tpu.memory_space<hbm>>) target(%arg17 : memref<128x32xf32, #tpu.memory_space<vmem>>) offsets(%dma_start3A_593 : memref<128xi32, #tpu.memory_space<vmem>>) semaphore(%arg20 : memref<!tpu.dma_semaphore, #tpu.memory_space<semaphore_mem>>)
    %dma_wait3A_597 = arith.constant 29 : i32
    %dma_wait3A_598 = arith.constant 0 : i32
    %dma_wait3A_599 = tpu.memref_slice %arg13[%dma_wait3A_597, %dma_wait3A_598] : memref<50x128xi32, #tpu.memory_space<vmem>> -> memref<1x128xi32, #tpu.memory_space<vmem>>
    %dma_wait3A_600 = tpu.memref_squeeze %dma_wait3A_599 : memref<1x128xi32, #tpu.memory_space<vmem>> -> memref<128xi32, #tpu.memory_space<vmem>>
    %dma_wait3A_601 = arith.constant 0 : i32
    %dma_wait3A_602 = arith.constant 0 : i32
    %dma_wait3A_603 = tpu.memref_slice %arg6[%dma_wait3A_601, %dma_wait3A_602] : memref<1000000x32xf32, #tpu.memory_space<hbm>> -> memref<1000000x32xf32, #tpu.memory_space<hbm>>
    tpu.wait_indirect_dma semaphore(%arg21 : memref<!tpu.dma_semaphore, #tpu.memory_space<semaphore_mem>>) src(%dma_wait3A_603 : memref<1000000x32xf32, #tpu.memory_space<hbm>>) dst(%arg18 : memref<128x32xf32, #tpu.memory_space<vmem>>)
    %scan3A_604 = arith.constant 0 : i32
    %scan3A_605 = arith.constant 0 : i32
    %scan3A_606 = arith.constant 128 : i32
    %scan3A_607 = arith.addi %scan3A_605, %scan3A_606 : i32
    %scan3A_608 = arith.constant 1 : i32
    scf.for %scan3A_1015 = %scan3A_605 to %scan3A_607 step %scan3A_608  : i32 {
      %get3A = arith.index_cast %scan3A_1015 : i32 to index
      %get3A_1016 = arith.constant 0 : index
      %get3A_1017 = tpu.vector_load %arg18[%get3A, %get3A_1016] {strides = array<i32>} : memref<128x32xf32, #tpu.memory_space<vmem>>, vector<1x16xf32>,
      %get3A_1018 = vector.shape_cast %get3A_1017 : vector<1x16xf32> to vector<16xf32>
      %swap3A = arith.index_cast %scan3A_1015 : i32 to index
      %swap3A_1019 = arith.constant 0 : index
      %swap3A_1020 = tpu.vector_load %arg19[%swap3A, %swap3A_1019] {strides = array<i32>} : memref<128x32xf32, #tpu.memory_space<vmem>>, vector<1x16xf32>,
      %swap3A_1021 = vector.shape_cast %swap3A_1020 : vector<1x16xf32> to vector<16xf32>
      %swap3A_1022 = vector.shape_cast %get3A_1018 : vector<16xf32> to vector<1x16xf32>
      tpu.vector_store %arg19[%swap3A, %swap3A_1019], %swap3A_1022 {add = true, strides = array<i32>} : memref<128x32xf32, #tpu.memory_space<vmem>>, vector<1x16xf32>,
      %get3A_1023 = arith.index_cast %scan3A_1015 : i32 to index
      %get3A_1024 = arith.constant 16 : index
      %get3A_1025 = tpu.vector_load %arg18[%get3A_1023, %get3A_1024] {strides = array<i32>} : memref<128x32xf32, #tpu.memory_space<vmem>>, vector<1x16xf32>,
      %get3A_1026 = vector.shape_cast %get3A_1025 : vector<1x16xf32> to vector<16xf32>
      %swap3A_1027 = arith.index_cast %scan3A_1015 : i32 to index
      %swap3A_1028 = arith.constant 16 : index
      %swap3A_1029 = tpu.vector_load %arg19[%swap3A_1027, %swap3A_1028] {strides = array<i32>} : memref<128x32xf32, #tpu.memory_space<vmem>>, vector<1x16xf32>,
      %swap3A_1030 = vector.shape_cast %swap3A_1029 : vector<1x16xf32> to vector<16xf32>
      %swap3A_1031 = vector.shape_cast %get3A_1026 : vector<16xf32> to vector<1x16xf32>
      tpu.vector_store %arg19[%swap3A_1027, %swap3A_1028], %swap3A_1031 {add = true, strides = array<i32>} : memref<128x32xf32, #tpu.memory_space<vmem>>, vector<1x16xf32>,
    }
    %scan3A_609 = arith.constant 128 : i32
    %dma_start3A_610 = arith.constant 31 : i32
    %dma_start3A_611 = arith.constant 0 : i32
    %dma_start3A_612 = tpu.memref_slice %arg13[%dma_start3A_610, %dma_start3A_611] : memref<50x128xi32, #tpu.memory_space<vmem>> -> memref<1x128xi32, #tpu.memory_space<vmem>>
    %dma_start3A_613 = tpu.memref_squeeze %dma_start3A_612 : memref<1x128xi32, #tpu.memory_space<vmem>> -> memref<128xi32, #tpu.memory_space<vmem>>
    %dma_start3A_614 = arith.constant 0 : i32
    %dma_start3A_615 = arith.constant 0 : i32
    %dma_start3A_616 = tpu.memref_slice %arg6[%dma_start3A_614, %dma_start3A_615] : memref<1000000x32xf32, #tpu.memory_space<hbm>> -> memref<1000000x32xf32, #tpu.memory_space<hbm>>
    tpu.enqueue_indirect_dma source(%dma_start3A_616 : memref<1000000x32xf32, #tpu.memory_space<hbm>>) target(%arg18 : memref<128x32xf32, #tpu.memory_space<vmem>>) offsets(%dma_start3A_613 : memref<128xi32, #tpu.memory_space<vmem>>) semaphore(%arg21 : memref<!tpu.dma_semaphore, #tpu.memory_space<semaphore_mem>>)
    %dma_wait3A_617 = arith.constant 30 : i32
    %dma_wait3A_618 = arith.constant 0 : i32
    %dma_wait3A_619 = tpu.memref_slice %arg13[%dma_wait3A_617, %dma_wait3A_618] : memref<50x128xi32, #tpu.memory_space<vmem>> -> memref<1x128xi32, #tpu.memory_space<vmem>>
    %dma_wait3A_620 = tpu.memref_squeeze %dma_wait3A_619 : memref<1x128xi32, #tpu.memory_space<vmem>> -> memref<128xi32, #tpu.memory_space<vmem>>
    %dma_wait3A_621 = arith.constant 0 : i32
    %dma_wait3A_622 = arith.constant 0 : i32
    %dma_wait3A_623 = tpu.memref_slice %arg6[%dma_wait3A_621, %dma_wait3A_622] : memref<1000000x32xf32, #tpu.memory_space<hbm>> -> memref<1000000x32xf32, #tpu.memory_space<hbm>>
    tpu.wait_indirect_dma semaphore(%arg20 : memref<!tpu.dma_semaphore, #tpu.memory_space<semaphore_mem>>) src(%dma_wait3A_623 : memref<1000000x32xf32, #tpu.memory_space<hbm>>) dst(%arg17 : memref<128x32xf32, #tpu.memory_space<vmem>>)
    %scan3A_624 = arith.constant 0 : i32
    %scan3A_625 = arith.constant 0 : i32
    %scan3A_626 = arith.constant 128 : i32
    %scan3A_627 = arith.addi %scan3A_625, %scan3A_626 : i32
    %scan3A_628 = arith.constant 1 : i32
    scf.for %scan3A_1015 = %scan3A_625 to %scan3A_627 step %scan3A_628  : i32 {
      %get3A = arith.index_cast %scan3A_1015 : i32 to index
      %get3A_1016 = arith.constant 0 : index
      %get3A_1017 = tpu.vector_load %arg17[%get3A, %get3A_1016] {strides = array<i32>} : memref<128x32xf32, #tpu.memory_space<vmem>>, vector<1x16xf32>,
      %get3A_1018 = vector.shape_cast %get3A_1017 : vector<1x16xf32> to vector<16xf32>
      %swap3A = arith.index_cast %scan3A_1015 : i32 to index
      %swap3A_1019 = arith.constant 0 : index
      %swap3A_1020 = tpu.vector_load %arg19[%swap3A, %swap3A_1019] {strides = array<i32>} : memref<128x32xf32, #tpu.memory_space<vmem>>, vector<1x16xf32>,
      %swap3A_1021 = vector.shape_cast %swap3A_1020 : vector<1x16xf32> to vector<16xf32>
      %swap3A_1022 = vector.shape_cast %get3A_1018 : vector<16xf32> to vector<1x16xf32>
      tpu.vector_store %arg19[%swap3A, %swap3A_1019], %swap3A_1022 {add = true, strides = array<i32>} : memref<128x32xf32, #tpu.memory_space<vmem>>, vector<1x16xf32>,
      %get3A_1023 = arith.index_cast %scan3A_1015 : i32 to index
      %get3A_1024 = arith.constant 16 : index
      %get3A_1025 = tpu.vector_load %arg17[%get3A_1023, %get3A_1024] {strides = array<i32>} : memref<128x32xf32, #tpu.memory_space<vmem>>, vector<1x16xf32>,
      %get3A_1026 = vector.shape_cast %get3A_1025 : vector<1x16xf32> to vector<16xf32>
      %swap3A_1027 = arith.index_cast %scan3A_1015 : i32 to index
      %swap3A_1028 = arith.constant 16 : index
      %swap3A_1029 = tpu.vector_load %arg19[%swap3A_1027, %swap3A_1028] {strides = array<i32>} : memref<128x32xf32, #tpu.memory_space<vmem>>, vector<1x16xf32>,
      %swap3A_1030 = vector.shape_cast %swap3A_1029 : vector<1x16xf32> to vector<16xf32>
      %swap3A_1031 = vector.shape_cast %get3A_1026 : vector<16xf32> to vector<1x16xf32>
      tpu.vector_store %arg19[%swap3A_1027, %swap3A_1028], %swap3A_1031 {add = true, strides = array<i32>} : memref<128x32xf32, #tpu.memory_space<vmem>>, vector<1x16xf32>,
    }
    %scan3A_629 = arith.constant 128 : i32
    %dma_start3A_630 = arith.constant 32 : i32
    %dma_start3A_631 = arith.constant 0 : i32
    %dma_start3A_632 = tpu.memref_slice %arg13[%dma_start3A_630, %dma_start3A_631] : memref<50x128xi32, #tpu.memory_space<vmem>> -> memref<1x128xi32, #tpu.memory_space<vmem>>
    %dma_start3A_633 = tpu.memref_squeeze %dma_start3A_632 : memref<1x128xi32, #tpu.memory_space<vmem>> -> memref<128xi32, #tpu.memory_space<vmem>>
    %dma_start3A_634 = arith.constant 0 : i32
    %dma_start3A_635 = arith.constant 0 : i32
    %dma_start3A_636 = tpu.memref_slice %arg6[%dma_start3A_634, %dma_start3A_635] : memref<1000000x32xf32, #tpu.memory_space<hbm>> -> memref<1000000x32xf32, #tpu.memory_space<hbm>>
    tpu.enqueue_indirect_dma source(%dma_start3A_636 : memref<1000000x32xf32, #tpu.memory_space<hbm>>) target(%arg17 : memref<128x32xf32, #tpu.memory_space<vmem>>) offsets(%dma_start3A_633 : memref<128xi32, #tpu.memory_space<vmem>>) semaphore(%arg20 : memref<!tpu.dma_semaphore, #tpu.memory_space<semaphore_mem>>)
    %dma_wait3A_637 = arith.constant 31 : i32
    %dma_wait3A_638 = arith.constant 0 : i32
    %dma_wait3A_639 = tpu.memref_slice %arg13[%dma_wait3A_637, %dma_wait3A_638] : memref<50x128xi32, #tpu.memory_space<vmem>> -> memref<1x128xi32, #tpu.memory_space<vmem>>
    %dma_wait3A_640 = tpu.memref_squeeze %dma_wait3A_639 : memref<1x128xi32, #tpu.memory_space<vmem>> -> memref<128xi32, #tpu.memory_space<vmem>>
    %dma_wait3A_641 = arith.constant 0 : i32
    %dma_wait3A_642 = arith.constant 0 : i32
    %dma_wait3A_643 = tpu.memref_slice %arg6[%dma_wait3A_641, %dma_wait3A_642] : memref<1000000x32xf32, #tpu.memory_space<hbm>> -> memref<1000000x32xf32, #tpu.memory_space<hbm>>
    tpu.wait_indirect_dma semaphore(%arg21 : memref<!tpu.dma_semaphore, #tpu.memory_space<semaphore_mem>>) src(%dma_wait3A_643 : memref<1000000x32xf32, #tpu.memory_space<hbm>>) dst(%arg18 : memref<128x32xf32, #tpu.memory_space<vmem>>)
    %scan3A_644 = arith.constant 0 : i32
    %scan3A_645 = arith.constant 0 : i32
    %scan3A_646 = arith.constant 128 : i32
    %scan3A_647 = arith.addi %scan3A_645, %scan3A_646 : i32
    %scan3A_648 = arith.constant 1 : i32
    scf.for %scan3A_1015 = %scan3A_645 to %scan3A_647 step %scan3A_648  : i32 {
      %get3A = arith.index_cast %scan3A_1015 : i32 to index
      %get3A_1016 = arith.constant 0 : index
      %get3A_1017 = tpu.vector_load %arg18[%get3A, %get3A_1016] {strides = array<i32>} : memref<128x32xf32, #tpu.memory_space<vmem>>, vector<1x16xf32>,
      %get3A_1018 = vector.shape_cast %get3A_1017 : vector<1x16xf32> to vector<16xf32>
      %swap3A = arith.index_cast %scan3A_1015 : i32 to index
      %swap3A_1019 = arith.constant 0 : index
      %swap3A_1020 = tpu.vector_load %arg19[%swap3A, %swap3A_1019] {strides = array<i32>} : memref<128x32xf32, #tpu.memory_space<vmem>>, vector<1x16xf32>,
      %swap3A_1021 = vector.shape_cast %swap3A_1020 : vector<1x16xf32> to vector<16xf32>
      %swap3A_1022 = vector.shape_cast %get3A_1018 : vector<16xf32> to vector<1x16xf32>
      tpu.vector_store %arg19[%swap3A, %swap3A_1019], %swap3A_1022 {add = true, strides = array<i32>} : memref<128x32xf32, #tpu.memory_space<vmem>>, vector<1x16xf32>,
      %get3A_1023 = arith.index_cast %scan3A_1015 : i32 to index
      %get3A_1024 = arith.constant 16 : index
      %get3A_1025 = tpu.vector_load %arg18[%get3A_1023, %get3A_1024] {strides = array<i32>} : memref<128x32xf32, #tpu.memory_space<vmem>>, vector<1x16xf32>,
      %get3A_1026 = vector.shape_cast %get3A_1025 : vector<1x16xf32> to vector<16xf32>
      %swap3A_1027 = arith.index_cast %scan3A_1015 : i32 to index
      %swap3A_1028 = arith.constant 16 : index
      %swap3A_1029 = tpu.vector_load %arg19[%swap3A_1027, %swap3A_1028] {strides = array<i32>} : memref<128x32xf32, #tpu.memory_space<vmem>>, vector<1x16xf32>,
      %swap3A_1030 = vector.shape_cast %swap3A_1029 : vector<1x16xf32> to vector<16xf32>
      %swap3A_1031 = vector.shape_cast %get3A_1026 : vector<16xf32> to vector<1x16xf32>
      tpu.vector_store %arg19[%swap3A_1027, %swap3A_1028], %swap3A_1031 {add = true, strides = array<i32>} : memref<128x32xf32, #tpu.memory_space<vmem>>, vector<1x16xf32>,
    }
    %scan3A_649 = arith.constant 128 : i32
    %dma_start3A_650 = arith.constant 33 : i32
    %dma_start3A_651 = arith.constant 0 : i32
    %dma_start3A_652 = tpu.memref_slice %arg13[%dma_start3A_650, %dma_start3A_651] : memref<50x128xi32, #tpu.memory_space<vmem>> -> memref<1x128xi32, #tpu.memory_space<vmem>>
    %dma_start3A_653 = tpu.memref_squeeze %dma_start3A_652 : memref<1x128xi32, #tpu.memory_space<vmem>> -> memref<128xi32, #tpu.memory_space<vmem>>
    %dma_start3A_654 = arith.constant 0 : i32
    %dma_start3A_655 = arith.constant 0 : i32
    %dma_start3A_656 = tpu.memref_slice %arg6[%dma_start3A_654, %dma_start3A_655] : memref<1000000x32xf32, #tpu.memory_space<hbm>> -> memref<1000000x32xf32, #tpu.memory_space<hbm>>
    tpu.enqueue_indirect_dma source(%dma_start3A_656 : memref<1000000x32xf32, #tpu.memory_space<hbm>>) target(%arg18 : memref<128x32xf32, #tpu.memory_space<vmem>>) offsets(%dma_start3A_653 : memref<128xi32, #tpu.memory_space<vmem>>) semaphore(%arg21 : memref<!tpu.dma_semaphore, #tpu.memory_space<semaphore_mem>>)
    %dma_wait3A_657 = arith.constant 32 : i32
    %dma_wait3A_658 = arith.constant 0 : i32
    %dma_wait3A_659 = tpu.memref_slice %arg13[%dma_wait3A_657, %dma_wait3A_658] : memref<50x128xi32, #tpu.memory_space<vmem>> -> memref<1x128xi32, #tpu.memory_space<vmem>>
    %dma_wait3A_660 = tpu.memref_squeeze %dma_wait3A_659 : memref<1x128xi32, #tpu.memory_space<vmem>> -> memref<128xi32, #tpu.memory_space<vmem>>
    %dma_wait3A_661 = arith.constant 0 : i32
    %dma_wait3A_662 = arith.constant 0 : i32
    %dma_wait3A_663 = tpu.memref_slice %arg6[%dma_wait3A_661, %dma_wait3A_662] : memref<1000000x32xf32, #tpu.memory_space<hbm>> -> memref<1000000x32xf32, #tpu.memory_space<hbm>>
    tpu.wait_indirect_dma semaphore(%arg20 : memref<!tpu.dma_semaphore, #tpu.memory_space<semaphore_mem>>) src(%dma_wait3A_663 : memref<1000000x32xf32, #tpu.memory_space<hbm>>) dst(%arg17 : memref<128x32xf32, #tpu.memory_space<vmem>>)
    %scan3A_664 = arith.constant 0 : i32
    %scan3A_665 = arith.constant 0 : i32
    %scan3A_666 = arith.constant 128 : i32
    %scan3A_667 = arith.addi %scan3A_665, %scan3A_666 : i32
    %scan3A_668 = arith.constant 1 : i32
    scf.for %scan3A_1015 = %scan3A_665 to %scan3A_667 step %scan3A_668  : i32 {
      %get3A = arith.index_cast %scan3A_1015 : i32 to index
      %get3A_1016 = arith.constant 0 : index
      %get3A_1017 = tpu.vector_load %arg17[%get3A, %get3A_1016] {strides = array<i32>} : memref<128x32xf32, #tpu.memory_space<vmem>>, vector<1x16xf32>,
      %get3A_1018 = vector.shape_cast %get3A_1017 : vector<1x16xf32> to vector<16xf32>
      %swap3A = arith.index_cast %scan3A_1015 : i32 to index
      %swap3A_1019 = arith.constant 0 : index
      %swap3A_1020 = tpu.vector_load %arg19[%swap3A, %swap3A_1019] {strides = array<i32>} : memref<128x32xf32, #tpu.memory_space<vmem>>, vector<1x16xf32>,
      %swap3A_1021 = vector.shape_cast %swap3A_1020 : vector<1x16xf32> to vector<16xf32>
      %swap3A_1022 = vector.shape_cast %get3A_1018 : vector<16xf32> to vector<1x16xf32>
      tpu.vector_store %arg19[%swap3A, %swap3A_1019], %swap3A_1022 {add = true, strides = array<i32>} : memref<128x32xf32, #tpu.memory_space<vmem>>, vector<1x16xf32>,
      %get3A_1023 = arith.index_cast %scan3A_1015 : i32 to index
      %get3A_1024 = arith.constant 16 : index
      %get3A_1025 = tpu.vector_load %arg17[%get3A_1023, %get3A_1024] {strides = array<i32>} : memref<128x32xf32, #tpu.memory_space<vmem>>, vector<1x16xf32>,
      %get3A_1026 = vector.shape_cast %get3A_1025 : vector<1x16xf32> to vector<16xf32>
      %swap3A_1027 = arith.index_cast %scan3A_1015 : i32 to index
      %swap3A_1028 = arith.constant 16 : index
      %swap3A_1029 = tpu.vector_load %arg19[%swap3A_1027, %swap3A_1028] {strides = array<i32>} : memref<128x32xf32, #tpu.memory_space<vmem>>, vector<1x16xf32>,
      %swap3A_1030 = vector.shape_cast %swap3A_1029 : vector<1x16xf32> to vector<16xf32>
      %swap3A_1031 = vector.shape_cast %get3A_1026 : vector<16xf32> to vector<1x16xf32>
      tpu.vector_store %arg19[%swap3A_1027, %swap3A_1028], %swap3A_1031 {add = true, strides = array<i32>} : memref<128x32xf32, #tpu.memory_space<vmem>>, vector<1x16xf32>,
    }
    %scan3A_669 = arith.constant 128 : i32
    %dma_start3A_670 = arith.constant 34 : i32
    %dma_start3A_671 = arith.constant 0 : i32
    %dma_start3A_672 = tpu.memref_slice %arg13[%dma_start3A_670, %dma_start3A_671] : memref<50x128xi32, #tpu.memory_space<vmem>> -> memref<1x128xi32, #tpu.memory_space<vmem>>
    %dma_start3A_673 = tpu.memref_squeeze %dma_start3A_672 : memref<1x128xi32, #tpu.memory_space<vmem>> -> memref<128xi32, #tpu.memory_space<vmem>>
    %dma_start3A_674 = arith.constant 0 : i32
    %dma_start3A_675 = arith.constant 0 : i32
    %dma_start3A_676 = tpu.memref_slice %arg6[%dma_start3A_674, %dma_start3A_675] : memref<1000000x32xf32, #tpu.memory_space<hbm>> -> memref<1000000x32xf32, #tpu.memory_space<hbm>>
    tpu.enqueue_indirect_dma source(%dma_start3A_676 : memref<1000000x32xf32, #tpu.memory_space<hbm>>) target(%arg17 : memref<128x32xf32, #tpu.memory_space<vmem>>) offsets(%dma_start3A_673 : memref<128xi32, #tpu.memory_space<vmem>>) semaphore(%arg20 : memref<!tpu.dma_semaphore, #tpu.memory_space<semaphore_mem>>)
    %dma_wait3A_677 = arith.constant 33 : i32
    %dma_wait3A_678 = arith.constant 0 : i32
    %dma_wait3A_679 = tpu.memref_slice %arg13[%dma_wait3A_677, %dma_wait3A_678] : memref<50x128xi32, #tpu.memory_space<vmem>> -> memref<1x128xi32, #tpu.memory_space<vmem>>
    %dma_wait3A_680 = tpu.memref_squeeze %dma_wait3A_679 : memref<1x128xi32, #tpu.memory_space<vmem>> -> memref<128xi32, #tpu.memory_space<vmem>>
    %dma_wait3A_681 = arith.constant 0 : i32
    %dma_wait3A_682 = arith.constant 0 : i32
    %dma_wait3A_683 = tpu.memref_slice %arg6[%dma_wait3A_681, %dma_wait3A_682] : memref<1000000x32xf32, #tpu.memory_space<hbm>> -> memref<1000000x32xf32, #tpu.memory_space<hbm>>
    tpu.wait_indirect_dma semaphore(%arg21 : memref<!tpu.dma_semaphore, #tpu.memory_space<semaphore_mem>>) src(%dma_wait3A_683 : memref<1000000x32xf32, #tpu.memory_space<hbm>>) dst(%arg18 : memref<128x32xf32, #tpu.memory_space<vmem>>)
    %scan3A_684 = arith.constant 0 : i32
    %scan3A_685 = arith.constant 0 : i32
    %scan3A_686 = arith.constant 128 : i32
    %scan3A_687 = arith.addi %scan3A_685, %scan3A_686 : i32
    %scan3A_688 = arith.constant 1 : i32
    scf.for %scan3A_1015 = %scan3A_685 to %scan3A_687 step %scan3A_688  : i32 {
      %get3A = arith.index_cast %scan3A_1015 : i32 to index
      %get3A_1016 = arith.constant 0 : index
      %get3A_1017 = tpu.vector_load %arg18[%get3A, %get3A_1016] {strides = array<i32>} : memref<128x32xf32, #tpu.memory_space<vmem>>, vector<1x16xf32>,
      %get3A_1018 = vector.shape_cast %get3A_1017 : vector<1x16xf32> to vector<16xf32>
      %swap3A = arith.index_cast %scan3A_1015 : i32 to index
      %swap3A_1019 = arith.constant 0 : index
      %swap3A_1020 = tpu.vector_load %arg19[%swap3A, %swap3A_1019] {strides = array<i32>} : memref<128x32xf32, #tpu.memory_space<vmem>>, vector<1x16xf32>,
      %swap3A_1021 = vector.shape_cast %swap3A_1020 : vector<1x16xf32> to vector<16xf32>
      %swap3A_1022 = vector.shape_cast %get3A_1018 : vector<16xf32> to vector<1x16xf32>
      tpu.vector_store %arg19[%swap3A, %swap3A_1019], %swap3A_1022 {add = true, strides = array<i32>} : memref<128x32xf32, #tpu.memory_space<vmem>>, vector<1x16xf32>,
      %get3A_1023 = arith.index_cast %scan3A_1015 : i32 to index
      %get3A_1024 = arith.constant 16 : index
      %get3A_1025 = tpu.vector_load %arg18[%get3A_1023, %get3A_1024] {strides = array<i32>} : memref<128x32xf32, #tpu.memory_space<vmem>>, vector<1x16xf32>,
      %get3A_1026 = vector.shape_cast %get3A_1025 : vector<1x16xf32> to vector<16xf32>
      %swap3A_1027 = arith.index_cast %scan3A_1015 : i32 to index
      %swap3A_1028 = arith.constant 16 : index
      %swap3A_1029 = tpu.vector_load %arg19[%swap3A_1027, %swap3A_1028] {strides = array<i32>} : memref<128x32xf32, #tpu.memory_space<vmem>>, vector<1x16xf32>,
      %swap3A_1030 = vector.shape_cast %swap3A_1029 : vector<1x16xf32> to vector<16xf32>
      %swap3A_1031 = vector.shape_cast %get3A_1026 : vector<16xf32> to vector<1x16xf32>
      tpu.vector_store %arg19[%swap3A_1027, %swap3A_1028], %swap3A_1031 {add = true, strides = array<i32>} : memref<128x32xf32, #tpu.memory_space<vmem>>, vector<1x16xf32>,
    }
    %scan3A_689 = arith.constant 128 : i32
    %dma_start3A_690 = arith.constant 35 : i32
    %dma_start3A_691 = arith.constant 0 : i32
    %dma_start3A_692 = tpu.memref_slice %arg13[%dma_start3A_690, %dma_start3A_691] : memref<50x128xi32, #tpu.memory_space<vmem>> -> memref<1x128xi32, #tpu.memory_space<vmem>>
    %dma_start3A_693 = tpu.memref_squeeze %dma_start3A_692 : memref<1x128xi32, #tpu.memory_space<vmem>> -> memref<128xi32, #tpu.memory_space<vmem>>
    %dma_start3A_694 = arith.constant 0 : i32
    %dma_start3A_695 = arith.constant 0 : i32
    %dma_start3A_696 = tpu.memref_slice %arg6[%dma_start3A_694, %dma_start3A_695] : memref<1000000x32xf32, #tpu.memory_space<hbm>> -> memref<1000000x32xf32, #tpu.memory_space<hbm>>
    tpu.enqueue_indirect_dma source(%dma_start3A_696 : memref<1000000x32xf32, #tpu.memory_space<hbm>>) target(%arg18 : memref<128x32xf32, #tpu.memory_space<vmem>>) offsets(%dma_start3A_693 : memref<128xi32, #tpu.memory_space<vmem>>) semaphore(%arg21 : memref<!tpu.dma_semaphore, #tpu.memory_space<semaphore_mem>>)
    %dma_wait3A_697 = arith.constant 34 : i32
    %dma_wait3A_698 = arith.constant 0 : i32
    %dma_wait3A_699 = tpu.memref_slice %arg13[%dma_wait3A_697, %dma_wait3A_698] : memref<50x128xi32, #tpu.memory_space<vmem>> -> memref<1x128xi32, #tpu.memory_space<vmem>>
    %dma_wait3A_700 = tpu.memref_squeeze %dma_wait3A_699 : memref<1x128xi32, #tpu.memory_space<vmem>> -> memref<128xi32, #tpu.memory_space<vmem>>
    %dma_wait3A_701 = arith.constant 0 : i32
    %dma_wait3A_702 = arith.constant 0 : i32
    %dma_wait3A_703 = tpu.memref_slice %arg6[%dma_wait3A_701, %dma_wait3A_702] : memref<1000000x32xf32, #tpu.memory_space<hbm>> -> memref<1000000x32xf32, #tpu.memory_space<hbm>>
    tpu.wait_indirect_dma semaphore(%arg20 : memref<!tpu.dma_semaphore, #tpu.memory_space<semaphore_mem>>) src(%dma_wait3A_703 : memref<1000000x32xf32, #tpu.memory_space<hbm>>) dst(%arg17 : memref<128x32xf32, #tpu.memory_space<vmem>>)
    %scan3A_704 = arith.constant 0 : i32
    %scan3A_705 = arith.constant 0 : i32
    %scan3A_706 = arith.constant 128 : i32
    %scan3A_707 = arith.addi %scan3A_705, %scan3A_706 : i32
    %scan3A_708 = arith.constant 1 : i32
    scf.for %scan3A_1015 = %scan3A_705 to %scan3A_707 step %scan3A_708  : i32 {
      %get3A = arith.index_cast %scan3A_1015 : i32 to index
      %get3A_1016 = arith.constant 0 : index
      %get3A_1017 = tpu.vector_load %arg17[%get3A, %get3A_1016] {strides = array<i32>} : memref<128x32xf32, #tpu.memory_space<vmem>>, vector<1x16xf32>,
      %get3A_1018 = vector.shape_cast %get3A_1017 : vector<1x16xf32> to vector<16xf32>
      %swap3A = arith.index_cast %scan3A_1015 : i32 to index
      %swap3A_1019 = arith.constant 0 : index
      %swap3A_1020 = tpu.vector_load %arg19[%swap3A, %swap3A_1019] {strides = array<i32>} : memref<128x32xf32, #tpu.memory_space<vmem>>, vector<1x16xf32>,
      %swap3A_1021 = vector.shape_cast %swap3A_1020 : vector<1x16xf32> to vector<16xf32>
      %swap3A_1022 = vector.shape_cast %get3A_1018 : vector<16xf32> to vector<1x16xf32>
      tpu.vector_store %arg19[%swap3A, %swap3A_1019], %swap3A_1022 {add = true, strides = array<i32>} : memref<128x32xf32, #tpu.memory_space<vmem>>, vector<1x16xf32>,
      %get3A_1023 = arith.index_cast %scan3A_1015 : i32 to index
      %get3A_1024 = arith.constant 16 : index
      %get3A_1025 = tpu.vector_load %arg17[%get3A_1023, %get3A_1024] {strides = array<i32>} : memref<128x32xf32, #tpu.memory_space<vmem>>, vector<1x16xf32>,
      %get3A_1026 = vector.shape_cast %get3A_1025 : vector<1x16xf32> to vector<16xf32>
      %swap3A_1027 = arith.index_cast %scan3A_1015 : i32 to index
      %swap3A_1028 = arith.constant 16 : index
      %swap3A_1029 = tpu.vector_load %arg19[%swap3A_1027, %swap3A_1028] {strides = array<i32>} : memref<128x32xf32, #tpu.memory_space<vmem>>, vector<1x16xf32>,
      %swap3A_1030 = vector.shape_cast %swap3A_1029 : vector<1x16xf32> to vector<16xf32>
      %swap3A_1031 = vector.shape_cast %get3A_1026 : vector<16xf32> to vector<1x16xf32>
      tpu.vector_store %arg19[%swap3A_1027, %swap3A_1028], %swap3A_1031 {add = true, strides = array<i32>} : memref<128x32xf32, #tpu.memory_space<vmem>>, vector<1x16xf32>,
    }
    %scan3A_709 = arith.constant 128 : i32
    %dma_start3A_710 = arith.constant 36 : i32
    %dma_start3A_711 = arith.constant 0 : i32
    %dma_start3A_712 = tpu.memref_slice %arg13[%dma_start3A_710, %dma_start3A_711] : memref<50x128xi32, #tpu.memory_space<vmem>> -> memref<1x128xi32, #tpu.memory_space<vmem>>
    %dma_start3A_713 = tpu.memref_squeeze %dma_start3A_712 : memref<1x128xi32, #tpu.memory_space<vmem>> -> memref<128xi32, #tpu.memory_space<vmem>>
    %dma_start3A_714 = arith.constant 0 : i32
    %dma_start3A_715 = arith.constant 0 : i32
    %dma_start3A_716 = tpu.memref_slice %arg6[%dma_start3A_714, %dma_start3A_715] : memref<1000000x32xf32, #tpu.memory_space<hbm>> -> memref<1000000x32xf32, #tpu.memory_space<hbm>>
    tpu.enqueue_indirect_dma source(%dma_start3A_716 : memref<1000000x32xf32, #tpu.memory_space<hbm>>) target(%arg17 : memref<128x32xf32, #tpu.memory_space<vmem>>) offsets(%dma_start3A_713 : memref<128xi32, #tpu.memory_space<vmem>>) semaphore(%arg20 : memref<!tpu.dma_semaphore, #tpu.memory_space<semaphore_mem>>)
    %dma_wait3A_717 = arith.constant 35 : i32
    %dma_wait3A_718 = arith.constant 0 : i32
    %dma_wait3A_719 = tpu.memref_slice %arg13[%dma_wait3A_717, %dma_wait3A_718] : memref<50x128xi32, #tpu.memory_space<vmem>> -> memref<1x128xi32, #tpu.memory_space<vmem>>
    %dma_wait3A_720 = tpu.memref_squeeze %dma_wait3A_719 : memref<1x128xi32, #tpu.memory_space<vmem>> -> memref<128xi32, #tpu.memory_space<vmem>>
    %dma_wait3A_721 = arith.constant 0 : i32
    %dma_wait3A_722 = arith.constant 0 : i32
    %dma_wait3A_723 = tpu.memref_slice %arg6[%dma_wait3A_721, %dma_wait3A_722] : memref<1000000x32xf32, #tpu.memory_space<hbm>> -> memref<1000000x32xf32, #tpu.memory_space<hbm>>
    tpu.wait_indirect_dma semaphore(%arg21 : memref<!tpu.dma_semaphore, #tpu.memory_space<semaphore_mem>>) src(%dma_wait3A_723 : memref<1000000x32xf32, #tpu.memory_space<hbm>>) dst(%arg18 : memref<128x32xf32, #tpu.memory_space<vmem>>)
    %scan3A_724 = arith.constant 0 : i32
    %scan3A_725 = arith.constant 0 : i32
    %scan3A_726 = arith.constant 128 : i32
    %scan3A_727 = arith.addi %scan3A_725, %scan3A_726 : i32
    %scan3A_728 = arith.constant 1 : i32
    scf.for %scan3A_1015 = %scan3A_725 to %scan3A_727 step %scan3A_728  : i32 {
      %get3A = arith.index_cast %scan3A_1015 : i32 to index
      %get3A_1016 = arith.constant 0 : index
      %get3A_1017 = tpu.vector_load %arg18[%get3A, %get3A_1016] {strides = array<i32>} : memref<128x32xf32, #tpu.memory_space<vmem>>, vector<1x16xf32>,
      %get3A_1018 = vector.shape_cast %get3A_1017 : vector<1x16xf32> to vector<16xf32>
      %swap3A = arith.index_cast %scan3A_1015 : i32 to index
      %swap3A_1019 = arith.constant 0 : index
      %swap3A_1020 = tpu.vector_load %arg19[%swap3A, %swap3A_1019] {strides = array<i32>} : memref<128x32xf32, #tpu.memory_space<vmem>>, vector<1x16xf32>,
      %swap3A_1021 = vector.shape_cast %swap3A_1020 : vector<1x16xf32> to vector<16xf32>
      %swap3A_1022 = vector.shape_cast %get3A_1018 : vector<16xf32> to vector<1x16xf32>
      tpu.vector_store %arg19[%swap3A, %swap3A_1019], %swap3A_1022 {add = true, strides = array<i32>} : memref<128x32xf32, #tpu.memory_space<vmem>>, vector<1x16xf32>,
      %get3A_1023 = arith.index_cast %scan3A_1015 : i32 to index
      %get3A_1024 = arith.constant 16 : index
      %get3A_1025 = tpu.vector_load %arg18[%get3A_1023, %get3A_1024] {strides = array<i32>} : memref<128x32xf32, #tpu.memory_space<vmem>>, vector<1x16xf32>,
      %get3A_1026 = vector.shape_cast %get3A_1025 : vector<1x16xf32> to vector<16xf32>
      %swap3A_1027 = arith.index_cast %scan3A_1015 : i32 to index
      %swap3A_1028 = arith.constant 16 : index
      %swap3A_1029 = tpu.vector_load %arg19[%swap3A_1027, %swap3A_1028] {strides = array<i32>} : memref<128x32xf32, #tpu.memory_space<vmem>>, vector<1x16xf32>,
      %swap3A_1030 = vector.shape_cast %swap3A_1029 : vector<1x16xf32> to vector<16xf32>
      %swap3A_1031 = vector.shape_cast %get3A_1026 : vector<16xf32> to vector<1x16xf32>
      tpu.vector_store %arg19[%swap3A_1027, %swap3A_1028], %swap3A_1031 {add = true, strides = array<i32>} : memref<128x32xf32, #tpu.memory_space<vmem>>, vector<1x16xf32>,
    }
    %scan3A_729 = arith.constant 128 : i32
    %dma_start3A_730 = arith.constant 37 : i32
    %dma_start3A_731 = arith.constant 0 : i32
    %dma_start3A_732 = tpu.memref_slice %arg13[%dma_start3A_730, %dma_start3A_731] : memref<50x128xi32, #tpu.memory_space<vmem>> -> memref<1x128xi32, #tpu.memory_space<vmem>>
    %dma_start3A_733 = tpu.memref_squeeze %dma_start3A_732 : memref<1x128xi32, #tpu.memory_space<vmem>> -> memref<128xi32, #tpu.memory_space<vmem>>
    %dma_start3A_734 = arith.constant 0 : i32
    %dma_start3A_735 = arith.constant 0 : i32
    %dma_start3A_736 = tpu.memref_slice %arg6[%dma_start3A_734, %dma_start3A_735] : memref<1000000x32xf32, #tpu.memory_space<hbm>> -> memref<1000000x32xf32, #tpu.memory_space<hbm>>
    tpu.enqueue_indirect_dma source(%dma_start3A_736 : memref<1000000x32xf32, #tpu.memory_space<hbm>>) target(%arg18 : memref<128x32xf32, #tpu.memory_space<vmem>>) offsets(%dma_start3A_733 : memref<128xi32, #tpu.memory_space<vmem>>) semaphore(%arg21 : memref<!tpu.dma_semaphore, #tpu.memory_space<semaphore_mem>>)
    %dma_wait3A_737 = arith.constant 36 : i32
    %dma_wait3A_738 = arith.constant 0 : i32
    %dma_wait3A_739 = tpu.memref_slice %arg13[%dma_wait3A_737, %dma_wait3A_738] : memref<50x128xi32, #tpu.memory_space<vmem>> -> memref<1x128xi32, #tpu.memory_space<vmem>>
    %dma_wait3A_740 = tpu.memref_squeeze %dma_wait3A_739 : memref<1x128xi32, #tpu.memory_space<vmem>> -> memref<128xi32, #tpu.memory_space<vmem>>
    %dma_wait3A_741 = arith.constant 0 : i32
    %dma_wait3A_742 = arith.constant 0 : i32
    %dma_wait3A_743 = tpu.memref_slice %arg6[%dma_wait3A_741, %dma_wait3A_742] : memref<1000000x32xf32, #tpu.memory_space<hbm>> -> memref<1000000x32xf32, #tpu.memory_space<hbm>>
    tpu.wait_indirect_dma semaphore(%arg20 : memref<!tpu.dma_semaphore, #tpu.memory_space<semaphore_mem>>) src(%dma_wait3A_743 : memref<1000000x32xf32, #tpu.memory_space<hbm>>) dst(%arg17 : memref<128x32xf32, #tpu.memory_space<vmem>>)
    %scan3A_744 = arith.constant 0 : i32
    %scan3A_745 = arith.constant 0 : i32
    %scan3A_746 = arith.constant 128 : i32
    %scan3A_747 = arith.addi %scan3A_745, %scan3A_746 : i32
    %scan3A_748 = arith.constant 1 : i32
    scf.for %scan3A_1015 = %scan3A_745 to %scan3A_747 step %scan3A_748  : i32 {
      %get3A = arith.index_cast %scan3A_1015 : i32 to index
      %get3A_1016 = arith.constant 0 : index
      %get3A_1017 = tpu.vector_load %arg17[%get3A, %get3A_1016] {strides = array<i32>} : memref<128x32xf32, #tpu.memory_space<vmem>>, vector<1x16xf32>,
      %get3A_1018 = vector.shape_cast %get3A_1017 : vector<1x16xf32> to vector<16xf32>
      %swap3A = arith.index_cast %scan3A_1015 : i32 to index
      %swap3A_1019 = arith.constant 0 : index
      %swap3A_1020 = tpu.vector_load %arg19[%swap3A, %swap3A_1019] {strides = array<i32>} : memref<128x32xf32, #tpu.memory_space<vmem>>, vector<1x16xf32>,
      %swap3A_1021 = vector.shape_cast %swap3A_1020 : vector<1x16xf32> to vector<16xf32>
      %swap3A_1022 = vector.shape_cast %get3A_1018 : vector<16xf32> to vector<1x16xf32>
      tpu.vector_store %arg19[%swap3A, %swap3A_1019], %swap3A_1022 {add = true, strides = array<i32>} : memref<128x32xf32, #tpu.memory_space<vmem>>, vector<1x16xf32>,
      %get3A_1023 = arith.index_cast %scan3A_1015 : i32 to index
      %get3A_1024 = arith.constant 16 : index
      %get3A_1025 = tpu.vector_load %arg17[%get3A_1023, %get3A_1024] {strides = array<i32>} : memref<128x32xf32, #tpu.memory_space<vmem>>, vector<1x16xf32>,
      %get3A_1026 = vector.shape_cast %get3A_1025 : vector<1x16xf32> to vector<16xf32>
      %swap3A_1027 = arith.index_cast %scan3A_1015 : i32 to index
      %swap3A_1028 = arith.constant 16 : index
      %swap3A_1029 = tpu.vector_load %arg19[%swap3A_1027, %swap3A_1028] {strides = array<i32>} : memref<128x32xf32, #tpu.memory_space<vmem>>, vector<1x16xf32>,
      %swap3A_1030 = vector.shape_cast %swap3A_1029 : vector<1x16xf32> to vector<16xf32>
      %swap3A_1031 = vector.shape_cast %get3A_1026 : vector<16xf32> to vector<1x16xf32>
      tpu.vector_store %arg19[%swap3A_1027, %swap3A_1028], %swap3A_1031 {add = true, strides = array<i32>} : memref<128x32xf32, #tpu.memory_space<vmem>>, vector<1x16xf32>,
    }
    %scan3A_749 = arith.constant 128 : i32
    %dma_start3A_750 = arith.constant 38 : i32
    %dma_start3A_751 = arith.constant 0 : i32
    %dma_start3A_752 = tpu.memref_slice %arg13[%dma_start3A_750, %dma_start3A_751] : memref<50x128xi32, #tpu.memory_space<vmem>> -> memref<1x128xi32, #tpu.memory_space<vmem>>
    %dma_start3A_753 = tpu.memref_squeeze %dma_start3A_752 : memref<1x128xi32, #tpu.memory_space<vmem>> -> memref<128xi32, #tpu.memory_space<vmem>>
    %dma_start3A_754 = arith.constant 0 : i32
    %dma_start3A_755 = arith.constant 0 : i32
    %dma_start3A_756 = tpu.memref_slice %arg6[%dma_start3A_754, %dma_start3A_755] : memref<1000000x32xf32, #tpu.memory_space<hbm>> -> memref<1000000x32xf32, #tpu.memory_space<hbm>>
    tpu.enqueue_indirect_dma source(%dma_start3A_756 : memref<1000000x32xf32, #tpu.memory_space<hbm>>) target(%arg17 : memref<128x32xf32, #tpu.memory_space<vmem>>) offsets(%dma_start3A_753 : memref<128xi32, #tpu.memory_space<vmem>>) semaphore(%arg20 : memref<!tpu.dma_semaphore, #tpu.memory_space<semaphore_mem>>)
    %dma_wait3A_757 = arith.constant 37 : i32
    %dma_wait3A_758 = arith.constant 0 : i32
    %dma_wait3A_759 = tpu.memref_slice %arg13[%dma_wait3A_757, %dma_wait3A_758] : memref<50x128xi32, #tpu.memory_space<vmem>> -> memref<1x128xi32, #tpu.memory_space<vmem>>
    %dma_wait3A_760 = tpu.memref_squeeze %dma_wait3A_759 : memref<1x128xi32, #tpu.memory_space<vmem>> -> memref<128xi32, #tpu.memory_space<vmem>>
    %dma_wait3A_761 = arith.constant 0 : i32
    %dma_wait3A_762 = arith.constant 0 : i32
    %dma_wait3A_763 = tpu.memref_slice %arg6[%dma_wait3A_761, %dma_wait3A_762] : memref<1000000x32xf32, #tpu.memory_space<hbm>> -> memref<1000000x32xf32, #tpu.memory_space<hbm>>
    tpu.wait_indirect_dma semaphore(%arg21 : memref<!tpu.dma_semaphore, #tpu.memory_space<semaphore_mem>>) src(%dma_wait3A_763 : memref<1000000x32xf32, #tpu.memory_space<hbm>>) dst(%arg18 : memref<128x32xf32, #tpu.memory_space<vmem>>)
    %scan3A_764 = arith.constant 0 : i32
    %scan3A_765 = arith.constant 0 : i32
    %scan3A_766 = arith.constant 128 : i32
    %scan3A_767 = arith.addi %scan3A_765, %scan3A_766 : i32
    %scan3A_768 = arith.constant 1 : i32
    scf.for %scan3A_1015 = %scan3A_765 to %scan3A_767 step %scan3A_768  : i32 {
      %get3A = arith.index_cast %scan3A_1015 : i32 to index
      %get3A_1016 = arith.constant 0 : index
      %get3A_1017 = tpu.vector_load %arg18[%get3A, %get3A_1016] {strides = array<i32>} : memref<128x32xf32, #tpu.memory_space<vmem>>, vector<1x16xf32>,
      %get3A_1018 = vector.shape_cast %get3A_1017 : vector<1x16xf32> to vector<16xf32>
      %swap3A = arith.index_cast %scan3A_1015 : i32 to index
      %swap3A_1019 = arith.constant 0 : index
      %swap3A_1020 = tpu.vector_load %arg19[%swap3A, %swap3A_1019] {strides = array<i32>} : memref<128x32xf32, #tpu.memory_space<vmem>>, vector<1x16xf32>,
      %swap3A_1021 = vector.shape_cast %swap3A_1020 : vector<1x16xf32> to vector<16xf32>
      %swap3A_1022 = vector.shape_cast %get3A_1018 : vector<16xf32> to vector<1x16xf32>
      tpu.vector_store %arg19[%swap3A, %swap3A_1019], %swap3A_1022 {add = true, strides = array<i32>} : memref<128x32xf32, #tpu.memory_space<vmem>>, vector<1x16xf32>,
      %get3A_1023 = arith.index_cast %scan3A_1015 : i32 to index
      %get3A_1024 = arith.constant 16 : index
      %get3A_1025 = tpu.vector_load %arg18[%get3A_1023, %get3A_1024] {strides = array<i32>} : memref<128x32xf32, #tpu.memory_space<vmem>>, vector<1x16xf32>,
      %get3A_1026 = vector.shape_cast %get3A_1025 : vector<1x16xf32> to vector<16xf32>
      %swap3A_1027 = arith.index_cast %scan3A_1015 : i32 to index
      %swap3A_1028 = arith.constant 16 : index
      %swap3A_1029 = tpu.vector_load %arg19[%swap3A_1027, %swap3A_1028] {strides = array<i32>} : memref<128x32xf32, #tpu.memory_space<vmem>>, vector<1x16xf32>,
      %swap3A_1030 = vector.shape_cast %swap3A_1029 : vector<1x16xf32> to vector<16xf32>
      %swap3A_1031 = vector.shape_cast %get3A_1026 : vector<16xf32> to vector<1x16xf32>
      tpu.vector_store %arg19[%swap3A_1027, %swap3A_1028], %swap3A_1031 {add = true, strides = array<i32>} : memref<128x32xf32, #tpu.memory_space<vmem>>, vector<1x16xf32>,
    }
    %scan3A_769 = arith.constant 128 : i32
    %dma_start3A_770 = arith.constant 39 : i32
    %dma_start3A_771 = arith.constant 0 : i32
    %dma_start3A_772 = tpu.memref_slice %arg13[%dma_start3A_770, %dma_start3A_771] : memref<50x128xi32, #tpu.memory_space<vmem>> -> memref<1x128xi32, #tpu.memory_space<vmem>>
    %dma_start3A_773 = tpu.memref_squeeze %dma_start3A_772 : memref<1x128xi32, #tpu.memory_space<vmem>> -> memref<128xi32, #tpu.memory_space<vmem>>
    %dma_start3A_774 = arith.constant 0 : i32
    %dma_start3A_775 = arith.constant 0 : i32
    %dma_start3A_776 = tpu.memref_slice %arg6[%dma_start3A_774, %dma_start3A_775] : memref<1000000x32xf32, #tpu.memory_space<hbm>> -> memref<1000000x32xf32, #tpu.memory_space<hbm>>
    tpu.enqueue_indirect_dma source(%dma_start3A_776 : memref<1000000x32xf32, #tpu.memory_space<hbm>>) target(%arg18 : memref<128x32xf32, #tpu.memory_space<vmem>>) offsets(%dma_start3A_773 : memref<128xi32, #tpu.memory_space<vmem>>) semaphore(%arg21 : memref<!tpu.dma_semaphore, #tpu.memory_space<semaphore_mem>>)
    %dma_wait3A_777 = arith.constant 38 : i32
    %dma_wait3A_778 = arith.constant 0 : i32
    %dma_wait3A_779 = tpu.memref_slice %arg13[%dma_wait3A_777, %dma_wait3A_778] : memref<50x128xi32, #tpu.memory_space<vmem>> -> memref<1x128xi32, #tpu.memory_space<vmem>>
    %dma_wait3A_780 = tpu.memref_squeeze %dma_wait3A_779 : memref<1x128xi32, #tpu.memory_space<vmem>> -> memref<128xi32, #tpu.memory_space<vmem>>
    %dma_wait3A_781 = arith.constant 0 : i32
    %dma_wait3A_782 = arith.constant 0 : i32
    %dma_wait3A_783 = tpu.memref_slice %arg6[%dma_wait3A_781, %dma_wait3A_782] : memref<1000000x32xf32, #tpu.memory_space<hbm>> -> memref<1000000x32xf32, #tpu.memory_space<hbm>>
    tpu.wait_indirect_dma semaphore(%arg20 : memref<!tpu.dma_semaphore, #tpu.memory_space<semaphore_mem>>) src(%dma_wait3A_783 : memref<1000000x32xf32, #tpu.memory_space<hbm>>) dst(%arg17 : memref<128x32xf32, #tpu.memory_space<vmem>>)
    %scan3A_784 = arith.constant 0 : i32
    %scan3A_785 = arith.constant 0 : i32
    %scan3A_786 = arith.constant 128 : i32
    %scan3A_787 = arith.addi %scan3A_785, %scan3A_786 : i32
    %scan3A_788 = arith.constant 1 : i32
    scf.for %scan3A_1015 = %scan3A_785 to %scan3A_787 step %scan3A_788  : i32 {
      %get3A = arith.index_cast %scan3A_1015 : i32 to index
      %get3A_1016 = arith.constant 0 : index
      %get3A_1017 = tpu.vector_load %arg17[%get3A, %get3A_1016] {strides = array<i32>} : memref<128x32xf32, #tpu.memory_space<vmem>>, vector<1x16xf32>,
      %get3A_1018 = vector.shape_cast %get3A_1017 : vector<1x16xf32> to vector<16xf32>
      %swap3A = arith.index_cast %scan3A_1015 : i32 to index
      %swap3A_1019 = arith.constant 0 : index
      %swap3A_1020 = tpu.vector_load %arg19[%swap3A, %swap3A_1019] {strides = array<i32>} : memref<128x32xf32, #tpu.memory_space<vmem>>, vector<1x16xf32>,
      %swap3A_1021 = vector.shape_cast %swap3A_1020 : vector<1x16xf32> to vector<16xf32>
      %swap3A_1022 = vector.shape_cast %get3A_1018 : vector<16xf32> to vector<1x16xf32>
      tpu.vector_store %arg19[%swap3A, %swap3A_1019], %swap3A_1022 {add = true, strides = array<i32>} : memref<128x32xf32, #tpu.memory_space<vmem>>, vector<1x16xf32>,
      %get3A_1023 = arith.index_cast %scan3A_1015 : i32 to index
      %get3A_1024 = arith.constant 16 : index
      %get3A_1025 = tpu.vector_load %arg17[%get3A_1023, %get3A_1024] {strides = array<i32>} : memref<128x32xf32, #tpu.memory_space<vmem>>, vector<1x16xf32>,
      %get3A_1026 = vector.shape_cast %get3A_1025 : vector<1x16xf32> to vector<16xf32>
      %swap3A_1027 = arith.index_cast %scan3A_1015 : i32 to index
      %swap3A_1028 = arith.constant 16 : index
      %swap3A_1029 = tpu.vector_load %arg19[%swap3A_1027, %swap3A_1028] {strides = array<i32>} : memref<128x32xf32, #tpu.memory_space<vmem>>, vector<1x16xf32>,
      %swap3A_1030 = vector.shape_cast %swap3A_1029 : vector<1x16xf32> to vector<16xf32>
      %swap3A_1031 = vector.shape_cast %get3A_1026 : vector<16xf32> to vector<1x16xf32>
      tpu.vector_store %arg19[%swap3A_1027, %swap3A_1028], %swap3A_1031 {add = true, strides = array<i32>} : memref<128x32xf32, #tpu.memory_space<vmem>>, vector<1x16xf32>,
    }
    %scan3A_789 = arith.constant 128 : i32
    %dma_start3A_790 = arith.constant 40 : i32
    %dma_start3A_791 = arith.constant 0 : i32
    %dma_start3A_792 = tpu.memref_slice %arg13[%dma_start3A_790, %dma_start3A_791] : memref<50x128xi32, #tpu.memory_space<vmem>> -> memref<1x128xi32, #tpu.memory_space<vmem>>
    %dma_start3A_793 = tpu.memref_squeeze %dma_start3A_792 : memref<1x128xi32, #tpu.memory_space<vmem>> -> memref<128xi32, #tpu.memory_space<vmem>>
    %dma_start3A_794 = arith.constant 0 : i32
    %dma_start3A_795 = arith.constant 0 : i32
    %dma_start3A_796 = tpu.memref_slice %arg6[%dma_start3A_794, %dma_start3A_795] : memref<1000000x32xf32, #tpu.memory_space<hbm>> -> memref<1000000x32xf32, #tpu.memory_space<hbm>>
    tpu.enqueue_indirect_dma source(%dma_start3A_796 : memref<1000000x32xf32, #tpu.memory_space<hbm>>) target(%arg17 : memref<128x32xf32, #tpu.memory_space<vmem>>) offsets(%dma_start3A_793 : memref<128xi32, #tpu.memory_space<vmem>>) semaphore(%arg20 : memref<!tpu.dma_semaphore, #tpu.memory_space<semaphore_mem>>)
    %dma_wait3A_797 = arith.constant 39 : i32
    %dma_wait3A_798 = arith.constant 0 : i32
    %dma_wait3A_799 = tpu.memref_slice %arg13[%dma_wait3A_797, %dma_wait3A_798] : memref<50x128xi32, #tpu.memory_space<vmem>> -> memref<1x128xi32, #tpu.memory_space<vmem>>
    %dma_wait3A_800 = tpu.memref_squeeze %dma_wait3A_799 : memref<1x128xi32, #tpu.memory_space<vmem>> -> memref<128xi32, #tpu.memory_space<vmem>>
    %dma_wait3A_801 = arith.constant 0 : i32
    %dma_wait3A_802 = arith.constant 0 : i32
    %dma_wait3A_803 = tpu.memref_slice %arg6[%dma_wait3A_801, %dma_wait3A_802] : memref<1000000x32xf32, #tpu.memory_space<hbm>> -> memref<1000000x32xf32, #tpu.memory_space<hbm>>
    tpu.wait_indirect_dma semaphore(%arg21 : memref<!tpu.dma_semaphore, #tpu.memory_space<semaphore_mem>>) src(%dma_wait3A_803 : memref<1000000x32xf32, #tpu.memory_space<hbm>>) dst(%arg18 : memref<128x32xf32, #tpu.memory_space<vmem>>)
    %scan3A_804 = arith.constant 0 : i32
    %scan3A_805 = arith.constant 0 : i32
    %scan3A_806 = arith.constant 128 : i32
    %scan3A_807 = arith.addi %scan3A_805, %scan3A_806 : i32
    %scan3A_808 = arith.constant 1 : i32
    scf.for %scan3A_1015 = %scan3A_805 to %scan3A_807 step %scan3A_808  : i32 {
      %get3A = arith.index_cast %scan3A_1015 : i32 to index
      %get3A_1016 = arith.constant 0 : index
      %get3A_1017 = tpu.vector_load %arg18[%get3A, %get3A_1016] {strides = array<i32>} : memref<128x32xf32, #tpu.memory_space<vmem>>, vector<1x16xf32>,
      %get3A_1018 = vector.shape_cast %get3A_1017 : vector<1x16xf32> to vector<16xf32>
      %swap3A = arith.index_cast %scan3A_1015 : i32 to index
      %swap3A_1019 = arith.constant 0 : index
      %swap3A_1020 = tpu.vector_load %arg19[%swap3A, %swap3A_1019] {strides = array<i32>} : memref<128x32xf32, #tpu.memory_space<vmem>>, vector<1x16xf32>,
      %swap3A_1021 = vector.shape_cast %swap3A_1020 : vector<1x16xf32> to vector<16xf32>
      %swap3A_1022 = vector.shape_cast %get3A_1018 : vector<16xf32> to vector<1x16xf32>
      tpu.vector_store %arg19[%swap3A, %swap3A_1019], %swap3A_1022 {add = true, strides = array<i32>} : memref<128x32xf32, #tpu.memory_space<vmem>>, vector<1x16xf32>,
      %get3A_1023 = arith.index_cast %scan3A_1015 : i32 to index
      %get3A_1024 = arith.constant 16 : index
      %get3A_1025 = tpu.vector_load %arg18[%get3A_1023, %get3A_1024] {strides = array<i32>} : memref<128x32xf32, #tpu.memory_space<vmem>>, vector<1x16xf32>,
      %get3A_1026 = vector.shape_cast %get3A_1025 : vector<1x16xf32> to vector<16xf32>
      %swap3A_1027 = arith.index_cast %scan3A_1015 : i32 to index
      %swap3A_1028 = arith.constant 16 : index
      %swap3A_1029 = tpu.vector_load %arg19[%swap3A_1027, %swap3A_1028] {strides = array<i32>} : memref<128x32xf32, #tpu.memory_space<vmem>>, vector<1x16xf32>,
      %swap3A_1030 = vector.shape_cast %swap3A_1029 : vector<1x16xf32> to vector<16xf32>
      %swap3A_1031 = vector.shape_cast %get3A_1026 : vector<16xf32> to vector<1x16xf32>
      tpu.vector_store %arg19[%swap3A_1027, %swap3A_1028], %swap3A_1031 {add = true, strides = array<i32>} : memref<128x32xf32, #tpu.memory_space<vmem>>, vector<1x16xf32>,
    }
    %scan3A_809 = arith.constant 128 : i32
    %dma_start3A_810 = arith.constant 41 : i32
    %dma_start3A_811 = arith.constant 0 : i32
    %dma_start3A_812 = tpu.memref_slice %arg13[%dma_start3A_810, %dma_start3A_811] : memref<50x128xi32, #tpu.memory_space<vmem>> -> memref<1x128xi32, #tpu.memory_space<vmem>>
    %dma_start3A_813 = tpu.memref_squeeze %dma_start3A_812 : memref<1x128xi32, #tpu.memory_space<vmem>> -> memref<128xi32, #tpu.memory_space<vmem>>
    %dma_start3A_814 = arith.constant 0 : i32
    %dma_start3A_815 = arith.constant 0 : i32
    %dma_start3A_816 = tpu.memref_slice %arg6[%dma_start3A_814, %dma_start3A_815] : memref<1000000x32xf32, #tpu.memory_space<hbm>> -> memref<1000000x32xf32, #tpu.memory_space<hbm>>
    tpu.enqueue_indirect_dma source(%dma_start3A_816 : memref<1000000x32xf32, #tpu.memory_space<hbm>>) target(%arg18 : memref<128x32xf32, #tpu.memory_space<vmem>>) offsets(%dma_start3A_813 : memref<128xi32, #tpu.memory_space<vmem>>) semaphore(%arg21 : memref<!tpu.dma_semaphore, #tpu.memory_space<semaphore_mem>>)
    %dma_wait3A_817 = arith.constant 40 : i32
    %dma_wait3A_818 = arith.constant 0 : i32
    %dma_wait3A_819 = tpu.memref_slice %arg13[%dma_wait3A_817, %dma_wait3A_818] : memref<50x128xi32, #tpu.memory_space<vmem>> -> memref<1x128xi32, #tpu.memory_space<vmem>>
    %dma_wait3A_820 = tpu.memref_squeeze %dma_wait3A_819 : memref<1x128xi32, #tpu.memory_space<vmem>> -> memref<128xi32, #tpu.memory_space<vmem>>
    %dma_wait3A_821 = arith.constant 0 : i32
    %dma_wait3A_822 = arith.constant 0 : i32
    %dma_wait3A_823 = tpu.memref_slice %arg6[%dma_wait3A_821, %dma_wait3A_822] : memref<1000000x32xf32, #tpu.memory_space<hbm>> -> memref<1000000x32xf32, #tpu.memory_space<hbm>>
    tpu.wait_indirect_dma semaphore(%arg20 : memref<!tpu.dma_semaphore, #tpu.memory_space<semaphore_mem>>) src(%dma_wait3A_823 : memref<1000000x32xf32, #tpu.memory_space<hbm>>) dst(%arg17 : memref<128x32xf32, #tpu.memory_space<vmem>>)
    %scan3A_824 = arith.constant 0 : i32
    %scan3A_825 = arith.constant 0 : i32
    %scan3A_826 = arith.constant 128 : i32
    %scan3A_827 = arith.addi %scan3A_825, %scan3A_826 : i32
    %scan3A_828 = arith.constant 1 : i32
    scf.for %scan3A_1015 = %scan3A_825 to %scan3A_827 step %scan3A_828  : i32 {
      %get3A = arith.index_cast %scan3A_1015 : i32 to index
      %get3A_1016 = arith.constant 0 : index
      %get3A_1017 = tpu.vector_load %arg17[%get3A, %get3A_1016] {strides = array<i32>} : memref<128x32xf32, #tpu.memory_space<vmem>>, vector<1x16xf32>,
      %get3A_1018 = vector.shape_cast %get3A_1017 : vector<1x16xf32> to vector<16xf32>
      %swap3A = arith.index_cast %scan3A_1015 : i32 to index
      %swap3A_1019 = arith.constant 0 : index
      %swap3A_1020 = tpu.vector_load %arg19[%swap3A, %swap3A_1019] {strides = array<i32>} : memref<128x32xf32, #tpu.memory_space<vmem>>, vector<1x16xf32>,
      %swap3A_1021 = vector.shape_cast %swap3A_1020 : vector<1x16xf32> to vector<16xf32>
      %swap3A_1022 = vector.shape_cast %get3A_1018 : vector<16xf32> to vector<1x16xf32>
      tpu.vector_store %arg19[%swap3A, %swap3A_1019], %swap3A_1022 {add = true, strides = array<i32>} : memref<128x32xf32, #tpu.memory_space<vmem>>, vector<1x16xf32>,
      %get3A_1023 = arith.index_cast %scan3A_1015 : i32 to index
      %get3A_1024 = arith.constant 16 : index
      %get3A_1025 = tpu.vector_load %arg17[%get3A_1023, %get3A_1024] {strides = array<i32>} : memref<128x32xf32, #tpu.memory_space<vmem>>, vector<1x16xf32>,
      %get3A_1026 = vector.shape_cast %get3A_1025 : vector<1x16xf32> to vector<16xf32>
      %swap3A_1027 = arith.index_cast %scan3A_1015 : i32 to index
      %swap3A_1028 = arith.constant 16 : index
      %swap3A_1029 = tpu.vector_load %arg19[%swap3A_1027, %swap3A_1028] {strides = array<i32>} : memref<128x32xf32, #tpu.memory_space<vmem>>, vector<1x16xf32>,
      %swap3A_1030 = vector.shape_cast %swap3A_1029 : vector<1x16xf32> to vector<16xf32>
      %swap3A_1031 = vector.shape_cast %get3A_1026 : vector<16xf32> to vector<1x16xf32>
      tpu.vector_store %arg19[%swap3A_1027, %swap3A_1028], %swap3A_1031 {add = true, strides = array<i32>} : memref<128x32xf32, #tpu.memory_space<vmem>>, vector<1x16xf32>,
    }
    %scan3A_829 = arith.constant 128 : i32
    %dma_start3A_830 = arith.constant 42 : i32
    %dma_start3A_831 = arith.constant 0 : i32
    %dma_start3A_832 = tpu.memref_slice %arg13[%dma_start3A_830, %dma_start3A_831] : memref<50x128xi32, #tpu.memory_space<vmem>> -> memref<1x128xi32, #tpu.memory_space<vmem>>
    %dma_start3A_833 = tpu.memref_squeeze %dma_start3A_832 : memref<1x128xi32, #tpu.memory_space<vmem>> -> memref<128xi32, #tpu.memory_space<vmem>>
    %dma_start3A_834 = arith.constant 0 : i32
    %dma_start3A_835 = arith.constant 0 : i32
    %dma_start3A_836 = tpu.memref_slice %arg6[%dma_start3A_834, %dma_start3A_835] : memref<1000000x32xf32, #tpu.memory_space<hbm>> -> memref<1000000x32xf32, #tpu.memory_space<hbm>>
    tpu.enqueue_indirect_dma source(%dma_start3A_836 : memref<1000000x32xf32, #tpu.memory_space<hbm>>) target(%arg17 : memref<128x32xf32, #tpu.memory_space<vmem>>) offsets(%dma_start3A_833 : memref<128xi32, #tpu.memory_space<vmem>>) semaphore(%arg20 : memref<!tpu.dma_semaphore, #tpu.memory_space<semaphore_mem>>)
    %dma_wait3A_837 = arith.constant 41 : i32
    %dma_wait3A_838 = arith.constant 0 : i32
    %dma_wait3A_839 = tpu.memref_slice %arg13[%dma_wait3A_837, %dma_wait3A_838] : memref<50x128xi32, #tpu.memory_space<vmem>> -> memref<1x128xi32, #tpu.memory_space<vmem>>
    %dma_wait3A_840 = tpu.memref_squeeze %dma_wait3A_839 : memref<1x128xi32, #tpu.memory_space<vmem>> -> memref<128xi32, #tpu.memory_space<vmem>>
    %dma_wait3A_841 = arith.constant 0 : i32
    %dma_wait3A_842 = arith.constant 0 : i32
    %dma_wait3A_843 = tpu.memref_slice %arg6[%dma_wait3A_841, %dma_wait3A_842] : memref<1000000x32xf32, #tpu.memory_space<hbm>> -> memref<1000000x32xf32, #tpu.memory_space<hbm>>
    tpu.wait_indirect_dma semaphore(%arg21 : memref<!tpu.dma_semaphore, #tpu.memory_space<semaphore_mem>>) src(%dma_wait3A_843 : memref<1000000x32xf32, #tpu.memory_space<hbm>>) dst(%arg18 : memref<128x32xf32, #tpu.memory_space<vmem>>)
    %scan3A_844 = arith.constant 0 : i32
    %scan3A_845 = arith.constant 0 : i32
    %scan3A_846 = arith.constant 128 : i32
    %scan3A_847 = arith.addi %scan3A_845, %scan3A_846 : i32
    %scan3A_848 = arith.constant 1 : i32
    scf.for %scan3A_1015 = %scan3A_845 to %scan3A_847 step %scan3A_848  : i32 {
      %get3A = arith.index_cast %scan3A_1015 : i32 to index
      %get3A_1016 = arith.constant 0 : index
      %get3A_1017 = tpu.vector_load %arg18[%get3A, %get3A_1016] {strides = array<i32>} : memref<128x32xf32, #tpu.memory_space<vmem>>, vector<1x16xf32>,
      %get3A_1018 = vector.shape_cast %get3A_1017 : vector<1x16xf32> to vector<16xf32>
      %swap3A = arith.index_cast %scan3A_1015 : i32 to index
      %swap3A_1019 = arith.constant 0 : index
      %swap3A_1020 = tpu.vector_load %arg19[%swap3A, %swap3A_1019] {strides = array<i32>} : memref<128x32xf32, #tpu.memory_space<vmem>>, vector<1x16xf32>,
      %swap3A_1021 = vector.shape_cast %swap3A_1020 : vector<1x16xf32> to vector<16xf32>
      %swap3A_1022 = vector.shape_cast %get3A_1018 : vector<16xf32> to vector<1x16xf32>
      tpu.vector_store %arg19[%swap3A, %swap3A_1019], %swap3A_1022 {add = true, strides = array<i32>} : memref<128x32xf32, #tpu.memory_space<vmem>>, vector<1x16xf32>,
      %get3A_1023 = arith.index_cast %scan3A_1015 : i32 to index
      %get3A_1024 = arith.constant 16 : index
      %get3A_1025 = tpu.vector_load %arg18[%get3A_1023, %get3A_1024] {strides = array<i32>} : memref<128x32xf32, #tpu.memory_space<vmem>>, vector<1x16xf32>,
      %get3A_1026 = vector.shape_cast %get3A_1025 : vector<1x16xf32> to vector<16xf32>
      %swap3A_1027 = arith.index_cast %scan3A_1015 : i32 to index
      %swap3A_1028 = arith.constant 16 : index
      %swap3A_1029 = tpu.vector_load %arg19[%swap3A_1027, %swap3A_1028] {strides = array<i32>} : memref<128x32xf32, #tpu.memory_space<vmem>>, vector<1x16xf32>,
      %swap3A_1030 = vector.shape_cast %swap3A_1029 : vector<1x16xf32> to vector<16xf32>
      %swap3A_1031 = vector.shape_cast %get3A_1026 : vector<16xf32> to vector<1x16xf32>
      tpu.vector_store %arg19[%swap3A_1027, %swap3A_1028], %swap3A_1031 {add = true, strides = array<i32>} : memref<128x32xf32, #tpu.memory_space<vmem>>, vector<1x16xf32>,
    }
    %scan3A_849 = arith.constant 128 : i32
    %dma_start3A_850 = arith.constant 43 : i32
    %dma_start3A_851 = arith.constant 0 : i32
    %dma_start3A_852 = tpu.memref_slice %arg13[%dma_start3A_850, %dma_start3A_851] : memref<50x128xi32, #tpu.memory_space<vmem>> -> memref<1x128xi32, #tpu.memory_space<vmem>>
    %dma_start3A_853 = tpu.memref_squeeze %dma_start3A_852 : memref<1x128xi32, #tpu.memory_space<vmem>> -> memref<128xi32, #tpu.memory_space<vmem>>
    %dma_start3A_854 = arith.constant 0 : i32
    %dma_start3A_855 = arith.constant 0 : i32
    %dma_start3A_856 = tpu.memref_slice %arg6[%dma_start3A_854, %dma_start3A_855] : memref<1000000x32xf32, #tpu.memory_space<hbm>> -> memref<1000000x32xf32, #tpu.memory_space<hbm>>
    tpu.enqueue_indirect_dma source(%dma_start3A_856 : memref<1000000x32xf32, #tpu.memory_space<hbm>>) target(%arg18 : memref<128x32xf32, #tpu.memory_space<vmem>>) offsets(%dma_start3A_853 : memref<128xi32, #tpu.memory_space<vmem>>) semaphore(%arg21 : memref<!tpu.dma_semaphore, #tpu.memory_space<semaphore_mem>>)
    %dma_wait3A_857 = arith.constant 42 : i32
    %dma_wait3A_858 = arith.constant 0 : i32
    %dma_wait3A_859 = tpu.memref_slice %arg13[%dma_wait3A_857, %dma_wait3A_858] : memref<50x128xi32, #tpu.memory_space<vmem>> -> memref<1x128xi32, #tpu.memory_space<vmem>>
    %dma_wait3A_860 = tpu.memref_squeeze %dma_wait3A_859 : memref<1x128xi32, #tpu.memory_space<vmem>> -> memref<128xi32, #tpu.memory_space<vmem>>
    %dma_wait3A_861 = arith.constant 0 : i32
    %dma_wait3A_862 = arith.constant 0 : i32
    %dma_wait3A_863 = tpu.memref_slice %arg6[%dma_wait3A_861, %dma_wait3A_862] : memref<1000000x32xf32, #tpu.memory_space<hbm>> -> memref<1000000x32xf32, #tpu.memory_space<hbm>>
    tpu.wait_indirect_dma semaphore(%arg20 : memref<!tpu.dma_semaphore, #tpu.memory_space<semaphore_mem>>) src(%dma_wait3A_863 : memref<1000000x32xf32, #tpu.memory_space<hbm>>) dst(%arg17 : memref<128x32xf32, #tpu.memory_space<vmem>>)
    %scan3A_864 = arith.constant 0 : i32
    %scan3A_865 = arith.constant 0 : i32
    %scan3A_866 = arith.constant 128 : i32
    %scan3A_867 = arith.addi %scan3A_865, %scan3A_866 : i32
    %scan3A_868 = arith.constant 1 : i32
    scf.for %scan3A_1015 = %scan3A_865 to %scan3A_867 step %scan3A_868  : i32 {
      %get3A = arith.index_cast %scan3A_1015 : i32 to index
      %get3A_1016 = arith.constant 0 : index
      %get3A_1017 = tpu.vector_load %arg17[%get3A, %get3A_1016] {strides = array<i32>} : memref<128x32xf32, #tpu.memory_space<vmem>>, vector<1x16xf32>,
      %get3A_1018 = vector.shape_cast %get3A_1017 : vector<1x16xf32> to vector<16xf32>
      %swap3A = arith.index_cast %scan3A_1015 : i32 to index
      %swap3A_1019 = arith.constant 0 : index
      %swap3A_1020 = tpu.vector_load %arg19[%swap3A, %swap3A_1019] {strides = array<i32>} : memref<128x32xf32, #tpu.memory_space<vmem>>, vector<1x16xf32>,
      %swap3A_1021 = vector.shape_cast %swap3A_1020 : vector<1x16xf32> to vector<16xf32>
      %swap3A_1022 = vector.shape_cast %get3A_1018 : vector<16xf32> to vector<1x16xf32>
      tpu.vector_store %arg19[%swap3A, %swap3A_1019], %swap3A_1022 {add = true, strides = array<i32>} : memref<128x32xf32, #tpu.memory_space<vmem>>, vector<1x16xf32>,
      %get3A_1023 = arith.index_cast %scan3A_1015 : i32 to index
      %get3A_1024 = arith.constant 16 : index
      %get3A_1025 = tpu.vector_load %arg17[%get3A_1023, %get3A_1024] {strides = array<i32>} : memref<128x32xf32, #tpu.memory_space<vmem>>, vector<1x16xf32>,
      %get3A_1026 = vector.shape_cast %get3A_1025 : vector<1x16xf32> to vector<16xf32>
      %swap3A_1027 = arith.index_cast %scan3A_1015 : i32 to index
      %swap3A_1028 = arith.constant 16 : index
      %swap3A_1029 = tpu.vector_load %arg19[%swap3A_1027, %swap3A_1028] {strides = array<i32>} : memref<128x32xf32, #tpu.memory_space<vmem>>, vector<1x16xf32>,
      %swap3A_1030 = vector.shape_cast %swap3A_1029 : vector<1x16xf32> to vector<16xf32>
      %swap3A_1031 = vector.shape_cast %get3A_1026 : vector<16xf32> to vector<1x16xf32>
      tpu.vector_store %arg19[%swap3A_1027, %swap3A_1028], %swap3A_1031 {add = true, strides = array<i32>} : memref<128x32xf32, #tpu.memory_space<vmem>>, vector<1x16xf32>,
    }
    %scan3A_869 = arith.constant 128 : i32
    %dma_start3A_870 = arith.constant 44 : i32
    %dma_start3A_871 = arith.constant 0 : i32
    %dma_start3A_872 = tpu.memref_slice %arg13[%dma_start3A_870, %dma_start3A_871] : memref<50x128xi32, #tpu.memory_space<vmem>> -> memref<1x128xi32, #tpu.memory_space<vmem>>
    %dma_start3A_873 = tpu.memref_squeeze %dma_start3A_872 : memref<1x128xi32, #tpu.memory_space<vmem>> -> memref<128xi32, #tpu.memory_space<vmem>>
    %dma_start3A_874 = arith.constant 0 : i32
    %dma_start3A_875 = arith.constant 0 : i32
    %dma_start3A_876 = tpu.memref_slice %arg6[%dma_start3A_874, %dma_start3A_875] : memref<1000000x32xf32, #tpu.memory_space<hbm>> -> memref<1000000x32xf32, #tpu.memory_space<hbm>>
    tpu.enqueue_indirect_dma source(%dma_start3A_876 : memref<1000000x32xf32, #tpu.memory_space<hbm>>) target(%arg17 : memref<128x32xf32, #tpu.memory_space<vmem>>) offsets(%dma_start3A_873 : memref<128xi32, #tpu.memory_space<vmem>>) semaphore(%arg20 : memref<!tpu.dma_semaphore, #tpu.memory_space<semaphore_mem>>)
    %dma_wait3A_877 = arith.constant 43 : i32
    %dma_wait3A_878 = arith.constant 0 : i32
    %dma_wait3A_879 = tpu.memref_slice %arg13[%dma_wait3A_877, %dma_wait3A_878] : memref<50x128xi32, #tpu.memory_space<vmem>> -> memref<1x128xi32, #tpu.memory_space<vmem>>
    %dma_wait3A_880 = tpu.memref_squeeze %dma_wait3A_879 : memref<1x128xi32, #tpu.memory_space<vmem>> -> memref<128xi32, #tpu.memory_space<vmem>>
    %dma_wait3A_881 = arith.constant 0 : i32
    %dma_wait3A_882 = arith.constant 0 : i32
    %dma_wait3A_883 = tpu.memref_slice %arg6[%dma_wait3A_881, %dma_wait3A_882] : memref<1000000x32xf32, #tpu.memory_space<hbm>> -> memref<1000000x32xf32, #tpu.memory_space<hbm>>
    tpu.wait_indirect_dma semaphore(%arg21 : memref<!tpu.dma_semaphore, #tpu.memory_space<semaphore_mem>>) src(%dma_wait3A_883 : memref<1000000x32xf32, #tpu.memory_space<hbm>>) dst(%arg18 : memref<128x32xf32, #tpu.memory_space<vmem>>)
    %scan3A_884 = arith.constant 0 : i32
    %scan3A_885 = arith.constant 0 : i32
    %scan3A_886 = arith.constant 128 : i32
    %scan3A_887 = arith.addi %scan3A_885, %scan3A_886 : i32
    %scan3A_888 = arith.constant 1 : i32
    scf.for %scan3A_1015 = %scan3A_885 to %scan3A_887 step %scan3A_888  : i32 {
      %get3A = arith.index_cast %scan3A_1015 : i32 to index
      %get3A_1016 = arith.constant 0 : index
      %get3A_1017 = tpu.vector_load %arg18[%get3A, %get3A_1016] {strides = array<i32>} : memref<128x32xf32, #tpu.memory_space<vmem>>, vector<1x16xf32>,
      %get3A_1018 = vector.shape_cast %get3A_1017 : vector<1x16xf32> to vector<16xf32>
      %swap3A = arith.index_cast %scan3A_1015 : i32 to index
      %swap3A_1019 = arith.constant 0 : index
      %swap3A_1020 = tpu.vector_load %arg19[%swap3A, %swap3A_1019] {strides = array<i32>} : memref<128x32xf32, #tpu.memory_space<vmem>>, vector<1x16xf32>,
      %swap3A_1021 = vector.shape_cast %swap3A_1020 : vector<1x16xf32> to vector<16xf32>
      %swap3A_1022 = vector.shape_cast %get3A_1018 : vector<16xf32> to vector<1x16xf32>
      tpu.vector_store %arg19[%swap3A, %swap3A_1019], %swap3A_1022 {add = true, strides = array<i32>} : memref<128x32xf32, #tpu.memory_space<vmem>>, vector<1x16xf32>,
      %get3A_1023 = arith.index_cast %scan3A_1015 : i32 to index
      %get3A_1024 = arith.constant 16 : index
      %get3A_1025 = tpu.vector_load %arg18[%get3A_1023, %get3A_1024] {strides = array<i32>} : memref<128x32xf32, #tpu.memory_space<vmem>>, vector<1x16xf32>,
      %get3A_1026 = vector.shape_cast %get3A_1025 : vector<1x16xf32> to vector<16xf32>
      %swap3A_1027 = arith.index_cast %scan3A_1015 : i32 to index
      %swap3A_1028 = arith.constant 16 : index
      %swap3A_1029 = tpu.vector_load %arg19[%swap3A_1027, %swap3A_1028] {strides = array<i32>} : memref<128x32xf32, #tpu.memory_space<vmem>>, vector<1x16xf32>,
      %swap3A_1030 = vector.shape_cast %swap3A_1029 : vector<1x16xf32> to vector<16xf32>
      %swap3A_1031 = vector.shape_cast %get3A_1026 : vector<16xf32> to vector<1x16xf32>
      tpu.vector_store %arg19[%swap3A_1027, %swap3A_1028], %swap3A_1031 {add = true, strides = array<i32>} : memref<128x32xf32, #tpu.memory_space<vmem>>, vector<1x16xf32>,
    }
    %scan3A_889 = arith.constant 128 : i32
    %dma_start3A_890 = arith.constant 45 : i32
    %dma_start3A_891 = arith.constant 0 : i32
    %dma_start3A_892 = tpu.memref_slice %arg13[%dma_start3A_890, %dma_start3A_891] : memref<50x128xi32, #tpu.memory_space<vmem>> -> memref<1x128xi32, #tpu.memory_space<vmem>>
    %dma_start3A_893 = tpu.memref_squeeze %dma_start3A_892 : memref<1x128xi32, #tpu.memory_space<vmem>> -> memref<128xi32, #tpu.memory_space<vmem>>
    %dma_start3A_894 = arith.constant 0 : i32
    %dma_start3A_895 = arith.constant 0 : i32
    %dma_start3A_896 = tpu.memref_slice %arg6[%dma_start3A_894, %dma_start3A_895] : memref<1000000x32xf32, #tpu.memory_space<hbm>> -> memref<1000000x32xf32, #tpu.memory_space<hbm>>
    tpu.enqueue_indirect_dma source(%dma_start3A_896 : memref<1000000x32xf32, #tpu.memory_space<hbm>>) target(%arg18 : memref<128x32xf32, #tpu.memory_space<vmem>>) offsets(%dma_start3A_893 : memref<128xi32, #tpu.memory_space<vmem>>) semaphore(%arg21 : memref<!tpu.dma_semaphore, #tpu.memory_space<semaphore_mem>>)
    %dma_wait3A_897 = arith.constant 44 : i32
    %dma_wait3A_898 = arith.constant 0 : i32
    %dma_wait3A_899 = tpu.memref_slice %arg13[%dma_wait3A_897, %dma_wait3A_898] : memref<50x128xi32, #tpu.memory_space<vmem>> -> memref<1x128xi32, #tpu.memory_space<vmem>>
    %dma_wait3A_900 = tpu.memref_squeeze %dma_wait3A_899 : memref<1x128xi32, #tpu.memory_space<vmem>> -> memref<128xi32, #tpu.memory_space<vmem>>
    %dma_wait3A_901 = arith.constant 0 : i32
    %dma_wait3A_902 = arith.constant 0 : i32
    %dma_wait3A_903 = tpu.memref_slice %arg6[%dma_wait3A_901, %dma_wait3A_902] : memref<1000000x32xf32, #tpu.memory_space<hbm>> -> memref<1000000x32xf32, #tpu.memory_space<hbm>>
    tpu.wait_indirect_dma semaphore(%arg20 : memref<!tpu.dma_semaphore, #tpu.memory_space<semaphore_mem>>) src(%dma_wait3A_903 : memref<1000000x32xf32, #tpu.memory_space<hbm>>) dst(%arg17 : memref<128x32xf32, #tpu.memory_space<vmem>>)
    %scan3A_904 = arith.constant 0 : i32
    %scan3A_905 = arith.constant 0 : i32
    %scan3A_906 = arith.constant 128 : i32
    %scan3A_907 = arith.addi %scan3A_905, %scan3A_906 : i32
    %scan3A_908 = arith.constant 1 : i32
    scf.for %scan3A_1015 = %scan3A_905 to %scan3A_907 step %scan3A_908  : i32 {
      %get3A = arith.index_cast %scan3A_1015 : i32 to index
      %get3A_1016 = arith.constant 0 : index
      %get3A_1017 = tpu.vector_load %arg17[%get3A, %get3A_1016] {strides = array<i32>} : memref<128x32xf32, #tpu.memory_space<vmem>>, vector<1x16xf32>,
      %get3A_1018 = vector.shape_cast %get3A_1017 : vector<1x16xf32> to vector<16xf32>
      %swap3A = arith.index_cast %scan3A_1015 : i32 to index
      %swap3A_1019 = arith.constant 0 : index
      %swap3A_1020 = tpu.vector_load %arg19[%swap3A, %swap3A_1019] {strides = array<i32>} : memref<128x32xf32, #tpu.memory_space<vmem>>, vector<1x16xf32>,
      %swap3A_1021 = vector.shape_cast %swap3A_1020 : vector<1x16xf32> to vector<16xf32>
      %swap3A_1022 = vector.shape_cast %get3A_1018 : vector<16xf32> to vector<1x16xf32>
      tpu.vector_store %arg19[%swap3A, %swap3A_1019], %swap3A_1022 {add = true, strides = array<i32>} : memref<128x32xf32, #tpu.memory_space<vmem>>, vector<1x16xf32>,
      %get3A_1023 = arith.index_cast %scan3A_1015 : i32 to index
      %get3A_1024 = arith.constant 16 : index
      %get3A_1025 = tpu.vector_load %arg17[%get3A_1023, %get3A_1024] {strides = array<i32>} : memref<128x32xf32, #tpu.memory_space<vmem>>, vector<1x16xf32>,
      %get3A_1026 = vector.shape_cast %get3A_1025 : vector<1x16xf32> to vector<16xf32>
      %swap3A_1027 = arith.index_cast %scan3A_1015 : i32 to index
      %swap3A_1028 = arith.constant 16 : index
      %swap3A_1029 = tpu.vector_load %arg19[%swap3A_1027, %swap3A_1028] {strides = array<i32>} : memref<128x32xf32, #tpu.memory_space<vmem>>, vector<1x16xf32>,
      %swap3A_1030 = vector.shape_cast %swap3A_1029 : vector<1x16xf32> to vector<16xf32>
      %swap3A_1031 = vector.shape_cast %get3A_1026 : vector<16xf32> to vector<1x16xf32>
      tpu.vector_store %arg19[%swap3A_1027, %swap3A_1028], %swap3A_1031 {add = true, strides = array<i32>} : memref<128x32xf32, #tpu.memory_space<vmem>>, vector<1x16xf32>,
    }
    %scan3A_909 = arith.constant 128 : i32
    %dma_start3A_910 = arith.constant 46 : i32
    %dma_start3A_911 = arith.constant 0 : i32
    %dma_start3A_912 = tpu.memref_slice %arg13[%dma_start3A_910, %dma_start3A_911] : memref<50x128xi32, #tpu.memory_space<vmem>> -> memref<1x128xi32, #tpu.memory_space<vmem>>
    %dma_start3A_913 = tpu.memref_squeeze %dma_start3A_912 : memref<1x128xi32, #tpu.memory_space<vmem>> -> memref<128xi32, #tpu.memory_space<vmem>>
    %dma_start3A_914 = arith.constant 0 : i32
    %dma_start3A_915 = arith.constant 0 : i32
    %dma_start3A_916 = tpu.memref_slice %arg6[%dma_start3A_914, %dma_start3A_915] : memref<1000000x32xf32, #tpu.memory_space<hbm>> -> memref<1000000x32xf32, #tpu.memory_space<hbm>>
    tpu.enqueue_indirect_dma source(%dma_start3A_916 : memref<1000000x32xf32, #tpu.memory_space<hbm>>) target(%arg17 : memref<128x32xf32, #tpu.memory_space<vmem>>) offsets(%dma_start3A_913 : memref<128xi32, #tpu.memory_space<vmem>>) semaphore(%arg20 : memref<!tpu.dma_semaphore, #tpu.memory_space<semaphore_mem>>)
    %dma_wait3A_917 = arith.constant 45 : i32
    %dma_wait3A_918 = arith.constant 0 : i32
    %dma_wait3A_919 = tpu.memref_slice %arg13[%dma_wait3A_917, %dma_wait3A_918] : memref<50x128xi32, #tpu.memory_space<vmem>> -> memref<1x128xi32, #tpu.memory_space<vmem>>
    %dma_wait3A_920 = tpu.memref_squeeze %dma_wait3A_919 : memref<1x128xi32, #tpu.memory_space<vmem>> -> memref<128xi32, #tpu.memory_space<vmem>>
    %dma_wait3A_921 = arith.constant 0 : i32
    %dma_wait3A_922 = arith.constant 0 : i32
    %dma_wait3A_923 = tpu.memref_slice %arg6[%dma_wait3A_921, %dma_wait3A_922] : memref<1000000x32xf32, #tpu.memory_space<hbm>> -> memref<1000000x32xf32, #tpu.memory_space<hbm>>
    tpu.wait_indirect_dma semaphore(%arg21 : memref<!tpu.dma_semaphore, #tpu.memory_space<semaphore_mem>>) src(%dma_wait3A_923 : memref<1000000x32xf32, #tpu.memory_space<hbm>>) dst(%arg18 : memref<128x32xf32, #tpu.memory_space<vmem>>)
    %scan3A_924 = arith.constant 0 : i32
    %scan3A_925 = arith.constant 0 : i32
    %scan3A_926 = arith.constant 128 : i32
    %scan3A_927 = arith.addi %scan3A_925, %scan3A_926 : i32
    %scan3A_928 = arith.constant 1 : i32
    scf.for %scan3A_1015 = %scan3A_925 to %scan3A_927 step %scan3A_928  : i32 {
      %get3A = arith.index_cast %scan3A_1015 : i32 to index
      %get3A_1016 = arith.constant 0 : index
      %get3A_1017 = tpu.vector_load %arg18[%get3A, %get3A_1016] {strides = array<i32>} : memref<128x32xf32, #tpu.memory_space<vmem>>, vector<1x16xf32>,
      %get3A_1018 = vector.shape_cast %get3A_1017 : vector<1x16xf32> to vector<16xf32>
      %swap3A = arith.index_cast %scan3A_1015 : i32 to index
      %swap3A_1019 = arith.constant 0 : index
      %swap3A_1020 = tpu.vector_load %arg19[%swap3A, %swap3A_1019] {strides = array<i32>} : memref<128x32xf32, #tpu.memory_space<vmem>>, vector<1x16xf32>,
      %swap3A_1021 = vector.shape_cast %swap3A_1020 : vector<1x16xf32> to vector<16xf32>
      %swap3A_1022 = vector.shape_cast %get3A_1018 : vector<16xf32> to vector<1x16xf32>
      tpu.vector_store %arg19[%swap3A, %swap3A_1019], %swap3A_1022 {add = true, strides = array<i32>} : memref<128x32xf32, #tpu.memory_space<vmem>>, vector<1x16xf32>,
      %get3A_1023 = arith.index_cast %scan3A_1015 : i32 to index
      %get3A_1024 = arith.constant 16 : index
      %get3A_1025 = tpu.vector_load %arg18[%get3A_1023, %get3A_1024] {strides = array<i32>} : memref<128x32xf32, #tpu.memory_space<vmem>>, vector<1x16xf32>,
      %get3A_1026 = vector.shape_cast %get3A_1025 : vector<1x16xf32> to vector<16xf32>
      %swap3A_1027 = arith.index_cast %scan3A_1015 : i32 to index
      %swap3A_1028 = arith.constant 16 : index
      %swap3A_1029 = tpu.vector_load %arg19[%swap3A_1027, %swap3A_1028] {strides = array<i32>} : memref<128x32xf32, #tpu.memory_space<vmem>>, vector<1x16xf32>,
      %swap3A_1030 = vector.shape_cast %swap3A_1029 : vector<1x16xf32> to vector<16xf32>
      %swap3A_1031 = vector.shape_cast %get3A_1026 : vector<16xf32> to vector<1x16xf32>
      tpu.vector_store %arg19[%swap3A_1027, %swap3A_1028], %swap3A_1031 {add = true, strides = array<i32>} : memref<128x32xf32, #tpu.memory_space<vmem>>, vector<1x16xf32>,
    }
    %scan3A_929 = arith.constant 128 : i32
    %dma_start3A_930 = arith.constant 47 : i32
    %dma_start3A_931 = arith.constant 0 : i32
    %dma_start3A_932 = tpu.memref_slice %arg13[%dma_start3A_930, %dma_start3A_931] : memref<50x128xi32, #tpu.memory_space<vmem>> -> memref<1x128xi32, #tpu.memory_space<vmem>>
    %dma_start3A_933 = tpu.memref_squeeze %dma_start3A_932 : memref<1x128xi32, #tpu.memory_space<vmem>> -> memref<128xi32, #tpu.memory_space<vmem>>
    %dma_start3A_934 = arith.constant 0 : i32
    %dma_start3A_935 = arith.constant 0 : i32
    %dma_start3A_936 = tpu.memref_slice %arg6[%dma_start3A_934, %dma_start3A_935] : memref<1000000x32xf32, #tpu.memory_space<hbm>> -> memref<1000000x32xf32, #tpu.memory_space<hbm>>
    tpu.enqueue_indirect_dma source(%dma_start3A_936 : memref<1000000x32xf32, #tpu.memory_space<hbm>>) target(%arg18 : memref<128x32xf32, #tpu.memory_space<vmem>>) offsets(%dma_start3A_933 : memref<128xi32, #tpu.memory_space<vmem>>) semaphore(%arg21 : memref<!tpu.dma_semaphore, #tpu.memory_space<semaphore_mem>>)
    %dma_wait3A_937 = arith.constant 46 : i32
    %dma_wait3A_938 = arith.constant 0 : i32
    %dma_wait3A_939 = tpu.memref_slice %arg13[%dma_wait3A_937, %dma_wait3A_938] : memref<50x128xi32, #tpu.memory_space<vmem>> -> memref<1x128xi32, #tpu.memory_space<vmem>>
    %dma_wait3A_940 = tpu.memref_squeeze %dma_wait3A_939 : memref<1x128xi32, #tpu.memory_space<vmem>> -> memref<128xi32, #tpu.memory_space<vmem>>
    %dma_wait3A_941 = arith.constant 0 : i32
    %dma_wait3A_942 = arith.constant 0 : i32
    %dma_wait3A_943 = tpu.memref_slice %arg6[%dma_wait3A_941, %dma_wait3A_942] : memref<1000000x32xf32, #tpu.memory_space<hbm>> -> memref<1000000x32xf32, #tpu.memory_space<hbm>>
    tpu.wait_indirect_dma semaphore(%arg20 : memref<!tpu.dma_semaphore, #tpu.memory_space<semaphore_mem>>) src(%dma_wait3A_943 : memref<1000000x32xf32, #tpu.memory_space<hbm>>) dst(%arg17 : memref<128x32xf32, #tpu.memory_space<vmem>>)
    %scan3A_944 = arith.constant 0 : i32
    %scan3A_945 = arith.constant 0 : i32
    %scan3A_946 = arith.constant 128 : i32
    %scan3A_947 = arith.addi %scan3A_945, %scan3A_946 : i32
    %scan3A_948 = arith.constant 1 : i32
    scf.for %scan3A_1015 = %scan3A_945 to %scan3A_947 step %scan3A_948  : i32 {
      %get3A = arith.index_cast %scan3A_1015 : i32 to index
      %get3A_1016 = arith.constant 0 : index
      %get3A_1017 = tpu.vector_load %arg17[%get3A, %get3A_1016] {strides = array<i32>} : memref<128x32xf32, #tpu.memory_space<vmem>>, vector<1x16xf32>,
      %get3A_1018 = vector.shape_cast %get3A_1017 : vector<1x16xf32> to vector<16xf32>
      %swap3A = arith.index_cast %scan3A_1015 : i32 to index
      %swap3A_1019 = arith.constant 0 : index
      %swap3A_1020 = tpu.vector_load %arg19[%swap3A, %swap3A_1019] {strides = array<i32>} : memref<128x32xf32, #tpu.memory_space<vmem>>, vector<1x16xf32>,
      %swap3A_1021 = vector.shape_cast %swap3A_1020 : vector<1x16xf32> to vector<16xf32>
      %swap3A_1022 = vector.shape_cast %get3A_1018 : vector<16xf32> to vector<1x16xf32>
      tpu.vector_store %arg19[%swap3A, %swap3A_1019], %swap3A_1022 {add = true, strides = array<i32>} : memref<128x32xf32, #tpu.memory_space<vmem>>, vector<1x16xf32>,
      %get3A_1023 = arith.index_cast %scan3A_1015 : i32 to index
      %get3A_1024 = arith.constant 16 : index
      %get3A_1025 = tpu.vector_load %arg17[%get3A_1023, %get3A_1024] {strides = array<i32>} : memref<128x32xf32, #tpu.memory_space<vmem>>, vector<1x16xf32>,
      %get3A_1026 = vector.shape_cast %get3A_1025 : vector<1x16xf32> to vector<16xf32>
      %swap3A_1027 = arith.index_cast %scan3A_1015 : i32 to index
      %swap3A_1028 = arith.constant 16 : index
      %swap3A_1029 = tpu.vector_load %arg19[%swap3A_1027, %swap3A_1028] {strides = array<i32>} : memref<128x32xf32, #tpu.memory_space<vmem>>, vector<1x16xf32>,
      %swap3A_1030 = vector.shape_cast %swap3A_1029 : vector<1x16xf32> to vector<16xf32>
      %swap3A_1031 = vector.shape_cast %get3A_1026 : vector<16xf32> to vector<1x16xf32>
      tpu.vector_store %arg19[%swap3A_1027, %swap3A_1028], %swap3A_1031 {add = true, strides = array<i32>} : memref<128x32xf32, #tpu.memory_space<vmem>>, vector<1x16xf32>,
    }
    %scan3A_949 = arith.constant 128 : i32
    %dma_start3A_950 = arith.constant 48 : i32
    %dma_start3A_951 = arith.constant 0 : i32
    %dma_start3A_952 = tpu.memref_slice %arg13[%dma_start3A_950, %dma_start3A_951] : memref<50x128xi32, #tpu.memory_space<vmem>> -> memref<1x128xi32, #tpu.memory_space<vmem>>
    %dma_start3A_953 = tpu.memref_squeeze %dma_start3A_952 : memref<1x128xi32, #tpu.memory_space<vmem>> -> memref<128xi32, #tpu.memory_space<vmem>>
    %dma_start3A_954 = arith.constant 0 : i32
    %dma_start3A_955 = arith.constant 0 : i32
    %dma_start3A_956 = tpu.memref_slice %arg6[%dma_start3A_954, %dma_start3A_955] : memref<1000000x32xf32, #tpu.memory_space<hbm>> -> memref<1000000x32xf32, #tpu.memory_space<hbm>>
    tpu.enqueue_indirect_dma source(%dma_start3A_956 : memref<1000000x32xf32, #tpu.memory_space<hbm>>) target(%arg17 : memref<128x32xf32, #tpu.memory_space<vmem>>) offsets(%dma_start3A_953 : memref<128xi32, #tpu.memory_space<vmem>>) semaphore(%arg20 : memref<!tpu.dma_semaphore, #tpu.memory_space<semaphore_mem>>)
    %dma_wait3A_957 = arith.constant 47 : i32
    %dma_wait3A_958 = arith.constant 0 : i32
    %dma_wait3A_959 = tpu.memref_slice %arg13[%dma_wait3A_957, %dma_wait3A_958] : memref<50x128xi32, #tpu.memory_space<vmem>> -> memref<1x128xi32, #tpu.memory_space<vmem>>
    %dma_wait3A_960 = tpu.memref_squeeze %dma_wait3A_959 : memref<1x128xi32, #tpu.memory_space<vmem>> -> memref<128xi32, #tpu.memory_space<vmem>>
    %dma_wait3A_961 = arith.constant 0 : i32
    %dma_wait3A_962 = arith.constant 0 : i32
    %dma_wait3A_963 = tpu.memref_slice %arg6[%dma_wait3A_961, %dma_wait3A_962] : memref<1000000x32xf32, #tpu.memory_space<hbm>> -> memref<1000000x32xf32, #tpu.memory_space<hbm>>
    tpu.wait_indirect_dma semaphore(%arg21 : memref<!tpu.dma_semaphore, #tpu.memory_space<semaphore_mem>>) src(%dma_wait3A_963 : memref<1000000x32xf32, #tpu.memory_space<hbm>>) dst(%arg18 : memref<128x32xf32, #tpu.memory_space<vmem>>)
    %scan3A_964 = arith.constant 0 : i32
    %scan3A_965 = arith.constant 0 : i32
    %scan3A_966 = arith.constant 128 : i32
    %scan3A_967 = arith.addi %scan3A_965, %scan3A_966 : i32
    %scan3A_968 = arith.constant 1 : i32
    scf.for %scan3A_1015 = %scan3A_965 to %scan3A_967 step %scan3A_968  : i32 {
      %get3A = arith.index_cast %scan3A_1015 : i32 to index
      %get3A_1016 = arith.constant 0 : index
      %get3A_1017 = tpu.vector_load %arg18[%get3A, %get3A_1016] {strides = array<i32>} : memref<128x32xf32, #tpu.memory_space<vmem>>, vector<1x16xf32>,
      %get3A_1018 = vector.shape_cast %get3A_1017 : vector<1x16xf32> to vector<16xf32>
      %swap3A = arith.index_cast %scan3A_1015 : i32 to index
      %swap3A_1019 = arith.constant 0 : index
      %swap3A_1020 = tpu.vector_load %arg19[%swap3A, %swap3A_1019] {strides = array<i32>} : memref<128x32xf32, #tpu.memory_space<vmem>>, vector<1x16xf32>,
      %swap3A_1021 = vector.shape_cast %swap3A_1020 : vector<1x16xf32> to vector<16xf32>
      %swap3A_1022 = vector.shape_cast %get3A_1018 : vector<16xf32> to vector<1x16xf32>
      tpu.vector_store %arg19[%swap3A, %swap3A_1019], %swap3A_1022 {add = true, strides = array<i32>} : memref<128x32xf32, #tpu.memory_space<vmem>>, vector<1x16xf32>,
      %get3A_1023 = arith.index_cast %scan3A_1015 : i32 to index
      %get3A_1024 = arith.constant 16 : index
      %get3A_1025 = tpu.vector_load %arg18[%get3A_1023, %get3A_1024] {strides = array<i32>} : memref<128x32xf32, #tpu.memory_space<vmem>>, vector<1x16xf32>,
      %get3A_1026 = vector.shape_cast %get3A_1025 : vector<1x16xf32> to vector<16xf32>
      %swap3A_1027 = arith.index_cast %scan3A_1015 : i32 to index
      %swap3A_1028 = arith.constant 16 : index
      %swap3A_1029 = tpu.vector_load %arg19[%swap3A_1027, %swap3A_1028] {strides = array<i32>} : memref<128x32xf32, #tpu.memory_space<vmem>>, vector<1x16xf32>,
      %swap3A_1030 = vector.shape_cast %swap3A_1029 : vector<1x16xf32> to vector<16xf32>
      %swap3A_1031 = vector.shape_cast %get3A_1026 : vector<16xf32> to vector<1x16xf32>
      tpu.vector_store %arg19[%swap3A_1027, %swap3A_1028], %swap3A_1031 {add = true, strides = array<i32>} : memref<128x32xf32, #tpu.memory_space<vmem>>, vector<1x16xf32>,
    }
    %scan3A_969 = arith.constant 128 : i32
    %dma_start3A_970 = arith.constant 49 : i32
    %dma_start3A_971 = arith.constant 0 : i32
    %dma_start3A_972 = tpu.memref_slice %arg13[%dma_start3A_970, %dma_start3A_971] : memref<50x128xi32, #tpu.memory_space<vmem>> -> memref<1x128xi32, #tpu.memory_space<vmem>>
    %dma_start3A_973 = tpu.memref_squeeze %dma_start3A_972 : memref<1x128xi32, #tpu.memory_space<vmem>> -> memref<128xi32, #tpu.memory_space<vmem>>
    %dma_start3A_974 = arith.constant 0 : i32
    %dma_start3A_975 = arith.constant 0 : i32
    %dma_start3A_976 = tpu.memref_slice %arg6[%dma_start3A_974, %dma_start3A_975] : memref<1000000x32xf32, #tpu.memory_space<hbm>> -> memref<1000000x32xf32, #tpu.memory_space<hbm>>
    tpu.enqueue_indirect_dma source(%dma_start3A_976 : memref<1000000x32xf32, #tpu.memory_space<hbm>>) target(%arg18 : memref<128x32xf32, #tpu.memory_space<vmem>>) offsets(%dma_start3A_973 : memref<128xi32, #tpu.memory_space<vmem>>) semaphore(%arg21 : memref<!tpu.dma_semaphore, #tpu.memory_space<semaphore_mem>>)
    %dma_wait3A_977 = arith.constant 48 : i32
    %dma_wait3A_978 = arith.constant 0 : i32
    %dma_wait3A_979 = tpu.memref_slice %arg13[%dma_wait3A_977, %dma_wait3A_978] : memref<50x128xi32, #tpu.memory_space<vmem>> -> memref<1x128xi32, #tpu.memory_space<vmem>>
    %dma_wait3A_980 = tpu.memref_squeeze %dma_wait3A_979 : memref<1x128xi32, #tpu.memory_space<vmem>> -> memref<128xi32, #tpu.memory_space<vmem>>
    %dma_wait3A_981 = arith.constant 0 : i32
    %dma_wait3A_982 = arith.constant 0 : i32
    %dma_wait3A_983 = tpu.memref_slice %arg6[%dma_wait3A_981, %dma_wait3A_982] : memref<1000000x32xf32, #tpu.memory_space<hbm>> -> memref<1000000x32xf32, #tpu.memory_space<hbm>>
    tpu.wait_indirect_dma semaphore(%arg20 : memref<!tpu.dma_semaphore, #tpu.memory_space<semaphore_mem>>) src(%dma_wait3A_983 : memref<1000000x32xf32, #tpu.memory_space<hbm>>) dst(%arg17 : memref<128x32xf32, #tpu.memory_space<vmem>>)
    %scan3A_984 = arith.constant 0 : i32
    %scan3A_985 = arith.constant 0 : i32
    %scan3A_986 = arith.constant 128 : i32
    %scan3A_987 = arith.addi %scan3A_985, %scan3A_986 : i32
    %scan3A_988 = arith.constant 1 : i32
    scf.for %scan3A_1015 = %scan3A_985 to %scan3A_987 step %scan3A_988  : i32 {
      %get3A = arith.index_cast %scan3A_1015 : i32 to index
      %get3A_1016 = arith.constant 0 : index
      %get3A_1017 = tpu.vector_load %arg17[%get3A, %get3A_1016] {strides = array<i32>} : memref<128x32xf32, #tpu.memory_space<vmem>>, vector<1x16xf32>,
      %get3A_1018 = vector.shape_cast %get3A_1017 : vector<1x16xf32> to vector<16xf32>
      %swap3A = arith.index_cast %scan3A_1015 : i32 to index
      %swap3A_1019 = arith.constant 0 : index
      %swap3A_1020 = tpu.vector_load %arg19[%swap3A, %swap3A_1019] {strides = array<i32>} : memref<128x32xf32, #tpu.memory_space<vmem>>, vector<1x16xf32>,
      %swap3A_1021 = vector.shape_cast %swap3A_1020 : vector<1x16xf32> to vector<16xf32>
      %swap3A_1022 = vector.shape_cast %get3A_1018 : vector<16xf32> to vector<1x16xf32>
      tpu.vector_store %arg19[%swap3A, %swap3A_1019], %swap3A_1022 {add = true, strides = array<i32>} : memref<128x32xf32, #tpu.memory_space<vmem>>, vector<1x16xf32>,
      %get3A_1023 = arith.index_cast %scan3A_1015 : i32 to index
      %get3A_1024 = arith.constant 16 : index
      %get3A_1025 = tpu.vector_load %arg17[%get3A_1023, %get3A_1024] {strides = array<i32>} : memref<128x32xf32, #tpu.memory_space<vmem>>, vector<1x16xf32>,
      %get3A_1026 = vector.shape_cast %get3A_1025 : vector<1x16xf32> to vector<16xf32>
      %swap3A_1027 = arith.index_cast %scan3A_1015 : i32 to index
      %swap3A_1028 = arith.constant 16 : index
      %swap3A_1029 = tpu.vector_load %arg19[%swap3A_1027, %swap3A_1028] {strides = array<i32>} : memref<128x32xf32, #tpu.memory_space<vmem>>, vector<1x16xf32>,
      %swap3A_1030 = vector.shape_cast %swap3A_1029 : vector<1x16xf32> to vector<16xf32>
      %swap3A_1031 = vector.shape_cast %get3A_1026 : vector<16xf32> to vector<1x16xf32>
      tpu.vector_store %arg19[%swap3A_1027, %swap3A_1028], %swap3A_1031 {add = true, strides = array<i32>} : memref<128x32xf32, #tpu.memory_space<vmem>>, vector<1x16xf32>,
    }
    %scan3A_989 = arith.constant 128 : i32
    %dma_wait3A_990 = arith.constant 49 : i32
    %dma_wait3A_991 = arith.constant 0 : i32
    %dma_wait3A_992 = tpu.memref_slice %arg13[%dma_wait3A_990, %dma_wait3A_991] : memref<50x128xi32, #tpu.memory_space<vmem>> -> memref<1x128xi32, #tpu.memory_space<vmem>>
    %dma_wait3A_993 = tpu.memref_squeeze %dma_wait3A_992 : memref<1x128xi32, #tpu.memory_space<vmem>> -> memref<128xi32, #tpu.memory_space<vmem>>
    %dma_wait3A_994 = arith.constant 0 : i32
    %dma_wait3A_995 = arith.constant 0 : i32
    %dma_wait3A_996 = tpu.memref_slice %arg6[%dma_wait3A_994, %dma_wait3A_995] : memref<1000000x32xf32, #tpu.memory_space<hbm>> -> memref<1000000x32xf32, #tpu.memory_space<hbm>>
    tpu.wait_indirect_dma semaphore(%arg21 : memref<!tpu.dma_semaphore, #tpu.memory_space<semaphore_mem>>) src(%dma_wait3A_996 : memref<1000000x32xf32, #tpu.memory_space<hbm>>) dst(%arg18 : memref<128x32xf32, #tpu.memory_space<vmem>>)
    %scan3A_997 = arith.constant 0 : i32
    %scan3A_998 = arith.constant 0 : i32
    %scan3A_999 = arith.constant 128 : i32
    %scan3A_1000 = arith.addi %scan3A_998, %scan3A_999 : i32
    %scan3A_1001 = arith.constant 1 : i32
    scf.for %scan3A_1015 = %scan3A_998 to %scan3A_1000 step %scan3A_1001  : i32 {
      %get3A = arith.index_cast %scan3A_1015 : i32 to index
      %get3A_1016 = arith.constant 0 : index
      %get3A_1017 = tpu.vector_load %arg18[%get3A, %get3A_1016] {strides = array<i32>} : memref<128x32xf32, #tpu.memory_space<vmem>>, vector<1x16xf32>,
      %get3A_1018 = vector.shape_cast %get3A_1017 : vector<1x16xf32> to vector<16xf32>
      %swap3A = arith.index_cast %scan3A_1015 : i32 to index
      %swap3A_1019 = arith.constant 0 : index
      %swap3A_1020 = tpu.vector_load %arg19[%swap3A, %swap3A_1019] {strides = array<i32>} : memref<128x32xf32, #tpu.memory_space<vmem>>, vector<1x16xf32>,
      %swap3A_1021 = vector.shape_cast %swap3A_1020 : vector<1x16xf32> to vector<16xf32>
      %swap3A_1022 = vector.shape_cast %get3A_1018 : vector<16xf32> to vector<1x16xf32>
      tpu.vector_store %arg19[%swap3A, %swap3A_1019], %swap3A_1022 {add = true, strides = array<i32>} : memref<128x32xf32, #tpu.memory_space<vmem>>, vector<1x16xf32>,
      %get3A_1023 = arith.index_cast %scan3A_1015 : i32 to index
      %get3A_1024 = arith.constant 16 : index
      %get3A_1025 = tpu.vector_load %arg18[%get3A_1023, %get3A_1024] {strides = array<i32>} : memref<128x32xf32, #tpu.memory_space<vmem>>, vector<1x16xf32>,
      %get3A_1026 = vector.shape_cast %get3A_1025 : vector<1x16xf32> to vector<16xf32>
      %swap3A_1027 = arith.index_cast %scan3A_1015 : i32 to index
      %swap3A_1028 = arith.constant 16 : index
      %swap3A_1029 = tpu.vector_load %arg19[%swap3A_1027, %swap3A_1028] {strides = array<i32>} : memref<128x32xf32, #tpu.memory_space<vmem>>, vector<1x16xf32>,
      %swap3A_1030 = vector.shape_cast %swap3A_1029 : vector<1x16xf32> to vector<16xf32>
      %swap3A_1031 = vector.shape_cast %get3A_1026 : vector<16xf32> to vector<1x16xf32>
      tpu.vector_store %arg19[%swap3A_1027, %swap3A_1028], %swap3A_1031 {add = true, strides = array<i32>} : memref<128x32xf32, #tpu.memory_space<vmem>>, vector<1x16xf32>,
    }
    %scan3A_1002 = arith.constant 128 : i32
    %dma_wait3A_1003 = arith.constant 0 : i32
    %dma_wait3A_1004 = arith.constant 0 : i32
    %dma_wait3A_1005 = tpu.memref_slice %arg6[%dma_wait3A_1003, %dma_wait3A_1004] : memref<1000000x32xf32, #tpu.memory_space<hbm>> -> memref<1000000x32xf32, #tpu.memory_space<hbm>>
    tpu.wait_indirect_dma semaphore(%arg22 : memref<!tpu.dma_semaphore, #tpu.memory_space<semaphore_mem>>) src(%dma_wait3A_1005 : memref<1000000x32xf32, #tpu.memory_space<hbm>>) dst(%arg14 : memref<128x32xf32, #tpu.memory_space<vmem>>)
    %dma_wait3A_1006 = arith.constant 0 : i32
    %dma_wait3A_1007 = arith.constant 0 : i32
    %dma_wait3A_1008 = tpu.memref_slice %arg7[%dma_wait3A_1006, %dma_wait3A_1007] : memref<400x32xf32, #tpu.memory_space<hbm>> -> memref<400x32xf32, #tpu.memory_space<hbm>>
    tpu.wait_indirect_dma semaphore(%arg23 : memref<!tpu.dma_semaphore, #tpu.memory_space<semaphore_mem>>) src(%dma_wait3A_1008 : memref<400x32xf32, #tpu.memory_space<hbm>>) dst(%arg15 : memref<128x32xf32, #tpu.memory_space<vmem>>)
    %dma_wait3A_1009 = arith.constant 0 : i32
    %dma_wait3A_1010 = arith.constant 0 : i32
    %dma_wait3A_1011 = tpu.memref_slice %arg8[%dma_wait3A_1009, %dma_wait3A_1010] : memref<1000x32xf32, #tpu.memory_space<hbm>> -> memref<1000x32xf32, #tpu.memory_space<hbm>>
    tpu.wait_indirect_dma semaphore(%arg24 : memref<!tpu.dma_semaphore, #tpu.memory_space<semaphore_mem>>) src(%dma_wait3A_1011 : memref<1000x32xf32, #tpu.memory_space<hbm>>) dst(%arg16 : memref<128x32xf32, #tpu.memory_space<vmem>>)
    %run_scoped3A = arith.constant 0 : i32
    "tpu.region"() ({
      %run_scoped3A_1015 = tpu.sem_alloc : memref<!tpu.dma_semaphore, #tpu.memory_space<semaphore_mem>>
      %dma_start3A_1016 = arith.constant 0 : i32
      %dma_start3A_1017 = tpu.memref_slice %arg9[%run_scoped3A, %mul3A_2, %dma_start3A_1016] : memref<4x4096x32xf32, #tpu.memory_space<hbm>> -> memref<1x128x32xf32, #tpu.memory_space<hbm>>
      %dma_start3A_1018 = tpu.memref_squeeze %dma_start3A_1017 : memref<1x128x32xf32, #tpu.memory_space<hbm>> -> memref<128x32xf32, #tpu.memory_space<hbm>>
      %dma_start3A_1019 = arith.constant 0 : i32
      %dma_start3A_1020 = tpu.memref_slice %arg9[%run_scoped3A, %mul3A_2, %dma_start3A_1019] : memref<4x4096x32xf32, #tpu.memory_space<hbm>> -> memref<1x128x32xf32, #tpu.memory_space<hbm>>
      %dma_start3A_1021 = tpu.memref_squeeze %dma_start3A_1020 : memref<1x128x32xf32, #tpu.memory_space<hbm>> -> memref<128x32xf32, #tpu.memory_space<hbm>>
      tpu.enqueue_dma source(%arg14 : memref<128x32xf32, #tpu.memory_space<vmem>>) target(%dma_start3A_1021 : memref<128x32xf32, #tpu.memory_space<hbm>>) target_semaphore(%run_scoped3A_1015 : memref<!tpu.dma_semaphore, #tpu.memory_space<semaphore_mem>>)
      %dma_wait3A_1022 = arith.constant 0 : i32
      %dma_wait3A_1023 = tpu.memref_slice %arg9[%run_scoped3A, %mul3A_2, %dma_wait3A_1022] : memref<4x4096x32xf32, #tpu.memory_space<hbm>> -> memref<1x128x32xf32, #tpu.memory_space<hbm>>
      %dma_wait3A_1024 = tpu.memref_squeeze %dma_wait3A_1023 : memref<1x128x32xf32, #tpu.memory_space<hbm>> -> memref<128x32xf32, #tpu.memory_space<hbm>>
      %dma_wait3A_1025 = arith.constant 0 : i32
      %dma_wait3A_1026 = tpu.memref_slice %arg9[%run_scoped3A, %mul3A_2, %dma_wait3A_1025] : memref<4x4096x32xf32, #tpu.memory_space<hbm>> -> memref<1x128x32xf32, #tpu.memory_space<hbm>>
      %dma_wait3A_1027 = tpu.memref_squeeze %dma_wait3A_1026 : memref<1x128x32xf32, #tpu.memory_space<hbm>> -> memref<128x32xf32, #tpu.memory_space<hbm>>
      tpu.wait_dma2 semaphore(%run_scoped3A_1015 : memref<!tpu.dma_semaphore, #tpu.memory_space<semaphore_mem>>) src(%arg14 : memref<128x32xf32, #tpu.memory_space<vmem>>) dst(%dma_wait3A_1027 : memref<128x32xf32, #tpu.memory_space<hbm>>)
      tpu.yield
    }) : () -> ()
    %run_scoped3A_1012 = arith.constant 1 : i32
    "tpu.region"() ({
      %run_scoped3A_1015 = tpu.sem_alloc : memref<!tpu.dma_semaphore, #tpu.memory_space<semaphore_mem>>
      %dma_start3A_1016 = arith.constant 0 : i32
      %dma_start3A_1017 = tpu.memref_slice %arg9[%run_scoped3A_1012, %mul3A_2, %dma_start3A_1016] : memref<4x4096x32xf32, #tpu.memory_space<hbm>> -> memref<1x128x32xf32, #tpu.memory_space<hbm>>
      %dma_start3A_1018 = tpu.memref_squeeze %dma_start3A_1017 : memref<1x128x32xf32, #tpu.memory_space<hbm>> -> memref<128x32xf32, #tpu.memory_space<hbm>>
      %dma_start3A_1019 = arith.constant 0 : i32
      %dma_start3A_1020 = tpu.memref_slice %arg9[%run_scoped3A_1012, %mul3A_2, %dma_start3A_1019] : memref<4x4096x32xf32, #tpu.memory_space<hbm>> -> memref<1x128x32xf32, #tpu.memory_space<hbm>>
      %dma_start3A_1021 = tpu.memref_squeeze %dma_start3A_1020 : memref<1x128x32xf32, #tpu.memory_space<hbm>> -> memref<128x32xf32, #tpu.memory_space<hbm>>
      tpu.enqueue_dma source(%arg19 : memref<128x32xf32, #tpu.memory_space<vmem>>) target(%dma_start3A_1021 : memref<128x32xf32, #tpu.memory_space<hbm>>) target_semaphore(%run_scoped3A_1015 : memref<!tpu.dma_semaphore, #tpu.memory_space<semaphore_mem>>)
      %dma_wait3A_1022 = arith.constant 0 : i32
      %dma_wait3A_1023 = tpu.memref_slice %arg9[%run_scoped3A_1012, %mul3A_2, %dma_wait3A_1022] : memref<4x4096x32xf32, #tpu.memory_space<hbm>> -> memref<1x128x32xf32, #tpu.memory_space<hbm>>
      %dma_wait3A_1024 = tpu.memref_squeeze %dma_wait3A_1023 : memref<1x128x32xf32, #tpu.memory_space<hbm>> -> memref<128x32xf32, #tpu.memory_space<hbm>>
      %dma_wait3A_1025 = arith.constant 0 : i32
      %dma_wait3A_1026 = tpu.memref_slice %arg9[%run_scoped3A_1012, %mul3A_2, %dma_wait3A_1025] : memref<4x4096x32xf32, #tpu.memory_space<hbm>> -> memref<1x128x32xf32, #tpu.memory_space<hbm>>
      %dma_wait3A_1027 = tpu.memref_squeeze %dma_wait3A_1026 : memref<1x128x32xf32, #tpu.memory_space<hbm>> -> memref<128x32xf32, #tpu.memory_space<hbm>>
      tpu.wait_dma2 semaphore(%run_scoped3A_1015 : memref<!tpu.dma_semaphore, #tpu.memory_space<semaphore_mem>>) src(%arg19 : memref<128x32xf32, #tpu.memory_space<vmem>>) dst(%dma_wait3A_1027 : memref<128x32xf32, #tpu.memory_space<hbm>>)
      tpu.yield
    }) : () -> ()
    %run_scoped3A_1013 = arith.constant 2 : i32
    "tpu.region"() ({
      %run_scoped3A_1015 = tpu.sem_alloc : memref<!tpu.dma_semaphore, #tpu.memory_space<semaphore_mem>>
      %dma_start3A_1016 = arith.constant 0 : i32
      %dma_start3A_1017 = tpu.memref_slice %arg9[%run_scoped3A_1013, %mul3A_2, %dma_start3A_1016] : memref<4x4096x32xf32, #tpu.memory_space<hbm>> -> memref<1x128x32xf32, #tpu.memory_space<hbm>>
      %dma_start3A_1018 = tpu.memref_squeeze %dma_start3A_1017 : memref<1x128x32xf32, #tpu.memory_space<hbm>> -> memref<128x32xf32, #tpu.memory_space<hbm>>
      %dma_start3A_1019 = arith.constant 0 : i32
      %dma_start3A_1020 = tpu.memref_slice %arg9[%run_scoped3A_1013, %mul3A_2, %dma_start3A_1019] : memref<4x4096x32xf32, #tpu.memory_space<hbm>> -> memref<1x128x32xf32, #tpu.memory_space<hbm>>
      %dma_start3A_1021 = tpu.memref_squeeze %dma_start3A_1020 : memref<1x128x32xf32, #tpu.memory_space<hbm>> -> memref<128x32xf32, #tpu.memory_space<hbm>>
      tpu.enqueue_dma source(%arg15 : memref<128x32xf32, #tpu.memory_space<vmem>>) target(%dma_start3A_1021 : memref<128x32xf32, #tpu.memory_space<hbm>>) target_semaphore(%run_scoped3A_1015 : memref<!tpu.dma_semaphore, #tpu.memory_space<semaphore_mem>>)
      %dma_wait3A_1022 = arith.constant 0 : i32
      %dma_wait3A_1023 = tpu.memref_slice %arg9[%run_scoped3A_1013, %mul3A_2, %dma_wait3A_1022] : memref<4x4096x32xf32, #tpu.memory_space<hbm>> -> memref<1x128x32xf32, #tpu.memory_space<hbm>>
      %dma_wait3A_1024 = tpu.memref_squeeze %dma_wait3A_1023 : memref<1x128x32xf32, #tpu.memory_space<hbm>> -> memref<128x32xf32, #tpu.memory_space<hbm>>
      %dma_wait3A_1025 = arith.constant 0 : i32
      %dma_wait3A_1026 = tpu.memref_slice %arg9[%run_scoped3A_1013, %mul3A_2, %dma_wait3A_1025] : memref<4x4096x32xf32, #tpu.memory_space<hbm>> -> memref<1x128x32xf32, #tpu.memory_space<hbm>>
      %dma_wait3A_1027 = tpu.memref_squeeze %dma_wait3A_1026 : memref<1x128x32xf32, #tpu.memory_space<hbm>> -> memref<128x32xf32, #tpu.memory_space<hbm>>
      tpu.wait_dma2 semaphore(%run_scoped3A_1015 : memref<!tpu.dma_semaphore, #tpu.memory_space<semaphore_mem>>) src(%arg15 : memref<128x32xf32, #tpu.memory_space<vmem>>) dst(%dma_wait3A_1027 : memref<128x32xf32, #tpu.memory_space<hbm>>)
      tpu.yield
    }) : () -> ()
    %run_scoped3A_1014 = arith.constant 3 : i32
    "tpu.region"() ({
      %run_scoped3A_1015 = tpu.sem_alloc : memref<!tpu.dma_semaphore, #tpu.memory_space<semaphore_mem>>
      %dma_start3A_1016 = arith.constant 0 : i32
      %dma_start3A_1017 = tpu.memref_slice %arg9[%run_scoped3A_1014, %mul3A_2, %dma_start3A_1016] : memref<4x4096x32xf32, #tpu.memory_space<hbm>> -> memref<1x128x32xf32, #tpu.memory_space<hbm>>
      %dma_start3A_1018 = tpu.memref_squeeze %dma_start3A_1017 : memref<1x128x32xf32, #tpu.memory_space<hbm>> -> memref<128x32xf32, #tpu.memory_space<hbm>>
      %dma_start3A_1019 = arith.constant 0 : i32
      %dma_start3A_1020 = tpu.memref_slice %arg9[%run_scoped3A_1014, %mul3A_2, %dma_start3A_1019] : memref<4x4096x32xf32, #tpu.memory_space<hbm>> -> memref<1x128x32xf32, #tpu.memory_space<hbm>>
      %dma_start3A_1021 = tpu.memref_squeeze %dma_start3A_1020 : memref<1x128x32xf32, #tpu.memory_space<hbm>> -> memref<128x32xf32, #tpu.memory_space<hbm>>
      tpu.enqueue_dma source(%arg16 : memref<128x32xf32, #tpu.memory_space<vmem>>) target(%dma_start3A_1021 : memref<128x32xf32, #tpu.memory_space<hbm>>) target_semaphore(%run_scoped3A_1015 : memref<!tpu.dma_semaphore, #tpu.memory_space<semaphore_mem>>)
      %dma_wait3A_1022 = arith.constant 0 : i32
      %dma_wait3A_1023 = tpu.memref_slice %arg9[%run_scoped3A_1014, %mul3A_2, %dma_wait3A_1022] : memref<4x4096x32xf32, #tpu.memory_space<hbm>> -> memref<1x128x32xf32, #tpu.memory_space<hbm>>
      %dma_wait3A_1024 = tpu.memref_squeeze %dma_wait3A_1023 : memref<1x128x32xf32, #tpu.memory_space<hbm>> -> memref<128x32xf32, #tpu.memory_space<hbm>>
      %dma_wait3A_1025 = arith.constant 0 : i32
      %dma_wait3A_1026 = tpu.memref_slice %arg9[%run_scoped3A_1014, %mul3A_2, %dma_wait3A_1025] : memref<4x4096x32xf32, #tpu.memory_space<hbm>> -> memref<1x128x32xf32, #tpu.memory_space<hbm>>
      %dma_wait3A_1027 = tpu.memref_squeeze %dma_wait3A_1026 : memref<1x128x32xf32, #tpu.memory_space<hbm>> -> memref<128x32xf32, #tpu.memory_space<hbm>>
      tpu.wait_dma2 semaphore(%run_scoped3A_1015 : memref<!tpu.dma_semaphore, #tpu.memory_space<semaphore_mem>>) src(%arg16 : memref<128x32xf32, #tpu.memory_space<vmem>>) dst(%dma_wait3A_1027 : memref<128x32xf32, #tpu.memory_space<hbm>>)
      tpu.yield
    }) : () -> ()
    return
  }
}

module attributes {stable_mosaic.version = 14 : i64} {
  func.func @_mlp_body(%arg0: memref<4x4096x32xf32, #tpu.memory_space<vmem>>, %arg1: memref<128x512xf32, #tpu.memory_space<vmem>>, %arg2: memref<1x512xf32, #tpu.memory_space<vmem>>, %arg3: memref<512x256xf32, #tpu.memory_space<vmem>>, %arg4: memref<1x256xf32, #tpu.memory_space<vmem>>, %arg5: memref<256x64xf32, #tpu.memory_space<vmem>>, %arg6: memref<1x64xf32, #tpu.memory_space<vmem>>, %arg7: memref<64x1xf32, #tpu.memory_space<vmem>>, %arg8: memref<1x1xf32, #tpu.memory_space<vmem>>, %arg9: memref<4096x1xf32, #tpu.memory_space<vmem>>) attributes {dimension_semantics = [], scalar_prefetch = 0 : i64, scratch_operands = 0 : i64, tpu.core_type = #tpu.core_type<tc>} {
    %get3A = arith.constant 0 : index
    %get3A_0 = arith.constant 0 : index
    %get3A_1 = arith.constant 0 : index
    %get3A_2 = vector.load %arg0[%get3A, %get3A_0, %get3A_1] : memref<4x4096x32xf32, #tpu.memory_space<vmem>>, vector<1x4096x32xf32>
    %get3A_3 = vector.shape_cast %get3A_2 : vector<1x4096x32xf32> to vector<4096x32xf32>
    %get3A_4 = arith.constant 1 : index
    %get3A_5 = arith.constant 0 : index
    %get3A_6 = arith.constant 0 : index
    %get3A_7 = vector.load %arg0[%get3A_4, %get3A_5, %get3A_6] : memref<4x4096x32xf32, #tpu.memory_space<vmem>>, vector<1x4096x32xf32>
    %get3A_8 = vector.shape_cast %get3A_7 : vector<1x4096x32xf32> to vector<4096x32xf32>
    %get3A_9 = arith.constant 2 : index
    %get3A_10 = arith.constant 0 : index
    %get3A_11 = arith.constant 0 : index
    %get3A_12 = vector.load %arg0[%get3A_9, %get3A_10, %get3A_11] : memref<4x4096x32xf32, #tpu.memory_space<vmem>>, vector<1x4096x32xf32>
    %get3A_13 = vector.shape_cast %get3A_12 : vector<1x4096x32xf32> to vector<4096x32xf32>
    %get3A_14 = arith.constant 3 : index
    %get3A_15 = arith.constant 0 : index
    %get3A_16 = arith.constant 0 : index
    %get3A_17 = vector.load %arg0[%get3A_14, %get3A_15, %get3A_16] : memref<4x4096x32xf32, #tpu.memory_space<vmem>>, vector<1x4096x32xf32>
    %get3A_18 = vector.shape_cast %get3A_17 : vector<1x4096x32xf32> to vector<4096x32xf32>
    %concatenate3A = tpu.concatenate %get3A_3, %get3A_8, %get3A_13, %get3A_18 in 1 : vector<4096x32xf32>, vector<4096x32xf32>, vector<4096x32xf32>, vector<4096x32xf32> -> vector<4096x128xf32>
    %get3A_19 = arith.constant 0 : index
    %get3A_20 = arith.constant 0 : index
    %get3A_21 = vector.load %arg1[%get3A_19, %get3A_20] : memref<128x512xf32, #tpu.memory_space<vmem>>, vector<128x512xf32>
    %dot_general3A = arith.constant dense<0.000000e+00> : vector<4096x512xf32>
    %dot_general3A_22 = tpu.matmul %concatenate3A, %get3A_21, %dot_general3A {dimension_numbers = #tpu.dot_dimension_numbers<[1], [0], [0], [1], [0, 0, 1, 1], [], []>, transpose_lhs_hint = false} : vector<4096x128xf32>, vector<128x512xf32>, vector<4096x512xf32> -> vector<4096x512xf32>
    %get3A_23 = arith.constant 0 : index
    %get3A_24 = arith.constant 0 : index
    %get3A_25 = vector.load %arg2[%get3A_23, %get3A_24] : memref<1x512xf32, #tpu.memory_space<vmem>>, vector<1x512xf32>
    %add3A = vector.broadcast %get3A_25 : vector<1x512xf32> to vector<4096x512xf32>
    %add3A_26 = arith.addf %dot_general3A_22, %add3A : vector<4096x512xf32>
    %max3A = arith.constant 0.000000e+00 : f32
    %max3A_27 = vector.broadcast %max3A : f32 to vector<4096x512xf32>
    %max3A_28 = arith.maximumf %add3A_26, %max3A_27 : vector<4096x512xf32>
    %get3A_29 = arith.constant 0 : index
    %get3A_30 = arith.constant 0 : index
    %get3A_31 = vector.load %arg3[%get3A_29, %get3A_30] : memref<512x256xf32, #tpu.memory_space<vmem>>, vector<512x256xf32>
    %dot_general3A_32 = arith.constant dense<0.000000e+00> : vector<4096x256xf32>
    %dot_general3A_33 = tpu.matmul %max3A_28, %get3A_31, %dot_general3A_32 {dimension_numbers = #tpu.dot_dimension_numbers<[1], [0], [0], [1], [0, 0, 1, 1], [], []>, transpose_lhs_hint = false} : vector<4096x512xf32>, vector<512x256xf32>, vector<4096x256xf32> -> vector<4096x256xf32>
    %get3A_34 = arith.constant 0 : index
    %get3A_35 = arith.constant 0 : index
    %get3A_36 = vector.load %arg4[%get3A_34, %get3A_35] : memref<1x256xf32, #tpu.memory_space<vmem>>, vector<1x256xf32>
    %add3A_37 = vector.broadcast %get3A_36 : vector<1x256xf32> to vector<4096x256xf32>
    %add3A_38 = arith.addf %dot_general3A_33, %add3A_37 : vector<4096x256xf32>
    %max3A_39 = arith.constant 0.000000e+00 : f32
    %max3A_40 = vector.broadcast %max3A_39 : f32 to vector<4096x256xf32>
    %max3A_41 = arith.maximumf %add3A_38, %max3A_40 : vector<4096x256xf32>
    %get3A_42 = arith.constant 0 : index
    %get3A_43 = arith.constant 0 : index
    %get3A_44 = vector.load %arg5[%get3A_42, %get3A_43] : memref<256x64xf32, #tpu.memory_space<vmem>>, vector<256x64xf32>
    %dot_general3A_45 = arith.constant dense<0.000000e+00> : vector<4096x64xf32>
    %dot_general3A_46 = tpu.matmul %max3A_41, %get3A_44, %dot_general3A_45 {dimension_numbers = #tpu.dot_dimension_numbers<[1], [0], [0], [1], [0, 0, 1, 1], [], []>, transpose_lhs_hint = false} : vector<4096x256xf32>, vector<256x64xf32>, vector<4096x64xf32> -> vector<4096x64xf32>
    %get3A_47 = arith.constant 0 : index
    %get3A_48 = arith.constant 0 : index
    %get3A_49 = vector.load %arg6[%get3A_47, %get3A_48] : memref<1x64xf32, #tpu.memory_space<vmem>>, vector<1x64xf32>
    %add3A_50 = vector.broadcast %get3A_49 : vector<1x64xf32> to vector<4096x64xf32>
    %add3A_51 = arith.addf %dot_general3A_46, %add3A_50 : vector<4096x64xf32>
    %max3A_52 = arith.constant 0.000000e+00 : f32
    %max3A_53 = vector.broadcast %max3A_52 : f32 to vector<4096x64xf32>
    %max3A_54 = arith.maximumf %add3A_51, %max3A_53 : vector<4096x64xf32>
    %get3A_55 = arith.constant 0 : index
    %get3A_56 = arith.constant 0 : index
    %get3A_57 = vector.load %arg7[%get3A_55, %get3A_56] : memref<64x1xf32, #tpu.memory_space<vmem>>, vector<64x1xf32>
    %dot_general3A_58 = arith.constant dense<0.000000e+00> : vector<4096x1xf32>
    %dot_general3A_59 = tpu.matmul %max3A_54, %get3A_57, %dot_general3A_58 {dimension_numbers = #tpu.dot_dimension_numbers<[1], [0], [0], [1], [0, 0, 1, 1], [], []>, transpose_lhs_hint = false} : vector<4096x64xf32>, vector<64x1xf32>, vector<4096x1xf32> -> vector<4096x1xf32>
    %get3A_60 = arith.constant 0 : index
    %get3A_61 = arith.constant 0 : index
    %get3A_62 = vector.load %arg8[%get3A_60, %get3A_61] : memref<1x1xf32, #tpu.memory_space<vmem>>, vector<1x1xf32>
    %add3A_63 = vector.broadcast %get3A_62 : vector<1x1xf32> to vector<4096x1xf32>
    %add3A_64 = arith.addf %dot_general3A_59, %add3A_63 : vector<4096x1xf32>
    %swap3A = arith.constant 0 : index
    %swap3A_65 = arith.constant 0 : index
    %swap3A_66 = vector.load %arg9[%swap3A, %swap3A_65] : memref<4096x1xf32, #tpu.memory_space<vmem>>, vector<4096x1xf32>
    tpu.vector_store %arg9[%swap3A, %swap3A_65], %add3A_64 {strides = array<i32>} : memref<4096x1xf32, #tpu.memory_space<vmem>>, vector<4096x1xf32>,
    return
  }
}

</mosaic_0001>

<sc_bundles>
// kernel: kernel.4.cloned.1.call-start
scs
__scs_entry_jumppad:
0x0: {  	(pc) =	sbr.rel $0x88, $3  }
0x1: {  	(tag) =	ssettag $0x0;
	lr =	simm.s32 $0x1  }
0x2: {  	[smem:$0x3F92] =	sst lr;
	_ =	strace $0xD0000000  }
0x3: {  	_ = 	snop  }
0x4: {  	_ = 	snop  }
0x5: {  	_ = 	snop  }
0x6: {  	_ = 	snop  }
0x7: {  	_ = 	snop  }
__scs_overlays_trampoline_lowered:
0x8: {  	[smem:$0x3FA1] =	sst s0  }
0x9: {  	[smem:$0x3FA2] =	sst s1  }
0xa: {  	[smem:$0x3FA3] =	sst s2  }
0xb: {  	[smem:$0x3FA4] =	sst s3  }
0xc: {  	[smem:$0x3FA5] =	sst s4  }
0xd: {  	[smem:$0x3FA6] =	sst s5  }
0xe: {  	[smem:$0x3FA7] =	sst s6  }
0xf: {  	[smem:$0x3FA8] =	sst s7  }
0x10: {  	[smem:$0x3FA9] =	sst s8  }
0x11: {  	[smem:$0x3FAA] =	sst s9;
	s0 =	simm.s32 @!p0 $0x0  }
0x12: {  	s1 =	sld [smem:$0x3F90];
	s0 =	simm.s32 @p0 $0x1  }
0x13: {  	[smem:$0x3FAB] =	sst s0;
	s0 =	simm.s32 @!p1 $0x0  }
0x14: {  	s2 =	sld [smem:$0x3F8F];
	s0 =	simm.s32 @p1 $0x1  }
0x15: {  	[smem:$0x3FAC] =	sst s0;
	s0 =	simm.s32 @!p2 $0x0  }
0x16: {  	s3 =	sld [smem:$0x3FDB];
	s0 =	simm.s32 @p2 $0x1  }
0x17: {  	s4 =	simm.s32 $0x1BF5;
	[smem:$0x3FAE] =	sst s0  }
0x18: {  	s0 =	sld [smem:$0x3F91];
	_ =	swait.ge [sflag:s4], $0x0  }
0x19: {  	s7 =	sld [smem:$0x3F92]  }
0x1a: {  	s8 =	sadd.s32 $0xFFFFE003, lr  }
0x1b: {  	s9 =	sadd.s32 $0xFFFFFEF7, lr;
	s5 =	simm.s32 $0xFFFFFFFF;
	p2 =	slt.u32 s8, $0xFFFFF086  }
0x1c: {  	p1 =	slt.u32 s9, $0xF7A;
	s5 =	simm.s32 @!p2 $0x0  }
0x1d: {  	s5 =	simm.s32 @p1 $0x1;
	p0 =	seq.s32 s7, s2  }
0x1e: {  	s7 =	smul.u32 @!p0 $0xF7A, s2;
	p2 =	seq.s32 @!p0 s5, $0x0  }
0x1f: {  	s9 =	smul.u32 $0xF7A, s1;
	s8 =	simm.s32 @!p0 $0x1BF5;
	p2 =	por !p2, p0  }
0x20: {  	[sflag:s8] =	ssyncset.s32 @!p0 $0xFFFFF086;
	s6 =	sadd.s32 @!p0 s3, s7;
	s7 =	simm.s32 @!p0 $0x108  }
0x21: {  	s3 =	sadd.s32 s3, s9;
	s6 =	sadd.s32 @!p0 $0x88, s6;
	s7 =	simm.s32 @p2 $0x1082  }
0x22: {  	[simem:s7], [sflag:s8] =	dma.local @!p0 [hbm:s6], $0xF7A  }
0x23: {  	s9 =	sor.u32 $0xD0000000, s2;
	s6 =	simm.s32 $0x108;
	_ =	swait.ge @!p0 [sflag:s8], $0x0  }
0x24: {  	s3 =	sadd.s32 $0x88, s3;
	s6 =	simm.s32 @!p1 $0x1082;
	[sflag:s4] =	ssyncset.s32 $0xFFFFF086  }
0x25: {  	[simem:s6], [sflag:s4] =	dma.local [hbm:s3], $0xF7A  }
0x26: {  	[smem:$0x3F92] =	sst s1;
	(tag) =	ssettag s2;
	_ =	strace s9  }
0x27: {  	s1 =	sld [smem:$0x3FA2]  }
0x28: {  	s2 =	sld [smem:$0x3FA3]  }
0x29: {  	s4 =	sld [smem:$0x3FA5]  }
0x2a: {  	p0 =	seq.s32 s5, $0x0;
	s5 =	sld [smem:$0x3FA6]  }
0x2b: {  	s6 =	sld [smem:$0x3FA7]  }
0x2c: {  	s7 =	sld [smem:$0x3FA8]  }
0x2d: {  	s3 =	simm.s32 $0x108;
	s8 =	sld [smem:$0x3FA9]  }
0x2e: {  	s3 =	simm.s32 @!p0 $0x1082;
	s9 =	sld [smem:$0x3FAA]  }
0x2f: {  	lr =	sadd.s32 s0, s3;
	s0 =	sld [smem:$0x3FA1]  }
0x30: {  	s3 =	sld [smem:$0x3FA4]  }
0x31: {  	[smem:$0x3FAD] =	sst s10  }
0x32: {  	s10 =	sld [smem:$0x3FAB];
	_ =	sdelay $0x3  }
0x33: {  	p0 =	seq.s32 s10, $0x1;
	s10 =	sld [smem:$0x3FAD];
	_ =	sdelay $0x3  }
0x34: {  	[smem:$0x3FAD] =	sst s10  }
0x35: {  	s10 =	sld [smem:$0x3FAC];
	_ =	sdelay $0x3  }
0x36: {  	p1 =	seq.s32 s10, $0x1;
	s10 =	sld [smem:$0x3FAD];
	_ =	sdelay $0x3  }
0x37: {  	[smem:$0x3FAD] =	sst s10  }
0x38: {  	s10 =	sld [smem:$0x3FAE]  }
0x39: {  	_ = 	snop;
	(pc) =	sbr.ind lr, $3  }
0x3a: {  	_ = 	snop  }
0x3b: {  	_ = 	snop  }
0x3c: {  	p2 =	seq.s32 s10, $0x1;
	s10 =	sld [smem:$0x3FAD]  }
0x3d: {  	_ =	shalt  }
0x3e: {  	_ =	shalt  }
0x3f: {  	_ =	shalt  }
0x40: {  	_ =	shalt  }
0x41: {  	_ =	shalt  }
0x42: {  	_ =	shalt  }
0x43: {  	_ =	shalt  }
0x44: {  	_ =	shalt  }
0x45: {  	_ =	shalt  }
0x46: {  	_ =	shalt  }
0x47: {  	_ =	shalt  }
0x48: {  	_ =	shalt  }
0x49: {  	_ =	shalt  }
0x4a: {  	_ =	shalt  }
0x4b: {  	_ =	shalt  }
0x4c: {  	_ =	shalt  }
0x4d: {  	_ =	shalt  }
0x4e: {  	_ =	shalt  }
0x4f: {  	_ =	shalt  }
0x50: {  	_ =	shalt  }
0x51: {  	_ =	shalt  }
0x52: {  	_ =	shalt  }
0x53: {  	_ =	shalt  }
0x54: {  	_ =	shalt  }
0x55: {  	_ =	shalt  }
0x56: {  	_ =	shalt  }
0x57: {  	_ =	shalt  }
0x58: {  	_ =	shalt  }
0x59: {  	_ =	shalt  }
0x5a: {  	_ =	shalt  }
0x5b: {  	_ =	shalt  }
0x5c: {  	_ =	shalt  }
0x5d: {  	_ =	shalt  }
0x5e: {  	_ =	shalt  }
0x5f: {  	_ =	shalt  }
0x60: {  	_ =	shalt  }
0x61: {  	_ =	shalt  }
0x62: {  	_ =	shalt  }
0x63: {  	_ =	shalt  }
0x64: {  	_ =	shalt  }
0x65: {  	_ =	shalt  }
0x66: {  	_ =	shalt  }
0x67: {  	_ =	shalt  }
0x68: {  	_ =	shalt  }
0x69: {  	_ =	shalt  }
0x6a: {  	_ =	shalt  }
0x6b: {  	_ =	shalt  }
0x6c: {  	_ =	shalt  }
0x6d: {  	_ =	shalt  }
0x6e: {  	_ =	shalt  }
0x6f: {  	_ =	shalt  }
0x70: {  	_ =	shalt  }
0x71: {  	_ =	shalt  }
0x72: {  	_ =	shalt  }
0x73: {  	_ =	shalt  }
0x74: {  	_ =	shalt  }
0x75: {  	_ =	shalt  }
0x76: {  	_ =	shalt  }
0x77: {  	_ =	shalt  }
0x78: {  	_ =	shalt  }
0x79: {  	_ =	shalt  }
0x7a: {  	_ =	shalt  }
0x7b: {  	_ =	shalt  }
0x7c: {  	_ =	shalt  }
0x7d: {  	_ =	shalt  }
0x7e: {  	_ =	shalt  }
0x7f: {  	_ =	shalt  }
0x80: {  	_ =	shalt  }
0x81: {  	_ =	shalt  }
0x82: {  	_ =	shalt  }
0x83: {  	_ =	shalt  }
0x84: {  	_ =	shalt  }
0x85: {  	_ =	shalt  }
0x86: {  	_ =	shalt  }
0x87: {  	_ =	shalt  }
.Lfunc_end0:
.L_simem_size_0:
called_computation_lowered:
.L_overlay_start_0:
0x88: {  	s2 =	sld [smem:$0x3FD9]  }
0x89: {  	s3 =	sld [smem:$0x3FFE];
	_ =	sdelay $0x1  }
0x8a: {  	s1 =	srdreg.scid  }
0x8b: {  	s0 =	sand.u32 $0x1, s1  }
0x8c: {  	s17 =	sshll.u32 s0, $0xA;
	s2 =	sadd.s32 s3, s2  }
0x8d: {  	s2 =	sadd.s32 s2, s17  }
0x8e: {  	[smem:$0x3FB9] =	sst s2  }
0x8f: {  	_ = 	snop  }
0x90: {  	s2 =	sld [smem:$0x3FC9]  }
0x91: {  	s18 =	sld [smem:$0x3FC7]  }
0x92: {  	s4 =	sld [smem:$0x3FC6];
	(tm) =	ssettm $0x1  }
0x93: {  	s5 =	sld [smem:$0x3FFB];
	_ =	sdelay $0x3  }
0x94: {  	_ =	strace s5  }
0x95: {  	s5 =	sld [smem:$0x3FFC];
	_ =	sdelay $0x3  }
0x96: {  	_ =	strace s5  }
0x97: {  	s5 =	sld [smem:$0x3FFD];
	_ =	sdelay $0x3  }
0x98: {  	_ =	strace s5  }
0x99: {  	_ =	strace $0x8FFFFFFF  }
0x9a: {  	s19 =	sld [smem:$0x3FDB];
	_ =	sdelay $0x1  }
0x9b: {  	s6 =	simm.s32 $_scs_section_size  }
0x9c: {  	s7 =	simm.s32 $_size__tile_overlayer_lowered;
	s8 =	simm.s32 $_tile_overlayer_lowered  }
0x9d: {  	s22 =	simm.s32 $0x1BFF;
	s21 =	sshll.u32 s8, $0x1;
	s5 =	sadd.s32 s6, s19  }
0x9e: {  	s9 =	simm.s32 $0x0;
	s20 =	sshll.u32 s7, $0x1;
	s7 =	sadd.s32 s21, s5  }
0x9f: {  	[timem:s9], [sflag:s22] =	dma.local [hbm:s7], s20  }
0xa0: {  	_ =	swait.ge [sflag:s22], s20  }
0xa1: {  	s6 =	ssub.s32 $0x0, s20;
	[sflag:s22] =	ssyncset.done $0x0  }
0xa2: {  	[sflag:s22] =	ssyncadd.s32 s6;
	_ =	sdelay $0x1  }
0xa3: {  	s23 =	simm.s32 $0x1B8B  }
0xa4: {  	_ =	swait.ge [sflag:s23], $0x1  }
0xa5: {  	[sflag:s23] =	ssyncset.done $0x0  }
0xa6: {  	s25 =	simm.s32 $0x1B8E;
	s24 =	sld [smem:$0x3FFE];
	[sflag:s23] =	ssyncadd.s32 $0xFFFFFFFF  }
0xa7: {  	s26 =	simm.s32 $execute0_lowered;
	[smem:$0x3FD2] =	sst s25  }
0xa8: {  	s7 =	sshll.u32 s26, $0x1;
	_ =	strace $0x80000046;
	[dreg:$0x1] =	wrdreg $0xFFFFFFFF  }
0xa9: {  	s28 =	simm.s32 $_size_execute0_lowered;
	s5 =	sadd.s32 s5, s7;
	[dreg:$0x0] =	wrdreg $0x0  }
0xaa: {  	s7 =	sshll.u32 s28, $0x1;
	[dreg:$0x2] =	wrdreg s5  }
0xab: {  	[dreg:$0x3] =	wrdreg s7  }
0xac: {  	[dreg:$0x4] =	wrdreg $0xC0  }
0xad: {  	_ =	task [dreg:s9], $0x5FFFF  }
0xae: {  	[dreg:$0x1] =	wrdreg $0xFFFFFFFF  }
0xaf: {  	[dreg:$0x0] =	wrdreg $0x60  }
0xb0: {  	[dreg:$0x2] =	wrdreg s2  }
0xb1: {  	[dreg:$0x3] =	wrdreg s24  }
0xb2: {  	[dreg:$0x4] =	wrdreg s18  }
0xb3: {  	[dreg:$0x5] =	wrdreg s4  }
0xb4: {  	[dreg:$0x6] =	wrdreg $0x9  }
0xb5: {  	_ =	task.clear_ibuf [dreg:s9], $0x7FFFF;
	_ =	strace $0x90000046  }
0xb6: {  	s29 =	simm.s32 $0x9;
	_ =	strace $0x80000048  }
0xb7: {  	_ =	swait.ge [sflag:s29], $0x1  }
0xb8: {  	[sflag:s29] =	ssyncadd.s32 $0xFFFFFFFF  }
0xb9: {  	_ =	strace $0x90000048  }
0xba: {  	_ =	sfence  }
0xbb: {  	s30 =	sld [smem:$0x0];
	_ =	sdelay $0x2  }
0xbc: {  	s31 =	sshll.u32 s1, $0xD;
	s1 =	sshrl.u32 s1, $0x2  }
0xbd: {  	s3 =	sand.u32 $0x4000, s31;
	s1 =	sadd.s32 s1, s30  }
0xbe: {  	s0 =	sor.u32 s3, s0;
	s1 =	sshll.u32 s1, $0x11  }
0xbf: {  	s0 =	sor.u32 s1, s0  }
0xc0: {  	s0 =	sadd.s32 $0x8F2B, s0  }
0xc1: {  	[sflag:s0] =	ssyncadd.remote.s32 $0x1  }
0xc2: {  	_ =	sfence.sel $0xFFFF  }
0xc3: {  	[dreg:$0x0] =	wrdreg $0xFFFFFFFF;
	(pc) =	sbr.abs _section_cstart, $3  }
0xc4: {  	[dreg:$0x1] =	wrdreg $0xFFFFFFFF  }
0xc5: {  	_ =	task.clear_ibuf [dreg:s9], $0x2FFFF;
	_ =	strace $0x9FFFFFFF  }
0xc6: {  	(tm) =	ssettm $0x7FFFFFFF  }
0xc7: {  	_ =	shalt  }
tec
execute0_lowered:
.L_overlay_start_1:
0x0: {  	(tag) =	ssettag $0x1  }
0x1: {  	s0 =	rddreg [dreg:$0x0]  }
0x2: {  	s1 =	rddreg [dreg:$0x1];
	s2 =	srdreg.scid  }
0x3: {  	s7 =	rddreg [dreg:$0x2];
	s3 =	stileid.u32  }
0x4: {  	s8 =	rddreg [dreg:$0x3];
	s15 =	simm.s32 $0x6;
	s16 =	simm.s32 $0x80  }
0x5: {  	s19 =	simm.s32 $0x180;
	s20 =	simm.s32 $0x1A80;
	s21 =	simm.s32 $0x2A80  }
0x6: {  	s22 =	simm.s32 $0x3A80;
	s23 =	simm.s32 $0x6A80;
	s24 =	simm.s32 $0x1  }
0x7: {  	s26 =	simm.s32 $0x5A80;
	s29 =	simm.s32 $0x4A80;
	s30 =	simm.s32 $0x2  }
0x8: {  	s25 =	simm.s32 $0x5;
	s28 =	simm.s32 $0x0;
	s5 =	sand.u32 $0x1, s2  }
0x9: {  	s3 =	sshll.u32 s3, $0x8;
	s2 =	simm.s32 $0x0;
	s4 =	sshll.u32 s5, $0x7  }
0xa: {  	[smem:$0x7FF] =	sst s2;
	s11 =	ssub.s32 $0x2, s5;
	s5 =	sadd.s32 $0x7C00, s1  }
0xb: {  	s6 =	sor.u32 s4, s3;
	_ =	strace $0x80000047;
	s3 =	sadd.s32 $0xF43C00, s1  }
0xc: {  	s4 =	sadd.s32 $0x8C00, s1;
	s31 =	sshrl.u32 s11, $0x1;
	s9 =	sshrl.u32 s6, $0x3  }
0xd: {  	s6 =	sshll.u32 s6, $0x2;
	s14 =	ssub.s32 s11, s31;
	s10 =	sadd.s32 s9, s1  }
0xe: {  	s1 =	sadd.s32 s6, s1;
	s6 =	sadd.s32 s0, s9;
	s7 =	sadd.s32 s7, s9  }
0xf: {  	s8 =	sadd.s32 s8, s9;
	s14 =	smax.u32 s14, $0x1;
	s0 =	simm.s32 $0x4  }
0x10: {  	s9 =	sadd.s32 $0x1800, s10;
	s10 =	sadd.s32 $0x9400, s1;
	s11 =	sadd.s32 $0xD400, s1  }
0x11: {  	s12 =	sadd.s32 $0x11400, s1;
	s13 =	sadd.s32 $0x15400, s1;
	s1 =	simm.s32 $0x3  }
.LBB2_1:
0x12: {  	[tilespmem:s2], [sflag:$0x6] =	stream.linear.gather [hbm4b:s6+s2], $0x80, $0x38;
	[tilespmem:$0x7A80] =	vst v63  }
0x13: {  	_ =	swait.ge [sflag:s15], $0x80  }
0x14: {  	[sflag:s15] =	ssyncset.done $0x0  }
0x15: {  	[sflag:s15] =	ssyncadd.s32 $0xFFFFFF80  }
0x16: {  	[tilespmem:s16], [sflag:$0x6] =	stream.linear.gather [hbm4b:s7+s2], $0x80, $0x38;
	[tilespmem:$0x7A80] =	vst v63  }
0x17: {  	_ =	swait.ge [sflag:s15], $0x80  }
0x18: {  	[sflag:s15] =	ssyncset.done $0x0  }
0x19: {  	s17 =	simm.s32 $0x100;
	[sflag:s15] =	ssyncadd.s32 $0xFFFFFF80  }
0x1a: {  	[tilespmem:s17], [sflag:$0x6] =	stream.linear.gather [hbm4b:s8+s2], $0x80, $0x38;
	[tilespmem:$0x7A80] =	vst v63  }
0x1b: {  	_ =	swait.ge [sflag:s15], $0x80  }
0x1c: {  	[sflag:s15] =	ssyncset.done $0x0  }
0x1d: {  	s18 =	simm.s32 $0x1000;
	[sflag:s15] =	ssyncadd.s32 $0xFFFFFF80  }
0x1e: {  	[tilespmem:s19], [sflag:$0x6] =	stream.strided.gather [hbm4b:s9+s16], $0x1900, s18, s16, $0x38;
	[tilespmem:$0x7A80] =	vst v63  }
0x1f: {  	_ =	swait.ge [sflag:s15], $0x1900  }
0x20: {  	[sflag:s15] =	ssyncset.done $0x0  }
0x21: {  	[sflag:s15] =	ssyncadd.s32 $0xFFFFE700  }
0x22: {  	[tilespmem:s20], [sflag:$0x3] =	stream.indirect.gather [hbm4b:s3+s16], $0x20, s2, s16, $0xb8;
	[tilespmem:$0x7A80] =	vst v63  }
0x23: {  	_ = 	snop  }
0x24: {  	[tilespmem:s21], [sflag:$0x4] =	stream.indirect.gather [hbm4b:s4+s16], $0x20, s16, s16, $0xb8;
	[tilespmem:$0x7A80] =	vst v63  }
0x25: {  	_ = 	snop  }
0x26: {  	[tilespmem:s22], [sflag:$0x5] =	stream.indirect.gather [hbm4b:s5+s16], $0x20, s17, s16, $0xb8;
	[tilespmem:$0x7A80] =	vst v63  }
0x27: {  	_ = 	snop  }
0x28: {  	[tilespmem:s23], [sflag:$0x1] =	stream.indirect.gather [hbm4b:s3+s16], $0x20, s19, s16, $0xb8;
	[tilespmem:$0x7A80] =	vst v63  }
0x29: {  	_ =	swait.ge [sflag:s24], $0x1000  }
0x2a: {  	[sflag:s24] =	ssyncset.done $0x0  }
0x2b: {  	s18 =	simm.s32 $0x200;
	[sflag:s24] =	ssyncadd.s32 $0xFFFFF000  }
0x2c: {  	[tilespmem:s26], [sflag:$0x2] =	stream.indirect.gather [hbm4b:s3+s16], $0x20, s18, s16, $0xb8;
	[tilespmem:$0x7A80] =	vst v63  }
0x2d: {  	s18 =	simm.s32 $0x280  }
0x2e: {  	[tilespmem:s29], [sflag:$0x1] =	stream.indirect.gather [hbm4b:s3+s16], $0x20, s18, s16, $0xb8;
	[tilespmem:$0x7A80] =	vst v63  }
0x2f: {  	_ =	swait.ge [sflag:s30], $0x1000  }
0x30: {  	[sflag:s30] =	ssyncset.done $0x0  }
0x31: {  	s31 =	simm.s32 $0x0;
	[sflag:s30] =	ssyncadd.s32 $0xFFFFF000  }
0x32: {  	v0 =	vld [tilespmem:s31+$0x5A90];
	_ =	sdelay $0x1  }
0x33: {  	s17 =	simm.s32 $0x80;
	v1 =	vld [tilespmem:s31+$0x5A80]  }
.LBB2_2:
0x34: {  	p0 =	sne.s32 s17, $0x3F80  }
.Ltmp0:
0x35: {  	_ = 	snop;
	(pc) =	sbr.rel @p0 .LBB2_2-.Ltmp0, $4  }
0x36: {  	s18 =	sshra.s32 s17, $0x2;
	[tilespmem:s31+$0x6A90] =	vst.add.f32.msk $0xffff, v0  }
0x37: {  	v0 =	vld [tilespmem:s18+$0x5A90]  }
0x38: {  	v2 =	vmov v1;
	v1 =	vld [tilespmem:s18+$0x5A80]  }
0x39: {  	s17 =	sadd.s32 $0x80, s17;
	[tilespmem:s31+$0x6A80] =	vst.add.f32.msk $0xffff, v2;
	s31 =	smov.u32 s18  }
0x3a: {  	_ =	sdelay $0x1  }
0x3b: {  	[tilespmem:s31+$0x6A90] =	vst.add.f32.msk $0xffff, v0  }
0x3c: {  	s17 =	simm.s32 $0x300;
	[tilespmem:s31+$0x6A80] =	vst.add.f32.msk $0xffff, v1  }
0x3d: {  	[tilespmem:s26], [sflag:$0x2] =	stream.indirect.gather [hbm4b:s3+s16], $0x20, s17, s16, $0xb8;
	[tilespmem:$0x7A80] =	vst v63  }
0x3e: {  	_ =	swait.ge [sflag:s24], $0x1000  }
0x3f: {  	[sflag:s24] =	ssyncset.done $0x0  }
0x40: {  	s31 =	simm.s32 $0x0;
	[sflag:s24] =	ssyncadd.s32 $0xFFFFF000  }
0x41: {  	v0 =	vld [tilespmem:s31+$0x4A90];
	_ =	sdelay $0x1  }
0x42: {  	s17 =	simm.s32 $0x80;
	v1 =	vld [tilespmem:s31+$0x4A80]  }
.LBB2_4:
0x43: {  	p0 =	sne.s32 s17, $0x3F80  }
.Ltmp1:
0x44: {  	_ = 	snop;
	(pc) =	sbr.rel @p0 .LBB2_4-.Ltmp1, $4  }
0x45: {  	s18 =	sshra.s32 s17, $0x2;
	[tilespmem:s31+$0x6A90] =	vst.add.f32.msk $0xffff, v0  }
0x46: {  	v0 =	vld [tilespmem:s18+$0x4A90]  }
0x47: {  	v2 =	vmov v1;
	v1 =	vld [tilespmem:s18+$0x4A80]  }
0x48: {  	s17 =	sadd.s32 $0x80, s17;
	[tilespmem:s31+$0x6A80] =	vst.add.f32.msk $0xffff, v2;
	s31 =	smov.u32 s18  }
0x49: {  	_ =	sdelay $0x1  }
0x4a: {  	[tilespmem:s31+$0x6A90] =	vst.add.f32.msk $0xffff, v0  }
0x4b: {  	s17 =	simm.s32 $0x380;
	[tilespmem:s31+$0x6A80] =	vst.add.f32.msk $0xffff, v1  }
0x4c: {  	[tilespmem:s29], [sflag:$0x1] =	stream.indirect.gather [hbm4b:s3+s16], $0x20, s17, s16, $0xb8;
	[tilespmem:$0x7A80] =	vst v63  }
0x4d: {  	_ =	swait.ge [sflag:s30], $0x1000  }
0x4e: {  	[sflag:s30] =	ssyncset.done $0x0  }
0x4f: {  	s31 =	simm.s32 $0x0;
	[sflag:s30] =	ssyncadd.s32 $0xFFFFF000  }
0x50: {  	v0 =	vld [tilespmem:s31+$0x5A90];
	_ =	sdelay $0x1  }
0x51: {  	s17 =	simm.s32 $0x80;
	v1 =	vld [tilespmem:s31+$0x5A80]  }
.LBB2_6:
0x52: {  	p0 =	sne.s32 s17, $0x3F80  }
.Ltmp2:
0x53: {  	_ = 	snop;
	(pc) =	sbr.rel @p0 .LBB2_6-.Ltmp2, $4  }
0x54: {  	s18 =	sshra.s32 s17, $0x2;
	[tilespmem:s31+$0x6A90] =	vst.add.f32.msk $0xffff, v0  }
0x55: {  	v0 =	vld [tilespmem:s18+$0x5A90]  }
0x56: {  	v2 =	vmov v1;
	v1 =	vld [tilespmem:s18+$0x5A80]  }
0x57: {  	s17 =	sadd.s32 $0x80, s17;
	[tilespmem:s31+$0x6A80] =	vst.add.f32.msk $0xffff, v2;
	s31 =	smov.u32 s18  }
0x58: {  	_ =	sdelay $0x1  }
0x59: {  	[tilespmem:s31+$0x6A90] =	vst.add.f32.msk $0xffff, v0  }
0x5a: {  	s17 =	simm.s32 $0x400;
	[tilespmem:s31+$0x6A80] =	vst.add.f32.msk $0xffff, v1  }
0x5b: {  	[tilespmem:s26], [sflag:$0x2] =	stream.indirect.gather [hbm4b:s3+s16], $0x20, s17, s16, $0xb8;
	[tilespmem:$0x7A80] =	vst v63  }
0x5c: {  	_ =	swait.ge [sflag:s24], $0x1000  }
0x5d: {  	[sflag:s24] =	ssyncset.done $0x0  }
0x5e: {  	s31 =	simm.s32 $0x0;
	[sflag:s24] =	ssyncadd.s32 $0xFFFFF000  }
0x5f: {  	v0 =	vld [tilespmem:s31+$0x4A90];
	_ =	sdelay $0x1  }
0x60: {  	s17 =	simm.s32 $0x80;
	v1 =	vld [tilespmem:s31+$0x4A80]  }
.LBB2_8:
0x61: {  	p0 =	sne.s32 s17, $0x3F80  }
.Ltmp3:
0x62: {  	_ = 	snop;
	(pc) =	sbr.rel @p0 .LBB2_8-.Ltmp3, $4  }
0x63: {  	s18 =	sshra.s32 s17, $0x2;
	[tilespmem:s31+$0x6A90] =	vst.add.f32.msk $0xffff, v0  }
0x64: {  	v0 =	vld [tilespmem:s18+$0x4A90]  }
0x65: {  	v2 =	vmov v1;
	v1 =	vld [tilespmem:s18+$0x4A80]  }
0x66: {  	s17 =	sadd.s32 $0x80, s17;
	[tilespmem:s31+$0x6A80] =	vst.add.f32.msk $0xffff, v2;
	s31 =	smov.u32 s18  }
0x67: {  	_ =	sdelay $0x1  }
0x68: {  	[tilespmem:s31+$0x6A90] =	vst.add.f32.msk $0xffff, v0  }
0x69: {  	s17 =	simm.s32 $0x480;
	[tilespmem:s31+$0x6A80] =	vst.add.f32.msk $0xffff, v1  }
0x6a: {  	[tilespmem:s29], [sflag:$0x1] =	stream.indirect.gather [hbm4b:s3+s16], $0x20, s17, s16, $0xb8;
	[tilespmem:$0x7A80] =	vst v63  }
0x6b: {  	_ =	swait.ge [sflag:s30], $0x1000  }
0x6c: {  	[sflag:s30] =	ssyncset.done $0x0  }
0x6d: {  	s31 =	simm.s32 $0x0;
	[sflag:s30] =	ssyncadd.s32 $0xFFFFF000  }
0x6e: {  	v0 =	vld [tilespmem:s31+$0x5A90];
	_ =	sdelay $0x1  }
0x6f: {  	s17 =	simm.s32 $0x80;
	v1 =	vld [tilespmem:s31+$0x5A80]  }
.LBB2_10:
0x70: {  	p0 =	sne.s32 s17, $0x3F80  }
.Ltmp4:
0x71: {  	_ = 	snop;
	(pc) =	sbr.rel @p0 .LBB2_10-.Ltmp4, $4  }
0x72: {  	s18 =	sshra.s32 s17, $0x2;
	[tilespmem:s31+$0x6A90] =	vst.add.f32.msk $0xffff, v0  }
0x73: {  	v0 =	vld [tilespmem:s18+$0x5A90]  }
0x74: {  	v2 =	vmov v1;
	v1 =	vld [tilespmem:s18+$0x5A80]  }
0x75: {  	s17 =	sadd.s32 $0x80, s17;
	[tilespmem:s31+$0x6A80] =	vst.add.f32.msk $0xffff, v2;
	s31 =	smov.u32 s18  }
0x76: {  	_ =	sdelay $0x1  }
0x77: {  	[tilespmem:s31+$0x6A90] =	vst.add.f32.msk $0xffff, v0  }
0x78: {  	s17 =	simm.s32 $0x500;
	[tilespmem:s31+$0x6A80] =	vst.add.f32.msk $0xffff, v1  }
0x79: {  	[tilespmem:s26], [sflag:$0x2] =	stream.indirect.gather [hbm4b:s3+s16], $0x20, s17, s16, $0xb8;
	[tilespmem:$0x7A80] =	vst v63  }
0x7a: {  	_ =	swait.ge [sflag:s24], $0x1000  }
0x7b: {  	[sflag:s24] =	ssyncset.done $0x0  }
0x7c: {  	s31 =	simm.s32 $0x0;
	[sflag:s24] =	ssyncadd.s32 $0xFFFFF000  }
0x7d: {  	v0 =	vld [tilespmem:s31+$0x4A90];
	_ =	sdelay $0x1  }
0x7e: {  	s17 =	simm.s32 $0x80;
	v1 =	vld [tilespmem:s31+$0x4A80]  }
.LBB2_12:
0x7f: {  	p0 =	sne.s32 s17, $0x3F80  }
.Ltmp5:
0x80: {  	_ = 	snop;
	(pc) =	sbr.rel @p0 .LBB2_12-.Ltmp5, $4  }
0x81: {  	s18 =	sshra.s32 s17, $0x2;
	[tilespmem:s31+$0x6A90] =	vst.add.f32.msk $0xffff, v0  }
0x82: {  	v0 =	vld [tilespmem:s18+$0x4A90]  }
0x83: {  	v2 =	vmov v1;
	v1 =	vld [tilespmem:s18+$0x4A80]  }
0x84: {  	s17 =	sadd.s32 $0x80, s17;
	[tilespmem:s31+$0x6A80] =	vst.add.f32.msk $0xffff, v2;
	s31 =	smov.u32 s18  }
0x85: {  	_ =	sdelay $0x1  }
0x86: {  	[tilespmem:s31+$0x6A90] =	vst.add.f32.msk $0xffff, v0  }
0x87: {  	s17 =	simm.s32 $0x580;
	[tilespmem:s31+$0x6A80] =	vst.add.f32.msk $0xffff, v1  }
0x88: {  	[tilespmem:s29], [sflag:$0x1] =	stream.indirect.gather [hbm4b:s3+s16], $0x20, s17, s16, $0xb8;
	[tilespmem:$0x7A80] =	vst v63  }
0x89: {  	_ =	swait.ge [sflag:s30], $0x1000  }
0x8a: {  	[sflag:s30] =	ssyncset.done $0x0  }
0x8b: {  	s31 =	simm.s32 $0x0;
	[sflag:s30] =	ssyncadd.s32 $0xFFFFF000  }
0x8c: {  	v0 =	vld [tilespmem:s31+$0x5A90];
	_ =	sdelay $0x1  }
0x8d: {  	s17 =	simm.s32 $0x80;
	v1 =	vld [tilespmem:s31+$0x5A80]  }
.LBB2_14:
0x8e: {  	p0 =	sne.s32 s17, $0x3F80  }
.Ltmp6:
0x8f: {  	_ = 	snop;
	(pc) =	sbr.rel @p0 .LBB2_14-.Ltmp6, $4  }
0x90: {  	s18 =	sshra.s32 s17, $0x2;
	[tilespmem:s31+$0x6A90] =	vst.add.f32.msk $0xffff, v0  }
0x91: {  	v0 =	vld [tilespmem:s18+$0x5A90]  }
0x92: {  	v2 =	vmov v1;
	v1 =	vld [tilespmem:s18+$0x5A80]  }
0x93: {  	s17 =	sadd.s32 $0x80, s17;
	[tilespmem:s31+$0x6A80] =	vst.add.f32.msk $0xffff, v2;
	s31 =	smov.u32 s18  }
0x94: {  	_ =	sdelay $0x1  }
0x95: {  	[tilespmem:s31+$0x6A90] =	vst.add.f32.msk $0xffff, v0  }
0x96: {  	s17 =	simm.s32 $0x600;
	[tilespmem:s31+$0x6A80] =	vst.add.f32.msk $0xffff, v1  }
0x97: {  	[tilespmem:s26], [sflag:$0x2] =	stream.indirect.gather [hbm4b:s3+s16], $0x20, s17, s16, $0xb8;
	[tilespmem:$0x7A80] =	vst v63  }
0x98: {  	_ =	swait.ge [sflag:s24], $0x1000  }
0x99: {  	[sflag:s24] =	ssyncset.done $0x0  }
0x9a: {  	s31 =	simm.s32 $0x0;
	[sflag:s24] =	ssyncadd.s32 $0xFFFFF000  }
0x9b: {  	v0 =	vld [tilespmem:s31+$0x4A90];
	_ =	sdelay $0x1  }
0x9c: {  	s17 =	simm.s32 $0x80;
	v1 =	vld [tilespmem:s31+$0x4A80]  }
.LBB2_16:
0x9d: {  	p0 =	sne.s32 s17, $0x3F80  }
.Ltmp7:
0x9e: {  	_ = 	snop;
	(pc) =	sbr.rel @p0 .LBB2_16-.Ltmp7, $4  }
0x9f: {  	s18 =	sshra.s32 s17, $0x2;
	[tilespmem:s31+$0x6A90] =	vst.add.f32.msk $0xffff, v0  }
0xa0: {  	v0 =	vld [tilespmem:s18+$0x4A90]  }
0xa1: {  	v2 =	vmov v1;
	v1 =	vld [tilespmem:s18+$0x4A80]  }
0xa2: {  	s17 =	sadd.s32 $0x80, s17;
	[tilespmem:s31+$0x6A80] =	vst.add.f32.msk $0xffff, v2;
	s31 =	smov.u32 s18  }
0xa3: {  	_ =	sdelay $0x1  }
0xa4: {  	[tilespmem:s31+$0x6A90] =	vst.add.f32.msk $0xffff, v0  }
0xa5: {  	s17 =	simm.s32 $0x680;
	[tilespmem:s31+$0x6A80] =	vst.add.f32.msk $0xffff, v1  }
0xa6: {  	[tilespmem:s29], [sflag:$0x1] =	stream.indirect.gather [hbm4b:s3+s16], $0x20, s17, s16, $0xb8;
	[tilespmem:$0x7A80] =	vst v63  }
0xa7: {  	_ =	swait.ge [sflag:s30], $0x1000  }
0xa8: {  	[sflag:s30] =	ssyncset.done $0x0  }
0xa9: {  	s31 =	simm.s32 $0x0;
	[sflag:s30] =	ssyncadd.s32 $0xFFFFF000  }
0xaa: {  	v0 =	vld [tilespmem:s31+$0x5A90];
	_ =	sdelay $0x1  }
0xab: {  	s17 =	simm.s32 $0x80;
	v1 =	vld [tilespmem:s31+$0x5A80]  }
.LBB2_18:
0xac: {  	p0 =	sne.s32 s17, $0x3F80  }
.Ltmp8:
0xad: {  	_ = 	snop;
	(pc) =	sbr.rel @p0 .LBB2_18-.Ltmp8, $4  }
0xae: {  	s18 =	sshra.s32 s17, $0x2;
	[tilespmem:s31+$0x6A90] =	vst.add.f32.msk $0xffff, v0  }
0xaf: {  	v0 =	vld [tilespmem:s18+$0x5A90]  }
0xb0: {  	v2 =	vmov v1;
	v1 =	vld [tilespmem:s18+$0x5A80]  }
0xb1: {  	s17 =	sadd.s32 $0x80, s17;
	[tilespmem:s31+$0x6A80] =	vst.add.f32.msk $0xffff, v2;
	s31 =	smov.u32 s18  }
0xb2: {  	_ =	sdelay $0x1  }
0xb3: {  	[tilespmem:s31+$0x6A90] =	vst.add.f32.msk $0xffff, v0  }
0xb4: {  	s17 =	simm.s32 $0x700;
	[tilespmem:s31+$0x6A80] =	vst.add.f32.msk $0xffff, v1  }
0xb5: {  	[tilespmem:s26], [sflag:$0x2] =	stream.indirect.gather [hbm4b:s3+s16], $0x20, s17, s16, $0xb8;
	[tilespmem:$0x7A80] =	vst v63  }
0xb6: {  	_ =	swait.ge [sflag:s24], $0x1000  }
0xb7: {  	[sflag:s24] =	ssyncset.done $0x0  }
0xb8: {  	s31 =	simm.s32 $0x0;
	[sflag:s24] =	ssyncadd.s32 $0xFFFFF000  }
0xb9: {  	v0 =	vld [tilespmem:s31+$0x4A90];
	_ =	sdelay $0x1  }
0xba: {  	s17 =	simm.s32 $0x80;
	v1 =	vld [tilespmem:s31+$0x4A80]  }
.LBB2_20:
0xbb: {  	p0 =	sne.s32 s17, $0x3F80  }
.Ltmp9:
0xbc: {  	_ = 	snop;
	(pc) =	sbr.rel @p0 .LBB2_20-.Ltmp9, $4  }
0xbd: {  	s18 =	sshra.s32 s17, $0x2;
	[tilespmem:s31+$0x6A90] =	vst.add.f32.msk $0xffff, v0  }
0xbe: {  	v0 =	vld [tilespmem:s18+$0x4A90]  }
0xbf: {  	v2 =	vmov v1;
	v1 =	vld [tilespmem:s18+$0x4A80]  }
0xc0: {  	s17 =	sadd.s32 $0x80, s17;
	[tilespmem:s31+$0x6A80] =	vst.add.f32.msk $0xffff, v2;
	s31 =	smov.u32 s18  }
0xc1: {  	_ =	sdelay $0x1  }
0xc2: {  	[tilespmem:s31+$0x6A90] =	vst.add.f32.msk $0xffff, v0  }
0xc3: {  	s17 =	simm.s32 $0x780;
	[tilespmem:s31+$0x6A80] =	vst.add.f32.msk $0xffff, v1  }
0xc4: {  	[tilespmem:s29], [sflag:$0x1] =	stream.indirect.gather [hbm4b:s3+s16], $0x20, s17, s16, $0xb8;
	[tilespmem:$0x7A80] =	vst v63  }
0xc5: {  	_ =	swait.ge [sflag:s30], $0x1000  }
0xc6: {  	[sflag:s30] =	ssyncset.done $0x0  }
0xc7: {  	s31 =	simm.s32 $0x0;
	[sflag:s30] =	ssyncadd.s32 $0xFFFFF000  }
0xc8: {  	v0 =	vld [tilespmem:s31+$0x5A90];
	_ =	sdelay $0x1  }
0xc9: {  	s17 =	simm.s32 $0x80;
	v1 =	vld [tilespmem:s31+$0x5A80]  }
.LBB2_22:
0xca: {  	p0 =	sne.s32 s17, $0x3F80  }
.Ltmp10:
0xcb: {  	_ = 	snop;
	(pc) =	sbr.rel @p0 .LBB2_22-.Ltmp10, $4  }
0xcc: {  	s18 =	sshra.s32 s17, $0x2;
	[tilespmem:s31+$0x6A90] =	vst.add.f32.msk $0xffff, v0  }
0xcd: {  	v0 =	vld [tilespmem:s18+$0x5A90]  }
0xce: {  	v2 =	vmov v1;
	v1 =	vld [tilespmem:s18+$0x5A80]  }
0xcf: {  	s17 =	sadd.s32 $0x80, s17;
	[tilespmem:s31+$0x6A80] =	vst.add.f32.msk $0xffff, v2;
	s31 =	smov.u32 s18  }
0xd0: {  	_ =	sdelay $0x1  }
0xd1: {  	[tilespmem:s31+$0x6A90] =	vst.add.f32.msk $0xffff, v0  }
0xd2: {  	s17 =	simm.s32 $0x800;
	[tilespmem:s31+$0x6A80] =	vst.add.f32.msk $0xffff, v1  }
0xd3: {  	[tilespmem:s26], [sflag:$0x2] =	stream.indirect.gather [hbm4b:s3+s16], $0x20, s17, s16, $0xb8;
	[tilespmem:$0x7A80] =	vst v63  }
0xd4: {  	_ =	swait.ge [sflag:s24], $0x1000  }
0xd5: {  	[sflag:s24] =	ssyncset.done $0x0  }
0xd6: {  	s31 =	simm.s32 $0x0;
	[sflag:s24] =	ssyncadd.s32 $0xFFFFF000  }
0xd7: {  	v0 =	vld [tilespmem:s31+$0x4A90];
	_ =	sdelay $0x1  }
0xd8: {  	s17 =	simm.s32 $0x80;
	v1 =	vld [tilespmem:s31+$0x4A80]  }
.LBB2_24:
0xd9: {  	p0 =	sne.s32 s17, $0x3F80  }
.Ltmp11:
0xda: {  	_ = 	snop;
	(pc) =	sbr.rel @p0 .LBB2_24-.Ltmp11, $4  }
0xdb: {  	s18 =	sshra.s32 s17, $0x2;
	[tilespmem:s31+$0x6A90] =	vst.add.f32.msk $0xffff, v0  }
0xdc: {  	v0 =	vld [tilespmem:s18+$0x4A90]  }
0xdd: {  	v2 =	vmov v1;
	v1 =	vld [tilespmem:s18+$0x4A80]  }
0xde: {  	s17 =	sadd.s32 $0x80, s17;
	[tilespmem:s31+$0x6A80] =	vst.add.f32.msk $0xffff, v2;
	s31 =	smov.u32 s18  }
0xdf: {  	_ =	sdelay $0x1  }
0xe0: {  	[tilespmem:s31+$0x6A90] =	vst.add.f32.msk $0xffff, v0  }
0xe1: {  	s17 =	simm.s32 $0x880;
	[tilespmem:s31+$0x6A80] =	vst.add.f32.msk $0xffff, v1  }
0xe2: {  	[tilespmem:s29], [sflag:$0x1] =	stream.indirect.gather [hbm4b:s3+s16], $0x20, s17, s16, $0xb8;
	[tilespmem:$0x7A80] =	vst v63  }
0xe3: {  	_ =	swait.ge [sflag:s30], $0x1000  }
0xe4: {  	[sflag:s30] =	ssyncset.done $0x0  }
0xe5: {  	s31 =	simm.s32 $0x0;
	[sflag:s30] =	ssyncadd.s32 $0xFFFFF000  }
0xe6: {  	v0 =	vld [tilespmem:s31+$0x5A90];
	_ =	sdelay $0x1  }
0xe7: {  	s17 =	simm.s32 $0x80;
	v1 =	vld [tilespmem:s31+$0x5A80]  }
.LBB2_26:
0xe8: {  	p0 =	sne.s32 s17, $0x3F80  }
.Ltmp12:
0xe9: {  	_ = 	snop;
	(pc) =	sbr.rel @p0 .LBB2_26-.Ltmp12, $4  }
0xea: {  	s18 =	sshra.s32 s17, $0x2;
	[tilespmem:s31+$0x6A90] =	vst.add.f32.msk $0xffff, v0  }
0xeb: {  	v0 =	vld [tilespmem:s18+$0x5A90]  }
0xec: {  	v2 =	vmov v1;
	v1 =	vld [tilespmem:s18+$0x5A80]  }
0xed: {  	s17 =	sadd.s32 $0x80, s17;
	[tilespmem:s31+$0x6A80] =	vst.add.f32.msk $0xffff, v2;
	s31 =	smov.u32 s18  }
0xee: {  	_ =	sdelay $0x1  }
0xef: {  	[tilespmem:s31+$0x6A90] =	vst.add.f32.msk $0xffff, v0  }
0xf0: {  	s17 =	simm.s32 $0x900;
	[tilespmem:s31+$0x6A80] =	vst.add.f32.msk $0xffff, v1  }
0xf1: {  	[tilespmem:s26], [sflag:$0x2] =	stream.indirect.gather [hbm4b:s3+s16], $0x20, s17, s16, $0xb8;
	[tilespmem:$0x7A80] =	vst v63  }
0xf2: {  	_ =	swait.ge [sflag:s24], $0x1000  }
0xf3: {  	[sflag:s24] =	ssyncset.done $0x0  }
0xf4: {  	s31 =	simm.s32 $0x0;
	[sflag:s24] =	ssyncadd.s32 $0xFFFFF000  }
0xf5: {  	v0 =	vld [tilespmem:s31+$0x4A90];
	_ =	sdelay $0x1  }
0xf6: {  	s17 =	simm.s32 $0x80;
	v1 =	vld [tilespmem:s31+$0x4A80]  }
.LBB2_28:
0xf7: {  	p0 =	sne.s32 s17, $0x3F80  }
.Ltmp13:
0xf8: {  	_ = 	snop;
	(pc) =	sbr.rel @p0 .LBB2_28-.Ltmp13, $4  }
0xf9: {  	s18 =	sshra.s32 s17, $0x2;
	[tilespmem:s31+$0x6A90] =	vst.add.f32.msk $0xffff, v0  }
0xfa: {  	v0 =	vld [tilespmem:s18+$0x4A90]  }
0xfb: {  	v2 =	vmov v1;
	v1 =	vld [tilespmem:s18+$0x4A80]  }
0xfc: {  	s17 =	sadd.s32 $0x80, s17;
	[tilespmem:s31+$0x6A80] =	vst.add.f32.msk $0xffff, v2;
	s31 =	smov.u32 s18  }
0xfd: {  	_ =	sdelay $0x1  }
0xfe: {  	[tilespmem:s31+$0x6A90] =	vst.add.f32.msk $0xffff, v0  }
0xff: {  	s17 =	simm.s32 $0x980;
	[tilespmem:s31+$0x6A80] =	vst.add.f32.msk $0xffff, v1  }
0x100: {  	[tilespmem:s29], [sflag:$0x1] =	stream.indirect.gather [hbm4b:s3+s16], $0x20, s17, s16, $0xb8;
	[tilespmem:$0x7A80] =	vst v63  }
0x101: {  	_ =	swait.ge [sflag:s30], $0x1000  }
0x102: {  	[sflag:s30] =	ssyncset.done $0x0  }
0x103: {  	s31 =	simm.s32 $0x0;
	[sflag:s30] =	ssyncadd.s32 $0xFFFFF000  }
0x104: {  	v0 =	vld [tilespmem:s31+$0x5A90];
	_ =	sdelay $0x1  }
0x105: {  	s17 =	simm.s32 $0x80;
	v1 =	vld [tilespmem:s31+$0x5A80]  }
.LBB2_30:
0x106: {  	p0 =	sne.s32 s17, $0x3F80  }
.Ltmp14:
0x107: {  	_ = 	snop;
	(pc) =	sbr.rel @p0 .LBB2_30-.Ltmp14, $4  }
0x108: {  	s18 =	sshra.s32 s17, $0x2;
	[tilespmem:s31+$0x6A90] =	vst.add.f32.msk $0xffff, v0  }
0x109: {  	v0 =	vld [tilespmem:s18+$0x5A90]  }
0x10a: {  	v2 =	vmov v1;
	v1 =	vld [tilespmem:s18+$0x5A80]  }
0x10b: {  	s17 =	sadd.s32 $0x80, s17;
	[tilespmem:s31+$0x6A80] =	vst.add.f32.msk $0xffff, v2;
	s31 =	smov.u32 s18  }
0x10c: {  	_ =	sdelay $0x1  }
0x10d: {  	[tilespmem:s31+$0x6A90] =	vst.add.f32.msk $0xffff, v0  }
0x10e: {  	s17 =	simm.s32 $0xA00;
	[tilespmem:s31+$0x6A80] =	vst.add.f32.msk $0xffff, v1  }
0x10f: {  	[tilespmem:s26], [sflag:$0x2] =	stream.indirect.gather [hbm4b:s3+s16], $0x20, s17, s16, $0xb8;
	[tilespmem:$0x7A80] =	vst v63  }
0x110: {  	_ =	swait.ge [sflag:s24], $0x1000  }
0x111: {  	[sflag:s24] =	ssyncset.done $0x0  }
0x112: {  	s31 =	simm.s32 $0x0;
	[sflag:s24] =	ssyncadd.s32 $0xFFFFF000  }
0x113: {  	v0 =	vld [tilespmem:s31+$0x4A90];
	_ =	sdelay $0x1  }
0x114: {  	s17 =	simm.s32 $0x80;
	v1 =	vld [tilespmem:s31+$0x4A80]  }
.LBB2_32:
0x115: {  	p0 =	sne.s32 s17, $0x3F80  }
.Ltmp15:
0x116: {  	_ = 	snop;
	(pc) =	sbr.rel @p0 .LBB2_32-.Ltmp15, $4  }
0x117: {  	s18 =	sshra.s32 s17, $0x2;
	[tilespmem:s31+$0x6A90] =	vst.add.f32.msk $0xffff, v0  }
0x118: {  	v0 =	vld [tilespmem:s18+$0x4A90]  }
0x119: {  	v2 =	vmov v1;
	v1 =	vld [tilespmem:s18+$0x4A80]  }
0x11a: {  	s17 =	sadd.s32 $0x80, s17;
	[tilespmem:s31+$0x6A80] =	vst.add.f32.msk $0xffff, v2;
	s31 =	smov.u32 s18  }
0x11b: {  	_ =	sdelay $0x1  }
0x11c: {  	[tilespmem:s31+$0x6A90] =	vst.add.f32.msk $0xffff, v0  }
0x11d: {  	s17 =	simm.s32 $0xA80;
	[tilespmem:s31+$0x6A80] =	vst.add.f32.msk $0xffff, v1  }
0x11e: {  	[tilespmem:s29], [sflag:$0x1] =	stream.indirect.gather [hbm4b:s3+s16], $0x20, s17, s16, $0xb8;
	[tilespmem:$0x7A80] =	vst v63  }
0x11f: {  	_ =	swait.ge [sflag:s30], $0x1000  }
0x120: {  	[sflag:s30] =	ssyncset.done $0x0  }
0x121: {  	s31 =	simm.s32 $0x0;
	[sflag:s30] =	ssyncadd.s32 $0xFFFFF000  }
0x122: {  	v0 =	vld [tilespmem:s31+$0x5A90];
	_ =	sdelay $0x1  }
0x123: {  	s17 =	simm.s32 $0x80;
	v1 =	vld [tilespmem:s31+$0x5A80]  }
.LBB2_34:
0x124: {  	p0 =	sne.s32 s17, $0x3F80  }
.Ltmp16:
0x125: {  	_ = 	snop;
	(pc) =	sbr.rel @p0 .LBB2_34-.Ltmp16, $4  }
0x126: {  	s18 =	sshra.s32 s17, $0x2;
	[tilespmem:s31+$0x6A90] =	vst.add.f32.msk $0xffff, v0  }
0x127: {  	v0 =	vld [tilespmem:s18+$0x5A90]  }
0x128: {  	v2 =	vmov v1;
	v1 =	vld [tilespmem:s18+$0x5A80]  }
0x129: {  	s17 =	sadd.s32 $0x80, s17;
	[tilespmem:s31+$0x6A80] =	vst.add.f32.msk $0xffff, v2;
	s31 =	smov.u32 s18  }
0x12a: {  	_ =	sdelay $0x1  }
0x12b: {  	[tilespmem:s31+$0x6A90] =	vst.add.f32.msk $0xffff, v0  }
0x12c: {  	s17 =	simm.s32 $0xB00;
	[tilespmem:s31+$0x6A80] =	vst.add.f32.msk $0xffff, v1  }
0x12d: {  	[tilespmem:s26], [sflag:$0x2] =	stream.indirect.gather [hbm4b:s3+s16], $0x20, s17, s16, $0xb8;
	[tilespmem:$0x7A80] =	vst v63  }
0x12e: {  	_ =	swait.ge [sflag:s24], $0x1000  }
0x12f: {  	[sflag:s24] =	ssyncset.done $0x0  }
0x130: {  	s31 =	simm.s32 $0x0;
	[sflag:s24] =	ssyncadd.s32 $0xFFFFF000  }
0x131: {  	v0 =	vld [tilespmem:s31+$0x4A90];
	_ =	sdelay $0x1  }
0x132: {  	s17 =	simm.s32 $0x80;
	v1 =	vld [tilespmem:s31+$0x4A80]  }
.LBB2_36:
0x133: {  	p0 =	sne.s32 s17, $0x3F80  }
.Ltmp17:
0x134: {  	_ = 	snop;
	(pc) =	sbr.rel @p0 .LBB2_36-.Ltmp17, $4  }
0x135: {  	s18 =	sshra.s32 s17, $0x2;
	[tilespmem:s31+$0x6A90] =	vst.add.f32.msk $0xffff, v0  }
0x136: {  	v0 =	vld [tilespmem:s18+$0x4A90]  }
0x137: {  	v2 =	vmov v1;
	v1 =	vld [tilespmem:s18+$0x4A80]  }
0x138: {  	s17 =	sadd.s32 $0x80, s17;
	[tilespmem:s31+$0x6A80] =	vst.add.f32.msk $0xffff, v2;
	s31 =	smov.u32 s18  }
0x139: {  	_ =	sdelay $0x1  }
0x13a: {  	[tilespmem:s31+$0x6A90] =	vst.add.f32.msk $0xffff, v0  }
0x13b: {  	s17 =	simm.s32 $0xB80;
	[tilespmem:s31+$0x6A80] =	vst.add.f32.msk $0xffff, v1  }
0x13c: {  	[tilespmem:s29], [sflag:$0x1] =	stream.indirect.gather [hbm4b:s3+s16], $0x20, s17, s16, $0xb8;
	[tilespmem:$0x7A80] =	vst v63  }
0x13d: {  	_ =	swait.ge [sflag:s30], $0x1000  }
0x13e: {  	[sflag:s30] =	ssyncset.done $0x0  }
0x13f: {  	s31 =	simm.s32 $0x0;
	[sflag:s30] =	ssyncadd.s32 $0xFFFFF000  }
0x140: {  	v0 =	vld [tilespmem:s31+$0x5A90];
	_ =	sdelay $0x1  }
0x141: {  	s17 =	simm.s32 $0x80;
	v1 =	vld [tilespmem:s31+$0x5A80]  }
.LBB2_38:
0x142: {  	p0 =	sne.s32 s17, $0x3F80  }
.Ltmp18:
0x143: {  	_ = 	snop;
	(pc) =	sbr.rel @p0 .LBB2_38-.Ltmp18, $4  }
0x144: {  	s18 =	sshra.s32 s17, $0x2;
	[tilespmem:s31+$0x6A90] =	vst.add.f32.msk $0xffff, v0  }
0x145: {  	v0 =	vld [tilespmem:s18+$0x5A90]  }
0x146: {  	v2 =	vmov v1;
	v1 =	vld [tilespmem:s18+$0x5A80]  }
0x147: {  	s17 =	sadd.s32 $0x80, s17;
	[tilespmem:s31+$0x6A80] =	vst.add.f32.msk $0xffff, v2;
	s31 =	smov.u32 s18  }
0x148: {  	_ =	sdelay $0x1  }
0x149: {  	[tilespmem:s31+$0x6A90] =	vst.add.f32.msk $0xffff, v0  }
0x14a: {  	s17 =	simm.s32 $0xC00;
	[tilespmem:s31+$0x6A80] =	vst.add.f32.msk $0xffff, v1  }
0x14b: {  	[tilespmem:s26], [sflag:$0x2] =	stream.indirect.gather [hbm4b:s3+s16], $0x20, s17, s16, $0xb8;
	[tilespmem:$0x7A80] =	vst v63  }
0x14c: {  	_ =	swait.ge [sflag:s24], $0x1000  }
0x14d: {  	[sflag:s24] =	ssyncset.done $0x0  }
0x14e: {  	s31 =	simm.s32 $0x0;
	[sflag:s24] =	ssyncadd.s32 $0xFFFFF000  }
0x14f: {  	v0 =	vld [tilespmem:s31+$0x4A90];
	_ =	sdelay $0x1  }
0x150: {  	s17 =	simm.s32 $0x80;
	v1 =	vld [tilespmem:s31+$0x4A80]  }
.LBB2_40:
0x151: {  	p0 =	sne.s32 s17, $0x3F80  }
.Ltmp19:
0x152: {  	_ = 	snop;
	(pc) =	sbr.rel @p0 .LBB2_40-.Ltmp19, $4  }
0x153: {  	s18 =	sshra.s32 s17, $0x2;
	[tilespmem:s31+$0x6A90] =	vst.add.f32.msk $0xffff, v0  }
0x154: {  	v0 =	vld [tilespmem:s18+$0x4A90]  }
0x155: {  	v2 =	vmov v1;
	v1 =	vld [tilespmem:s18+$0x4A80]  }
0x156: {  	s17 =	sadd.s32 $0x80, s17;
	[tilespmem:s31+$0x6A80] =	vst.add.f32.msk $0xffff, v2;
	s31 =	smov.u32 s18  }
0x157: {  	_ =	sdelay $0x1  }
0x158: {  	[tilespmem:s31+$0x6A90] =	vst.add.f32.msk $0xffff, v0  }
0x159: {  	s17 =	simm.s32 $0xC80;
	[tilespmem:s31+$0x6A80] =	vst.add.f32.msk $0xffff, v1  }
0x15a: {  	[tilespmem:s29], [sflag:$0x1] =	stream.indirect.gather [hbm4b:s3+s16], $0x20, s17, s16, $0xb8;
	[tilespmem:$0x7A80] =	vst v63  }
0x15b: {  	_ =	swait.ge [sflag:s30], $0x1000  }
0x15c: {  	[sflag:s30] =	ssyncset.done $0x0  }
0x15d: {  	s31 =	simm.s32 $0x0;
	[sflag:s30] =	ssyncadd.s32 $0xFFFFF000  }
0x15e: {  	v0 =	vld [tilespmem:s31+$0x5A90];
	_ =	sdelay $0x1  }
0x15f: {  	s17 =	simm.s32 $0x80;
	v1 =	vld [tilespmem:s31+$0x5A80]  }
.LBB2_42:
0x160: {  	p0 =	sne.s32 s17, $0x3F80  }
.Ltmp20:
0x161: {  	_ = 	snop;
	(pc) =	sbr.rel @p0 .LBB2_42-.Ltmp20, $4  }
0x162: {  	s18 =	sshra.s32 s17, $0x2;
	[tilespmem:s31+$0x6A90] =	vst.add.f32.msk $0xffff, v0  }
0x163: {  	v0 =	vld [tilespmem:s18+$0x5A90]  }
0x164: {  	v2 =	vmov v1;
	v1 =	vld [tilespmem:s18+$0x5A80]  }
0x165: {  	s17 =	sadd.s32 $0x80, s17;
	[tilespmem:s31+$0x6A80] =	vst.add.f32.msk $0xffff, v2;
	s31 =	smov.u32 s18  }
0x166: {  	_ =	sdelay $0x1  }
0x167: {  	[tilespmem:s31+$0x6A90] =	vst.add.f32.msk $0xffff, v0  }
0x168: {  	s17 =	simm.s32 $0xD00;
	[tilespmem:s31+$0x6A80] =	vst.add.f32.msk $0xffff, v1  }
0x169: {  	[tilespmem:s26], [sflag:$0x2] =	stream.indirect.gather [hbm4b:s3+s16], $0x20, s17, s16, $0xb8;
	[tilespmem:$0x7A80] =	vst v63  }
0x16a: {  	_ =	swait.ge [sflag:s24], $0x1000  }
0x16b: {  	[sflag:s24] =	ssyncset.done $0x0  }
0x16c: {  	s31 =	simm.s32 $0x0;
	[sflag:s24] =	ssyncadd.s32 $0xFFFFF000  }
0x16d: {  	v0 =	vld [tilespmem:s31+$0x4A90];
	_ =	sdelay $0x1  }
0x16e: {  	s17 =	simm.s32 $0x80;
	v1 =	vld [tilespmem:s31+$0x4A80]  }
.LBB2_44:
0x16f: {  	p0 =	sne.s32 s17, $0x3F80  }
.Ltmp21:
0x170: {  	_ = 	snop;
	(pc) =	sbr.rel @p0 .LBB2_44-.Ltmp21, $4  }
0x171: {  	s18 =	sshra.s32 s17, $0x2;
	[tilespmem:s31+$0x6A90] =	vst.add.f32.msk $0xffff, v0  }
0x172: {  	v0 =	vld [tilespmem:s18+$0x4A90]  }
0x173: {  	v2 =	vmov v1;
	v1 =	vld [tilespmem:s18+$0x4A80]  }
0x174: {  	s17 =	sadd.s32 $0x80, s17;
	[tilespmem:s31+$0x6A80] =	vst.add.f32.msk $0xffff, v2;
	s31 =	smov.u32 s18  }
0x175: {  	_ =	sdelay $0x1  }
0x176: {  	[tilespmem:s31+$0x6A90] =	vst.add.f32.msk $0xffff, v0  }
0x177: {  	s17 =	simm.s32 $0xD80;
	[tilespmem:s31+$0x6A80] =	vst.add.f32.msk $0xffff, v1  }
0x178: {  	[tilespmem:s29], [sflag:$0x1] =	stream.indirect.gather [hbm4b:s3+s16], $0x20, s17, s16, $0xb8;
	[tilespmem:$0x7A80] =	vst v63  }
0x179: {  	_ =	swait.ge [sflag:s30], $0x1000  }
0x17a: {  	[sflag:s30] =	ssyncset.done $0x0  }
0x17b: {  	s31 =	simm.s32 $0x0;
	[sflag:s30] =	ssyncadd.s32 $0xFFFFF000  }
0x17c: {  	v0 =	vld [tilespmem:s31+$0x5A90];
	_ =	sdelay $0x1  }
0x17d: {  	s17 =	simm.s32 $0x80;
	v1 =	vld [tilespmem:s31+$0x5A80]  }
.LBB2_46:
0x17e: {  	p0 =	sne.s32 s17, $0x3F80  }
.Ltmp22:
0x17f: {  	_ = 	snop;
	(pc) =	sbr.rel @p0 .LBB2_46-.Ltmp22, $4  }
0x180: {  	s18 =	sshra.s32 s17, $0x2;
	[tilespmem:s31+$0x6A90] =	vst.add.f32.msk $0xffff, v0  }
0x181: {  	v0 =	vld [tilespmem:s18+$0x5A90]  }
0x182: {  	v2 =	vmov v1;
	v1 =	vld [tilespmem:s18+$0x5A80]  }
0x183: {  	s17 =	sadd.s32 $0x80, s17;
	[tilespmem:s31+$0x6A80] =	vst.add.f32.msk $0xffff, v2;
	s31 =	smov.u32 s18  }
0x184: {  	_ =	sdelay $0x1  }
0x185: {  	[tilespmem:s31+$0x6A90] =	vst.add.f32.msk $0xffff, v0  }
0x186: {  	s17 =	simm.s32 $0xE00;
	[tilespmem:s31+$0x6A80] =	vst.add.f32.msk $0xffff, v1  }
0x187: {  	[tilespmem:s26], [sflag:$0x2] =	stream.indirect.gather [hbm4b:s3+s16], $0x20, s17, s16, $0xb8;
	[tilespmem:$0x7A80] =	vst v63  }
0x188: {  	_ =	swait.ge [sflag:s24], $0x1000  }
0x189: {  	[sflag:s24] =	ssyncset.done $0x0  }
0x18a: {  	s31 =	simm.s32 $0x0;
	[sflag:s24] =	ssyncadd.s32 $0xFFFFF000  }
0x18b: {  	v0 =	vld [tilespmem:s31+$0x4A90];
	_ =	sdelay $0x1  }
0x18c: {  	s17 =	simm.s32 $0x80;
	v1 =	vld [tilespmem:s31+$0x4A80]  }
.LBB2_48:
0x18d: {  	p0 =	sne.s32 s17, $0x3F80  }
.Ltmp23:
0x18e: {  	_ = 	snop;
	(pc) =	sbr.rel @p0 .LBB2_48-.Ltmp23, $4  }
0x18f: {  	s18 =	sshra.s32 s17, $0x2;
	[tilespmem:s31+$0x6A90] =	vst.add.f32.msk $0xffff, v0  }
0x190: {  	v0 =	vld [tilespmem:s18+$0x4A90]  }
0x191: {  	v2 =	vmov v1;
	v1 =	vld [tilespmem:s18+$0x4A80]  }
0x192: {  	s17 =	sadd.s32 $0x80, s17;
	[tilespmem:s31+$0x6A80] =	vst.add.f32.msk $0xffff, v2;
	s31 =	smov.u32 s18  }
0x193: {  	_ =	sdelay $0x1  }
0x194: {  	[tilespmem:s31+$0x6A90] =	vst.add.f32.msk $0xffff, v0  }
0x195: {  	s17 =	simm.s32 $0xE80;
	[tilespmem:s31+$0x6A80] =	vst.add.f32.msk $0xffff, v1  }
0x196: {  	[tilespmem:s29], [sflag:$0x1] =	stream.indirect.gather [hbm4b:s3+s16], $0x20, s17, s16, $0xb8;
	[tilespmem:$0x7A80] =	vst v63  }
0x197: {  	_ =	swait.ge [sflag:s30], $0x1000  }
0x198: {  	[sflag:s30] =	ssyncset.done $0x0  }
0x199: {  	s31 =	simm.s32 $0x0;
	[sflag:s30] =	ssyncadd.s32 $0xFFFFF000  }
0x19a: {  	v0 =	vld [tilespmem:s31+$0x5A90];
	_ =	sdelay $0x1  }
0x19b: {  	s17 =	simm.s32 $0x80;
	v1 =	vld [tilespmem:s31+$0x5A80]  }
.LBB2_50:
0x19c: {  	p0 =	sne.s32 s17, $0x3F80  }
.Ltmp24:
0x19d: {  	_ = 	snop;
	(pc) =	sbr.rel @p0 .LBB2_50-.Ltmp24, $4  }
0x19e: {  	s18 =	sshra.s32 s17, $0x2;
	[tilespmem:s31+$0x6A90] =	vst.add.f32.msk $0xffff, v0  }
0x19f: {  	v0 =	vld [tilespmem:s18+$0x5A90]  }
0x1a0: {  	v2 =	vmov v1;
	v1 =	vld [tilespmem:s18+$0x5A80]  }
0x1a1: {  	s17 =	sadd.s32 $0x80, s17;
	[tilespmem:s31+$0x6A80] =	vst.add.f32.msk $0xffff, v2;
	s31 =	smov.u32 s18  }
0x1a2: {  	_ =	sdelay $0x1  }
0x1a3: {  	[tilespmem:s31+$0x6A90] =	vst.add.f32.msk $0xffff, v0  }
0x1a4: {  	s17 =	simm.s32 $0xF00;
	[tilespmem:s31+$0x6A80] =	vst.add.f32.msk $0xffff, v1  }
0x1a5: {  	[tilespmem:s26], [sflag:$0x2] =	stream.indirect.gather [hbm4b:s3+s16], $0x20, s17, s16, $0xb8;
	[tilespmem:$0x7A80] =	vst v63  }
0x1a6: {  	_ =	swait.ge [sflag:s24], $0x1000  }
0x1a7: {  	[sflag:s24] =	ssyncset.done $0x0  }
0x1a8: {  	s31 =	simm.s32 $0x0;
	[sflag:s24] =	ssyncadd.s32 $0xFFFFF000  }
0x1a9: {  	v0 =	vld [tilespmem:s31+$0x4A90];
	_ =	sdelay $0x1  }
0x1aa: {  	s17 =	simm.s32 $0x80;
	v1 =	vld [tilespmem:s31+$0x4A80]  }
.LBB2_52:
0x1ab: {  	p0 =	sne.s32 s17, $0x3F80  }
.Ltmp25:
0x1ac: {  	_ = 	snop;
	(pc) =	sbr.rel @p0 .LBB2_52-.Ltmp25, $4  }
0x1ad: {  	s18 =	sshra.s32 s17, $0x2;
	[tilespmem:s31+$0x6A90] =	vst.add.f32.msk $0xffff, v0  }
0x1ae: {  	v0 =	vld [tilespmem:s18+$0x4A90]  }
0x1af: {  	v2 =	vmov v1;
	v1 =	vld [tilespmem:s18+$0x4A80]  }
0x1b0: {  	s17 =	sadd.s32 $0x80, s17;
	[tilespmem:s31+$0x6A80] =	vst.add.f32.msk $0xffff, v2;
	s31 =	smov.u32 s18  }
0x1b1: {  	_ =	sdelay $0x1  }
0x1b2: {  	[tilespmem:s31+$0x6A90] =	vst.add.f32.msk $0xffff, v0  }
0x1b3: {  	s17 =	simm.s32 $0xF80;
	[tilespmem:s31+$0x6A80] =	vst.add.f32.msk $0xffff, v1  }
0x1b4: {  	[tilespmem:s29], [sflag:$0x1] =	stream.indirect.gather [hbm4b:s3+s16], $0x20, s17, s16, $0xb8;
	[tilespmem:$0x7A80] =	vst v63  }
0x1b5: {  	_ =	swait.ge [sflag:s30], $0x1000  }
0x1b6: {  	[sflag:s30] =	ssyncset.done $0x0  }
0x1b7: {  	s31 =	simm.s32 $0x0;
	[sflag:s30] =	ssyncadd.s32 $0xFFFFF000  }
0x1b8: {  	v0 =	vld [tilespmem:s31+$0x5A90];
	_ =	sdelay $0x1  }
0x1b9: {  	s17 =	simm.s32 $0x80;
	v1 =	vld [tilespmem:s31+$0x5A80]  }
.LBB2_54:
0x1ba: {  	p0 =	sne.s32 s17, $0x3F80  }
.Ltmp26:
0x1bb: {  	_ = 	snop;
	(pc) =	sbr.rel @p0 .LBB2_54-.Ltmp26, $4  }
0x1bc: {  	s18 =	sshra.s32 s17, $0x2;
	[tilespmem:s31+$0x6A90] =	vst.add.f32.msk $0xffff, v0  }
0x1bd: {  	v0 =	vld [tilespmem:s18+$0x5A90]  }
0x1be: {  	v2 =	vmov v1;
	v1 =	vld [tilespmem:s18+$0x5A80]  }
0x1bf: {  	s17 =	sadd.s32 $0x80, s17;
	[tilespmem:s31+$0x6A80] =	vst.add.f32.msk $0xffff, v2;
	s31 =	smov.u32 s18  }
0x1c0: {  	_ =	sdelay $0x1  }
0x1c1: {  	[tilespmem:s31+$0x6A90] =	vst.add.f32.msk $0xffff, v0  }
0x1c2: {  	s17 =	simm.s32 $0x1000;
	[tilespmem:s31+$0x6A80] =	vst.add.f32.msk $0xffff, v1  }
0x1c3: {  	[tilespmem:s26], [sflag:$0x2] =	stream.indirect.gather [hbm4b:s3+s16], $0x20, s17, s16, $0xb8;
	[tilespmem:$0x7A80] =	vst v63  }
0x1c4: {  	_ =	swait.ge [sflag:s24], $0x1000  }
0x1c5: {  	[sflag:s24] =	ssyncset.done $0x0  }
0x1c6: {  	s31 =	simm.s32 $0x0;
	[sflag:s24] =	ssyncadd.s32 $0xFFFFF000  }
0x1c7: {  	v0 =	vld [tilespmem:s31+$0x4A90];
	_ =	sdelay $0x1  }
0x1c8: {  	s17 =	simm.s32 $0x80;
	v1 =	vld [tilespmem:s31+$0x4A80]  }
.LBB2_56:
0x1c9: {  	p0 =	sne.s32 s17, $0x3F80  }
.Ltmp27:
0x1ca: {  	_ = 	snop;
	(pc) =	sbr.rel @p0 .LBB2_56-.Ltmp27, $4  }
0x1cb: {  	s18 =	sshra.s32 s17, $0x2;
	[tilespmem:s31+$0x6A90] =	vst.add.f32.msk $0xffff, v0  }
0x1cc: {  	v0 =	vld [tilespmem:s18+$0x4A90]  }
0x1cd: {  	v2 =	vmov v1;
	v1 =	vld [tilespmem:s18+$0x4A80]  }
0x1ce: {  	s17 =	sadd.s32 $0x80, s17;
	[tilespmem:s31+$0x6A80] =	vst.add.f32.msk $0xffff, v2;
	s31 =	smov.u32 s18  }
0x1cf: {  	_ =	sdelay $0x1  }
0x1d0: {  	[tilespmem:s31+$0x6A90] =	vst.add.f32.msk $0xffff, v0  }
0x1d1: {  	s17 =	simm.s32 $0x1080;
	[tilespmem:s31+$0x6A80] =	vst.add.f32.msk $0xffff, v1  }
0x1d2: {  	[tilespmem:s29], [sflag:$0x1] =	stream.indirect.gather [hbm4b:s3+s16], $0x20, s17, s16, $0xb8;
	[tilespmem:$0x7A80] =	vst v63  }
0x1d3: {  	_ =	swait.ge [sflag:s30], $0x1000  }
0x1d4: {  	[sflag:s30] =	ssyncset.done $0x0  }
0x1d5: {  	s31 =	simm.s32 $0x0;
	[sflag:s30] =	ssyncadd.s32 $0xFFFFF000  }
0x1d6: {  	v0 =	vld [tilespmem:s31+$0x5A90];
	_ =	sdelay $0x1  }
0x1d7: {  	s17 =	simm.s32 $0x80;
	v1 =	vld [tilespmem:s31+$0x5A80]  }
.LBB2_58:
0x1d8: {  	p0 =	sne.s32 s17, $0x3F80  }
.Ltmp28:
0x1d9: {  	_ = 	snop;
	(pc) =	sbr.rel @p0 .LBB2_58-.Ltmp28, $4  }
0x1da: {  	s18 =	sshra.s32 s17, $0x2;
	[tilespmem:s31+$0x6A90] =	vst.add.f32.msk $0xffff, v0  }
0x1db: {  	v0 =	vld [tilespmem:s18+$0x5A90]  }
0x1dc: {  	v2 =	vmov v1;
	v1 =	vld [tilespmem:s18+$0x5A80]  }
0x1dd: {  	s17 =	sadd.s32 $0x80, s17;
	[tilespmem:s31+$0x6A80] =	vst.add.f32.msk $0xffff, v2;
	s31 =	smov.u32 s18  }
0x1de: {  	_ =	sdelay $0x1  }
0x1df: {  	[tilespmem:s31+$0x6A90] =	vst.add.f32.msk $0xffff, v0  }
0x1e0: {  	s17 =	simm.s32 $0x1100;
	[tilespmem:s31+$0x6A80] =	vst.add.f32.msk $0xffff, v1  }
0x1e1: {  	[tilespmem:s26], [sflag:$0x2] =	stream.indirect.gather [hbm4b:s3+s16], $0x20, s17, s16, $0xb8;
	[tilespmem:$0x7A80] =	vst v63  }
0x1e2: {  	_ =	swait.ge [sflag:s24], $0x1000  }
0x1e3: {  	[sflag:s24] =	ssyncset.done $0x0  }
0x1e4: {  	s31 =	simm.s32 $0x0;
	[sflag:s24] =	ssyncadd.s32 $0xFFFFF000  }
0x1e5: {  	v0 =	vld [tilespmem:s31+$0x4A90];
	_ =	sdelay $0x1  }
0x1e6: {  	s17 =	simm.s32 $0x80;
	v1 =	vld [tilespmem:s31+$0x4A80]  }
.LBB2_60:
0x1e7: {  	p0 =	sne.s32 s17, $0x3F80  }
.Ltmp29:
0x1e8: {  	_ = 	snop;
	(pc) =	sbr.rel @p0 .LBB2_60-.Ltmp29, $4  }
0x1e9: {  	s18 =	sshra.s32 s17, $0x2;
	[tilespmem:s31+$0x6A90] =	vst.add.f32.msk $0xffff, v0  }
0x1ea: {  	v0 =	vld [tilespmem:s18+$0x4A90]  }
0x1eb: {  	v2 =	vmov v1;
	v1 =	vld [tilespmem:s18+$0x4A80]  }
0x1ec: {  	s17 =	sadd.s32 $0x80, s17;
	[tilespmem:s31+$0x6A80] =	vst.add.f32.msk $0xffff, v2;
	s31 =	smov.u32 s18  }
0x1ed: {  	_ =	sdelay $0x1  }
0x1ee: {  	[tilespmem:s31+$0x6A90] =	vst.add.f32.msk $0xffff, v0  }
0x1ef: {  	s17 =	simm.s32 $0x1180;
	[tilespmem:s31+$0x6A80] =	vst.add.f32.msk $0xffff, v1  }
0x1f0: {  	[tilespmem:s29], [sflag:$0x1] =	stream.indirect.gather [hbm4b:s3+s16], $0x20, s17, s16, $0xb8;
	[tilespmem:$0x7A80] =	vst v63  }
0x1f1: {  	_ =	swait.ge [sflag:s30], $0x1000  }
0x1f2: {  	[sflag:s30] =	ssyncset.done $0x0  }
0x1f3: {  	s31 =	simm.s32 $0x0;
	[sflag:s30] =	ssyncadd.s32 $0xFFFFF000  }
0x1f4: {  	v0 =	vld [tilespmem:s31+$0x5A90];
	_ =	sdelay $0x1  }
0x1f5: {  	s17 =	simm.s32 $0x80;
	v1 =	vld [tilespmem:s31+$0x5A80]  }
.LBB2_62:
0x1f6: {  	p0 =	sne.s32 s17, $0x3F80  }
.Ltmp30:
0x1f7: {  	_ = 	snop;
	(pc) =	sbr.rel @p0 .LBB2_62-.Ltmp30, $4  }
0x1f8: {  	s18 =	sshra.s32 s17, $0x2;
	[tilespmem:s31+$0x6A90] =	vst.add.f32.msk $0xffff, v0  }
0x1f9: {  	v0 =	vld [tilespmem:s18+$0x5A90]  }
0x1fa: {  	v2 =	vmov v1;
	v1 =	vld [tilespmem:s18+$0x5A80]  }
0x1fb: {  	s17 =	sadd.s32 $0x80, s17;
	[tilespmem:s31+$0x6A80] =	vst.add.f32.msk $0xffff, v2;
	s31 =	smov.u32 s18  }
0x1fc: {  	_ =	sdelay $0x1  }
0x1fd: {  	[tilespmem:s31+$0x6A90] =	vst.add.f32.msk $0xffff, v0  }
0x1fe: {  	s17 =	simm.s32 $0x1200;
	[tilespmem:s31+$0x6A80] =	vst.add.f32.msk $0xffff, v1  }
0x1ff: {  	[tilespmem:s26], [sflag:$0x2] =	stream.indirect.gather [hbm4b:s3+s16], $0x20, s17, s16, $0xb8;
	[tilespmem:$0x7A80] =	vst v63  }
0x200: {  	_ =	swait.ge [sflag:s24], $0x1000  }
0x201: {  	[sflag:s24] =	ssyncset.done $0x0  }
0x202: {  	s31 =	simm.s32 $0x0;
	[sflag:s24] =	ssyncadd.s32 $0xFFFFF000  }
0x203: {  	v0 =	vld [tilespmem:s31+$0x4A90];
	_ =	sdelay $0x1  }
0x204: {  	s17 =	simm.s32 $0x80;
	v1 =	vld [tilespmem:s31+$0x4A80]  }
.LBB2_64:
0x205: {  	p0 =	sne.s32 s17, $0x3F80  }
.Ltmp31:
0x206: {  	_ = 	snop;
	(pc) =	sbr.rel @p0 .LBB2_64-.Ltmp31, $4  }
0x207: {  	s18 =	sshra.s32 s17, $0x2;
	[tilespmem:s31+$0x6A90] =	vst.add.f32.msk $0xffff, v0  }
0x208: {  	v0 =	vld [tilespmem:s18+$0x4A90]  }
0x209: {  	v2 =	vmov v1;
	v1 =	vld [tilespmem:s18+$0x4A80]  }
0x20a: {  	s17 =	sadd.s32 $0x80, s17;
	[tilespmem:s31+$0x6A80] =	vst.add.f32.msk $0xffff, v2;
	s31 =	smov.u32 s18  }
0x20b: {  	_ =	sdelay $0x1  }
0x20c: {  	[tilespmem:s31+$0x6A90] =	vst.add.f32.msk $0xffff, v0  }
0x20d: {  	s17 =	simm.s32 $0x1280;
	[tilespmem:s31+$0x6A80] =	vst.add.f32.msk $0xffff, v1  }
0x20e: {  	[tilespmem:s29], [sflag:$0x1] =	stream.indirect.gather [hbm4b:s3+s16], $0x20, s17, s16, $0xb8;
	[tilespmem:$0x7A80] =	vst v63  }
0x20f: {  	_ =	swait.ge [sflag:s30], $0x1000  }
0x210: {  	[sflag:s30] =	ssyncset.done $0x0  }
0x211: {  	s31 =	simm.s32 $0x0;
	[sflag:s30] =	ssyncadd.s32 $0xFFFFF000  }
0x212: {  	v0 =	vld [tilespmem:s31+$0x5A90];
	_ =	sdelay $0x1  }
0x213: {  	s17 =	simm.s32 $0x80;
	v1 =	vld [tilespmem:s31+$0x5A80]  }
.LBB2_66:
0x214: {  	p0 =	sne.s32 s17, $0x3F80  }
.Ltmp32:
0x215: {  	_ = 	snop;
	(pc) =	sbr.rel @p0 .LBB2_66-.Ltmp32, $4  }
0x216: {  	s18 =	sshra.s32 s17, $0x2;
	[tilespmem:s31+$0x6A90] =	vst.add.f32.msk $0xffff, v0  }
0x217: {  	v0 =	vld [tilespmem:s18+$0x5A90]  }
0x218: {  	v2 =	vmov v1;
	v1 =	vld [tilespmem:s18+$0x5A80]  }
0x219: {  	s17 =	sadd.s32 $0x80, s17;
	[tilespmem:s31+$0x6A80] =	vst.add.f32.msk $0xffff, v2;
	s31 =	smov.u32 s18  }
0x21a: {  	_ =	sdelay $0x1  }
0x21b: {  	[tilespmem:s31+$0x6A90] =	vst.add.f32.msk $0xffff, v0  }
0x21c: {  	s17 =	simm.s32 $0x1300;
	[tilespmem:s31+$0x6A80] =	vst.add.f32.msk $0xffff, v1  }
0x21d: {  	[tilespmem:s26], [sflag:$0x2] =	stream.indirect.gather [hbm4b:s3+s16], $0x20, s17, s16, $0xb8;
	[tilespmem:$0x7A80] =	vst v63  }
0x21e: {  	_ =	swait.ge [sflag:s24], $0x1000  }
0x21f: {  	[sflag:s24] =	ssyncset.done $0x0  }
0x220: {  	s31 =	simm.s32 $0x0;
	[sflag:s24] =	ssyncadd.s32 $0xFFFFF000  }
0x221: {  	v0 =	vld [tilespmem:s31+$0x4A90];
	_ =	sdelay $0x1  }
0x222: {  	s17 =	simm.s32 $0x80;
	v1 =	vld [tilespmem:s31+$0x4A80]  }
.LBB2_68:
0x223: {  	p0 =	sne.s32 s17, $0x3F80  }
.Ltmp33:
0x224: {  	_ = 	snop;
	(pc) =	sbr.rel @p0 .LBB2_68-.Ltmp33, $4  }
0x225: {  	s18 =	sshra.s32 s17, $0x2;
	[tilespmem:s31+$0x6A90] =	vst.add.f32.msk $0xffff, v0  }
0x226: {  	v0 =	vld [tilespmem:s18+$0x4A90]  }
0x227: {  	v2 =	vmov v1;
	v1 =	vld [tilespmem:s18+$0x4A80]  }
0x228: {  	s17 =	sadd.s32 $0x80, s17;
	[tilespmem:s31+$0x6A80] =	vst.add.f32.msk $0xffff, v2;
	s31 =	smov.u32 s18  }
0x229: {  	_ =	sdelay $0x1  }
0x22a: {  	[tilespmem:s31+$0x6A90] =	vst.add.f32.msk $0xffff, v0  }
0x22b: {  	s17 =	simm.s32 $0x1380;
	[tilespmem:s31+$0x6A80] =	vst.add.f32.msk $0xffff, v1  }
0x22c: {  	[tilespmem:s29], [sflag:$0x1] =	stream.indirect.gather [hbm4b:s3+s16], $0x20, s17, s16, $0xb8;
	[tilespmem:$0x7A80] =	vst v63  }
0x22d: {  	_ =	swait.ge [sflag:s30], $0x1000  }
0x22e: {  	[sflag:s30] =	ssyncset.done $0x0  }
0x22f: {  	s31 =	simm.s32 $0x0;
	[sflag:s30] =	ssyncadd.s32 $0xFFFFF000  }
0x230: {  	v0 =	vld [tilespmem:s31+$0x5A90];
	_ =	sdelay $0x1  }
0x231: {  	s17 =	simm.s32 $0x80;
	v1 =	vld [tilespmem:s31+$0x5A80]  }
.LBB2_70:
0x232: {  	p0 =	sne.s32 s17, $0x3F80  }
.Ltmp34:
0x233: {  	_ = 	snop;
	(pc) =	sbr.rel @p0 .LBB2_70-.Ltmp34, $4  }
0x234: {  	s18 =	sshra.s32 s17, $0x2;
	[tilespmem:s31+$0x6A90] =	vst.add.f32.msk $0xffff, v0  }
0x235: {  	v0 =	vld [tilespmem:s18+$0x5A90]  }
0x236: {  	v2 =	vmov v1;
	v1 =	vld [tilespmem:s18+$0x5A80]  }
0x237: {  	s17 =	sadd.s32 $0x80, s17;
	[tilespmem:s31+$0x6A80] =	vst.add.f32.msk $0xffff, v2;
	s31 =	smov.u32 s18  }
0x238: {  	_ =	sdelay $0x1  }
0x239: {  	[tilespmem:s31+$0x6A90] =	vst.add.f32.msk $0xffff, v0  }
0x23a: {  	s17 =	simm.s32 $0x1400;
	[tilespmem:s31+$0x6A80] =	vst.add.f32.msk $0xffff, v1  }
0x23b: {  	[tilespmem:s26], [sflag:$0x2] =	stream.indirect.gather [hbm4b:s3+s16], $0x20, s17, s16, $0xb8;
	[tilespmem:$0x7A80] =	vst v63  }
0x23c: {  	_ =	swait.ge [sflag:s24], $0x1000  }
0x23d: {  	[sflag:s24] =	ssyncset.done $0x0  }
0x23e: {  	s31 =	simm.s32 $0x0;
	[sflag:s24] =	ssyncadd.s32 $0xFFFFF000  }
0x23f: {  	v0 =	vld [tilespmem:s31+$0x4A90];
	_ =	sdelay $0x1  }
0x240: {  	s17 =	simm.s32 $0x80;
	v1 =	vld [tilespmem:s31+$0x4A80]  }
.LBB2_72:
0x241: {  	p0 =	sne.s32 s17, $0x3F80  }
.Ltmp35:
0x242: {  	_ = 	snop;
	(pc) =	sbr.rel @p0 .LBB2_72-.Ltmp35, $4  }
0x243: {  	s18 =	sshra.s32 s17, $0x2;
	[tilespmem:s31+$0x6A90] =	vst.add.f32.msk $0xffff, v0  }
0x244: {  	v0 =	vld [tilespmem:s18+$0x4A90]  }
0x245: {  	v2 =	vmov v1;
	v1 =	vld [tilespmem:s18+$0x4A80]  }
0x246: {  	s17 =	sadd.s32 $0x80, s17;
	[tilespmem:s31+$0x6A80] =	vst.add.f32.msk $0xffff, v2;
	s31 =	smov.u32 s18  }
0x247: {  	_ =	sdelay $0x1  }
0x248: {  	[tilespmem:s31+$0x6A90] =	vst.add.f32.msk $0xffff, v0  }
0x249: {  	s17 =	simm.s32 $0x1480;
	[tilespmem:s31+$0x6A80] =	vst.add.f32.msk $0xffff, v1  }
0x24a: {  	[tilespmem:s29], [sflag:$0x1] =	stream.indirect.gather [hbm4b:s3+s16], $0x20, s17, s16, $0xb8;
	[tilespmem:$0x7A80] =	vst v63  }
0x24b: {  	_ =	swait.ge [sflag:s30], $0x1000  }
0x24c: {  	[sflag:s30] =	ssyncset.done $0x0  }
0x24d: {  	s31 =	simm.s32 $0x0;
	[sflag:s30] =	ssyncadd.s32 $0xFFFFF000  }
0x24e: {  	v0 =	vld [tilespmem:s31+$0x5A90];
	_ =	sdelay $0x1  }
0x24f: {  	s17 =	simm.s32 $0x80;
	v1 =	vld [tilespmem:s31+$0x5A80]  }
.LBB2_74:
0x250: {  	p0 =	sne.s32 s17, $0x3F80  }
.Ltmp36:
0x251: {  	_ = 	snop;
	(pc) =	sbr.rel @p0 .LBB2_74-.Ltmp36, $4  }
0x252: {  	s18 =	sshra.s32 s17, $0x2;
	[tilespmem:s31+$0x6A90] =	vst.add.f32.msk $0xffff, v0  }
0x253: {  	v0 =	vld [tilespmem:s18+$0x5A90]  }
0x254: {  	v2 =	vmov v1;
	v1 =	vld [tilespmem:s18+$0x5A80]  }
0x255: {  	s17 =	sadd.s32 $0x80, s17;
	[tilespmem:s31+$0x6A80] =	vst.add.f32.msk $0xffff, v2;
	s31 =	smov.u32 s18  }
0x256: {  	_ =	sdelay $0x1  }
0x257: {  	[tilespmem:s31+$0x6A90] =	vst.add.f32.msk $0xffff, v0  }
0x258: {  	s17 =	simm.s32 $0x1500;
	[tilespmem:s31+$0x6A80] =	vst.add.f32.msk $0xffff, v1  }
0x259: {  	[tilespmem:s26], [sflag:$0x2] =	stream.indirect.gather [hbm4b:s3+s16], $0x20, s17, s16, $0xb8;
	[tilespmem:$0x7A80] =	vst v63  }
0x25a: {  	_ =	swait.ge [sflag:s24], $0x1000  }
0x25b: {  	[sflag:s24] =	ssyncset.done $0x0  }
0x25c: {  	s31 =	simm.s32 $0x0;
	[sflag:s24] =	ssyncadd.s32 $0xFFFFF000  }
0x25d: {  	v0 =	vld [tilespmem:s31+$0x4A90];
	_ =	sdelay $0x1  }
0x25e: {  	s17 =	simm.s32 $0x80;
	v1 =	vld [tilespmem:s31+$0x4A80]  }
.LBB2_76:
0x25f: {  	p0 =	sne.s32 s17, $0x3F80  }
.Ltmp37:
0x260: {  	_ = 	snop;
	(pc) =	sbr.rel @p0 .LBB2_76-.Ltmp37, $4  }
0x261: {  	s18 =	sshra.s32 s17, $0x2;
	[tilespmem:s31+$0x6A90] =	vst.add.f32.msk $0xffff, v0  }
0x262: {  	v0 =	vld [tilespmem:s18+$0x4A90]  }
0x263: {  	v2 =	vmov v1;
	v1 =	vld [tilespmem:s18+$0x4A80]  }
0x264: {  	s17 =	sadd.s32 $0x80, s17;
	[tilespmem:s31+$0x6A80] =	vst.add.f32.msk $0xffff, v2;
	s31 =	smov.u32 s18  }
0x265: {  	_ =	sdelay $0x1  }
0x266: {  	[tilespmem:s31+$0x6A90] =	vst.add.f32.msk $0xffff, v0  }
0x267: {  	s17 =	simm.s32 $0x1580;
	[tilespmem:s31+$0x6A80] =	vst.add.f32.msk $0xffff, v1  }
0x268: {  	[tilespmem:s29], [sflag:$0x1] =	stream.indirect.gather [hbm4b:s3+s16], $0x20, s17, s16, $0xb8;
	[tilespmem:$0x7A80] =	vst v63  }
0x269: {  	_ =	swait.ge [sflag:s30], $0x1000  }
0x26a: {  	[sflag:s30] =	ssyncset.done $0x0  }
0x26b: {  	s31 =	simm.s32 $0x0;
	[sflag:s30] =	ssyncadd.s32 $0xFFFFF000  }
0x26c: {  	v0 =	vld [tilespmem:s31+$0x5A90];
	_ =	sdelay $0x1  }
0x26d: {  	s17 =	simm.s32 $0x80;
	v1 =	vld [tilespmem:s31+$0x5A80]  }
.LBB2_78:
0x26e: {  	p0 =	sne.s32 s17, $0x3F80  }
.Ltmp38:
0x26f: {  	_ = 	snop;
	(pc) =	sbr.rel @p0 .LBB2_78-.Ltmp38, $4  }
0x270: {  	s18 =	sshra.s32 s17, $0x2;
	[tilespmem:s31+$0x6A90] =	vst.add.f32.msk $0xffff, v0  }
0x271: {  	v0 =	vld [tilespmem:s18+$0x5A90]  }
0x272: {  	v2 =	vmov v1;
	v1 =	vld [tilespmem:s18+$0x5A80]  }
0x273: {  	s17 =	sadd.s32 $0x80, s17;
	[tilespmem:s31+$0x6A80] =	vst.add.f32.msk $0xffff, v2;
	s31 =	smov.u32 s18  }
0x274: {  	_ =	sdelay $0x1  }
0x275: {  	[tilespmem:s31+$0x6A90] =	vst.add.f32.msk $0xffff, v0  }
0x276: {  	s17 =	simm.s32 $0x1600;
	[tilespmem:s31+$0x6A80] =	vst.add.f32.msk $0xffff, v1  }
0x277: {  	[tilespmem:s26], [sflag:$0x2] =	stream.indirect.gather [hbm4b:s3+s16], $0x20, s17, s16, $0xb8;
	[tilespmem:$0x7A80] =	vst v63  }
0x278: {  	_ =	swait.ge [sflag:s24], $0x1000  }
0x279: {  	[sflag:s24] =	ssyncset.done $0x0  }
0x27a: {  	s31 =	simm.s32 $0x0;
	[sflag:s24] =	ssyncadd.s32 $0xFFFFF000  }
0x27b: {  	v0 =	vld [tilespmem:s31+$0x4A90];
	_ =	sdelay $0x1  }
0x27c: {  	s17 =	simm.s32 $0x80;
	v1 =	vld [tilespmem:s31+$0x4A80]  }
.LBB2_80:
0x27d: {  	p0 =	sne.s32 s17, $0x3F80  }
.Ltmp39:
0x27e: {  	_ = 	snop;
	(pc) =	sbr.rel @p0 .LBB2_80-.Ltmp39, $4  }
0x27f: {  	s18 =	sshra.s32 s17, $0x2;
	[tilespmem:s31+$0x6A90] =	vst.add.f32.msk $0xffff, v0  }
0x280: {  	v0 =	vld [tilespmem:s18+$0x4A90]  }
0x281: {  	v2 =	vmov v1;
	v1 =	vld [tilespmem:s18+$0x4A80]  }
0x282: {  	s17 =	sadd.s32 $0x80, s17;
	[tilespmem:s31+$0x6A80] =	vst.add.f32.msk $0xffff, v2;
	s31 =	smov.u32 s18  }
0x283: {  	_ =	sdelay $0x1  }
0x284: {  	[tilespmem:s31+$0x6A90] =	vst.add.f32.msk $0xffff, v0  }
0x285: {  	s17 =	simm.s32 $0x1680;
	[tilespmem:s31+$0x6A80] =	vst.add.f32.msk $0xffff, v1  }
0x286: {  	[tilespmem:s29], [sflag:$0x1] =	stream.indirect.gather [hbm4b:s3+s16], $0x20, s17, s16, $0xb8;
	[tilespmem:$0x7A80] =	vst v63  }
0x287: {  	_ =	swait.ge [sflag:s30], $0x1000  }
0x288: {  	[sflag:s30] =	ssyncset.done $0x0  }
0x289: {  	s31 =	simm.s32 $0x0;
	[sflag:s30] =	ssyncadd.s32 $0xFFFFF000  }
0x28a: {  	v0 =	vld [tilespmem:s31+$0x5A90];
	_ =	sdelay $0x1  }
0x28b: {  	s17 =	simm.s32 $0x80;
	v1 =	vld [tilespmem:s31+$0x5A80]  }
.LBB2_82:
0x28c: {  	p0 =	sne.s32 s17, $0x3F80  }
.Ltmp40:
0x28d: {  	_ = 	snop;
	(pc) =	sbr.rel @p0 .LBB2_82-.Ltmp40, $4  }
0x28e: {  	s18 =	sshra.s32 s17, $0x2;
	[tilespmem:s31+$0x6A90] =	vst.add.f32.msk $0xffff, v0  }
0x28f: {  	v0 =	vld [tilespmem:s18+$0x5A90]  }
0x290: {  	v2 =	vmov v1;
	v1 =	vld [tilespmem:s18+$0x5A80]  }
0x291: {  	s17 =	sadd.s32 $0x80, s17;
	[tilespmem:s31+$0x6A80] =	vst.add.f32.msk $0xffff, v2;
	s31 =	smov.u32 s18  }
0x292: {  	_ =	sdelay $0x1  }
0x293: {  	[tilespmem:s31+$0x6A90] =	vst.add.f32.msk $0xffff, v0  }
0x294: {  	s17 =	simm.s32 $0x1700;
	[tilespmem:s31+$0x6A80] =	vst.add.f32.msk $0xffff, v1  }
0x295: {  	[tilespmem:s26], [sflag:$0x2] =	stream.indirect.gather [hbm4b:s3+s16], $0x20, s17, s16, $0xb8;
	[tilespmem:$0x7A80] =	vst v63  }
0x296: {  	_ =	swait.ge [sflag:s24], $0x1000  }
0x297: {  	[sflag:s24] =	ssyncset.done $0x0  }
0x298: {  	s31 =	simm.s32 $0x0;
	[sflag:s24] =	ssyncadd.s32 $0xFFFFF000  }
0x299: {  	v0 =	vld [tilespmem:s31+$0x4A90];
	_ =	sdelay $0x1  }
0x29a: {  	s17 =	simm.s32 $0x80;
	v1 =	vld [tilespmem:s31+$0x4A80]  }
.LBB2_84:
0x29b: {  	p0 =	sne.s32 s17, $0x3F80  }
.Ltmp41:
0x29c: {  	_ = 	snop;
	(pc) =	sbr.rel @p0 .LBB2_84-.Ltmp41, $4  }
0x29d: {  	s18 =	sshra.s32 s17, $0x2;
	[tilespmem:s31+$0x6A90] =	vst.add.f32.msk $0xffff, v0  }
0x29e: {  	v0 =	vld [tilespmem:s18+$0x4A90]  }
0x29f: {  	v2 =	vmov v1;
	v1 =	vld [tilespmem:s18+$0x4A80]  }
0x2a0: {  	s17 =	sadd.s32 $0x80, s17;
	[tilespmem:s31+$0x6A80] =	vst.add.f32.msk $0xffff, v2;
	s31 =	smov.u32 s18  }
0x2a1: {  	_ =	sdelay $0x1  }
0x2a2: {  	[tilespmem:s31+$0x6A90] =	vst.add.f32.msk $0xffff, v0  }
0x2a3: {  	s17 =	simm.s32 $0x1780;
	[tilespmem:s31+$0x6A80] =	vst.add.f32.msk $0xffff, v1  }
0x2a4: {  	[tilespmem:s29], [sflag:$0x1] =	stream.indirect.gather [hbm4b:s3+s16], $0x20, s17, s16, $0xb8;
	[tilespmem:$0x7A80] =	vst v63  }
0x2a5: {  	_ =	swait.ge [sflag:s30], $0x1000  }
0x2a6: {  	[sflag:s30] =	ssyncset.done $0x0  }
0x2a7: {  	s31 =	simm.s32 $0x0;
	[sflag:s30] =	ssyncadd.s32 $0xFFFFF000  }
0x2a8: {  	v0 =	vld [tilespmem:s31+$0x5A90];
	_ =	sdelay $0x1  }
0x2a9: {  	s17 =	simm.s32 $0x80;
	v1 =	vld [tilespmem:s31+$0x5A80]  }
.LBB2_86:
0x2aa: {  	p0 =	sne.s32 s17, $0x3F80  }
.Ltmp42:
0x2ab: {  	_ = 	snop;
	(pc) =	sbr.rel @p0 .LBB2_86-.Ltmp42, $4  }
0x2ac: {  	s18 =	sshra.s32 s17, $0x2;
	[tilespmem:s31+$0x6A90] =	vst.add.f32.msk $0xffff, v0  }
0x2ad: {  	v0 =	vld [tilespmem:s18+$0x5A90]  }
0x2ae: {  	v2 =	vmov v1;
	v1 =	vld [tilespmem:s18+$0x5A80]  }
0x2af: {  	s17 =	sadd.s32 $0x80, s17;
	[tilespmem:s31+$0x6A80] =	vst.add.f32.msk $0xffff, v2;
	s31 =	smov.u32 s18  }
0x2b0: {  	_ =	sdelay $0x1  }
0x2b1: {  	[tilespmem:s31+$0x6A90] =	vst.add.f32.msk $0xffff, v0  }
0x2b2: {  	s17 =	simm.s32 $0x1800;
	[tilespmem:s31+$0x6A80] =	vst.add.f32.msk $0xffff, v1  }
0x2b3: {  	[tilespmem:s26], [sflag:$0x2] =	stream.indirect.gather [hbm4b:s3+s16], $0x20, s17, s16, $0xb8;
	[tilespmem:$0x7A80] =	vst v63  }
0x2b4: {  	_ =	swait.ge [sflag:s24], $0x1000  }
0x2b5: {  	[sflag:s24] =	ssyncset.done $0x0  }
0x2b6: {  	s31 =	simm.s32 $0x0;
	[sflag:s24] =	ssyncadd.s32 $0xFFFFF000  }
0x2b7: {  	v0 =	vld [tilespmem:s31+$0x4A90];
	_ =	sdelay $0x1  }
0x2b8: {  	s17 =	simm.s32 $0x80;
	v1 =	vld [tilespmem:s31+$0x4A80]  }
.LBB2_88:
0x2b9: {  	p0 =	sne.s32 s17, $0x3F80  }
.Ltmp43:
0x2ba: {  	_ = 	snop;
	(pc) =	sbr.rel @p0 .LBB2_88-.Ltmp43, $4  }
0x2bb: {  	s18 =	sshra.s32 s17, $0x2;
	[tilespmem:s31+$0x6A90] =	vst.add.f32.msk $0xffff, v0  }
0x2bc: {  	v0 =	vld [tilespmem:s18+$0x4A90]  }
0x2bd: {  	v2 =	vmov v1;
	v1 =	vld [tilespmem:s18+$0x4A80]  }
0x2be: {  	s17 =	sadd.s32 $0x80, s17;
	[tilespmem:s31+$0x6A80] =	vst.add.f32.msk $0xffff, v2;
	s31 =	smov.u32 s18  }
0x2bf: {  	_ =	sdelay $0x1  }
0x2c0: {  	[tilespmem:s31+$0x6A90] =	vst.add.f32.msk $0xffff, v0  }
0x2c1: {  	s17 =	simm.s32 $0x1880;
	[tilespmem:s31+$0x6A80] =	vst.add.f32.msk $0xffff, v1  }
0x2c2: {  	[tilespmem:s29], [sflag:$0x1] =	stream.indirect.gather [hbm4b:s3+s16], $0x20, s17, s16, $0xb8;
	[tilespmem:$0x7A80] =	vst v63  }
0x2c3: {  	_ =	swait.ge [sflag:s30], $0x1000  }
0x2c4: {  	[sflag:s30] =	ssyncset.done $0x0  }
0x2c5: {  	s31 =	simm.s32 $0x0;
	[sflag:s30] =	ssyncadd.s32 $0xFFFFF000  }
0x2c6: {  	v0 =	vld [tilespmem:s31+$0x5A90];
	_ =	sdelay $0x1  }
0x2c7: {  	s17 =	simm.s32 $0x80;
	v1 =	vld [tilespmem:s31+$0x5A80]  }
.LBB2_90:
0x2c8: {  	p0 =	sne.s32 s17, $0x3F80  }
.Ltmp44:
0x2c9: {  	_ = 	snop;
	(pc) =	sbr.rel @p0 .LBB2_90-.Ltmp44, $4  }
0x2ca: {  	s18 =	sshra.s32 s17, $0x2;
	[tilespmem:s31+$0x6A90] =	vst.add.f32.msk $0xffff, v0  }
0x2cb: {  	v0 =	vld [tilespmem:s18+$0x5A90]  }
0x2cc: {  	v2 =	vmov v1;
	v1 =	vld [tilespmem:s18+$0x5A80]  }
0x2cd: {  	s17 =	sadd.s32 $0x80, s17;
	[tilespmem:s31+$0x6A80] =	vst.add.f32.msk $0xffff, v2;
	s31 =	smov.u32 s18  }
0x2ce: {  	_ =	sdelay $0x1  }
0x2cf: {  	[tilespmem:s31+$0x6A90] =	vst.add.f32.msk $0xffff, v0  }
0x2d0: {  	s17 =	simm.s32 $0x1900;
	[tilespmem:s31+$0x6A80] =	vst.add.f32.msk $0xffff, v1  }
0x2d1: {  	[tilespmem:s26], [sflag:$0x2] =	stream.indirect.gather [hbm4b:s3+s16], $0x20, s17, s16, $0xb8;
	[tilespmem:$0x7A80] =	vst v63  }
0x2d2: {  	_ =	swait.ge [sflag:s24], $0x1000  }
0x2d3: {  	[sflag:s24] =	ssyncset.done $0x0  }
0x2d4: {  	s31 =	simm.s32 $0x0;
	[sflag:s24] =	ssyncadd.s32 $0xFFFFF000  }
0x2d5: {  	v0 =	vld [tilespmem:s31+$0x4A90];
	_ =	sdelay $0x1  }
0x2d6: {  	s17 =	simm.s32 $0x80;
	v1 =	vld [tilespmem:s31+$0x4A80]  }
.LBB2_92:
0x2d7: {  	p0 =	sne.s32 s17, $0x3F80  }
.Ltmp45:
0x2d8: {  	_ = 	snop;
	(pc) =	sbr.rel @p0 .LBB2_92-.Ltmp45, $4  }
0x2d9: {  	s18 =	sshra.s32 s17, $0x2;
	[tilespmem:s31+$0x6A90] =	vst.add.f32.msk $0xffff, v0  }
0x2da: {  	v0 =	vld [tilespmem:s18+$0x4A90]  }
0x2db: {  	v2 =	vmov v1;
	v1 =	vld [tilespmem:s18+$0x4A80]  }
0x2dc: {  	s17 =	sadd.s32 $0x80, s17;
	[tilespmem:s31+$0x6A80] =	vst.add.f32.msk $0xffff, v2;
	s31 =	smov.u32 s18  }
0x2dd: {  	_ =	sdelay $0x1  }
0x2de: {  	[tilespmem:s31+$0x6A90] =	vst.add.f32.msk $0xffff, v0  }
0x2df: {  	s17 =	simm.s32 $0x1980;
	[tilespmem:s31+$0x6A80] =	vst.add.f32.msk $0xffff, v1  }
0x2e0: {  	[tilespmem:s29], [sflag:$0x1] =	stream.indirect.gather [hbm4b:s3+s16], $0x20, s17, s16, $0xb8;
	[tilespmem:$0x7A80] =	vst v63  }
0x2e1: {  	_ =	swait.ge [sflag:s30], $0x1000  }
0x2e2: {  	[sflag:s30] =	ssyncset.done $0x0  }
0x2e3: {  	s31 =	simm.s32 $0x0;
	[sflag:s30] =	ssyncadd.s32 $0xFFFFF000  }
0x2e4: {  	v0 =	vld [tilespmem:s31+$0x5A90];
	_ =	sdelay $0x1  }
0x2e5: {  	s17 =	simm.s32 $0x80;
	v1 =	vld [tilespmem:s31+$0x5A80]  }
.LBB2_94:
0x2e6: {  	p0 =	sne.s32 s17, $0x3F80  }
.Ltmp46:
0x2e7: {  	_ = 	snop;
	(pc) =	sbr.rel @p0 .LBB2_94-.Ltmp46, $4  }
0x2e8: {  	s18 =	sshra.s32 s17, $0x2;
	[tilespmem:s31+$0x6A90] =	vst.add.f32.msk $0xffff, v0  }
0x2e9: {  	v0 =	vld [tilespmem:s18+$0x5A90]  }
0x2ea: {  	v2 =	vmov v1;
	v1 =	vld [tilespmem:s18+$0x5A80]  }
0x2eb: {  	s17 =	sadd.s32 $0x80, s17;
	[tilespmem:s31+$0x6A80] =	vst.add.f32.msk $0xffff, v2;
	s31 =	smov.u32 s18  }
0x2ec: {  	_ =	sdelay $0x1  }
0x2ed: {  	[tilespmem:s31+$0x6A90] =	vst.add.f32.msk $0xffff, v0  }
0x2ee: {  	s17 =	simm.s32 $0x1A00;
	[tilespmem:s31+$0x6A80] =	vst.add.f32.msk $0xffff, v1  }
0x2ef: {  	[tilespmem:s26], [sflag:$0x2] =	stream.indirect.gather [hbm4b:s3+s16], $0x20, s17, s16, $0xb8;
	[tilespmem:$0x7A80] =	vst v63  }
0x2f0: {  	_ =	swait.ge [sflag:s24], $0x1000  }
0x2f1: {  	[sflag:s24] =	ssyncset.done $0x0  }
0x2f2: {  	s31 =	simm.s32 $0x0;
	[sflag:s24] =	ssyncadd.s32 $0xFFFFF000  }
0x2f3: {  	v0 =	vld [tilespmem:s31+$0x4A90];
	_ =	sdelay $0x1  }
0x2f4: {  	s17 =	simm.s32 $0x80;
	v1 =	vld [tilespmem:s31+$0x4A80]  }
.LBB2_96:
0x2f5: {  	p0 =	sne.s32 s17, $0x3F80  }
.Ltmp47:
0x2f6: {  	_ = 	snop;
	(pc) =	sbr.rel @p0 .LBB2_96-.Ltmp47, $4  }
0x2f7: {  	s18 =	sshra.s32 s17, $0x2;
	[tilespmem:s31+$0x6A90] =	vst.add.f32.msk $0xffff, v0  }
0x2f8: {  	v0 =	vld [tilespmem:s18+$0x4A90]  }
0x2f9: {  	v2 =	vmov v1;
	v1 =	vld [tilespmem:s18+$0x4A80]  }
0x2fa: {  	s17 =	sadd.s32 $0x80, s17;
	[tilespmem:s31+$0x6A80] =	vst.add.f32.msk $0xffff, v2;
	s31 =	smov.u32 s18  }
0x2fb: {  	_ =	sdelay $0x1  }
0x2fc: {  	[tilespmem:s31+$0x6A90] =	vst.add.f32.msk $0xffff, v0  }
0x2fd: {  	[tilespmem:s31+$0x6A80] =	vst.add.f32.msk $0xffff, v1  }
0x2fe: {  	_ =	swait.ge [sflag:s30], $0x1000  }
0x2ff: {  	[sflag:s30] =	ssyncset.done $0x0  }
0x300: {  	s31 =	simm.s32 $0x0;
	[sflag:s30] =	ssyncadd.s32 $0xFFFFF000  }
0x301: {  	v0 =	vld [tilespmem:s31+$0x5A90];
	_ =	sdelay $0x1  }
0x302: {  	s17 =	simm.s32 $0x80;
	v1 =	vld [tilespmem:s31+$0x5A80]  }
.LBB2_98:
0x303: {  	p0 =	sne.s32 s17, $0x3F80  }
.Ltmp48:
0x304: {  	_ = 	snop;
	(pc) =	sbr.rel @p0 .LBB2_98-.Ltmp48, $4  }
0x305: {  	s18 =	sshra.s32 s17, $0x2;
	[tilespmem:s31+$0x6A90] =	vst.add.f32.msk $0xffff, v0  }
0x306: {  	v0 =	vld [tilespmem:s18+$0x5A90]  }
0x307: {  	v2 =	vmov v1;
	v1 =	vld [tilespmem:s18+$0x5A80]  }
0x308: {  	s17 =	sadd.s32 $0x80, s17;
	[tilespmem:s31+$0x6A80] =	vst.add.f32.msk $0xffff, v2;
	s31 =	smov.u32 s18  }
0x309: {  	_ =	sdelay $0x1  }
0x30a: {  	[tilespmem:s31+$0x6A90] =	vst.add.f32.msk $0xffff, v0  }
0x30b: {  	[tilespmem:s31+$0x6A80] =	vst.add.f32.msk $0xffff, v1  }
0x30c: {  	_ =	swait.ge [sflag:s1], $0x1000  }
0x30d: {  	[sflag:s1] =	ssyncset.done $0x0  }
0x30e: {  	[sflag:s1] =	ssyncadd.s32 $0xFFFFF000  }
0x30f: {  	_ =	swait.ge [sflag:s0], $0x1000  }
0x310: {  	[sflag:s0] =	ssyncset.done $0x0  }
0x311: {  	[sflag:s0] =	ssyncadd.s32 $0xFFFFF000  }
0x312: {  	_ =	swait.ge [sflag:s25], $0x1000  }
0x313: {  	[sflag:s25] =	ssyncset.done $0x0  }
0x314: {  	[sflag:s25] =	ssyncadd.s32 $0xFFFFF000  }
0x315: {  	[hbm4b:s10+s2] =	stream.linear.scatter [tilespmem:s20], [sflag:$0x6], $0x1000, $0x38;
	[tilespmem:$0x7A80] =	vst v63  }
0x316: {  	_ =	swait.ge [sflag:s15], $0x1000  }
0x317: {  	[sflag:s15] =	ssyncset.done $0x0  }
0x318: {  	[sflag:s15] =	ssyncadd.s32 $0xFFFFF000  }
0x319: {  	[hbm4b:s11+s2] =	stream.linear.scatter [tilespmem:s23], [sflag:$0x6], $0x1000, $0x38;
	[tilespmem:$0x7A80] =	vst v63  }
0x31a: {  	_ =	swait.ge [sflag:s15], $0x1000  }
0x31b: {  	[sflag:s15] =	ssyncset.done $0x0  }
0x31c: {  	[sflag:s15] =	ssyncadd.s32 $0xFFFFF000  }
0x31d: {  	[hbm4b:s12+s2] =	stream.linear.scatter [tilespmem:s21], [sflag:$0x6], $0x1000, $0x38;
	[tilespmem:$0x7A80] =	vst v63  }
0x31e: {  	s28 =	sadd.s32 $0x1, s28;
	_ =	swait.ge [sflag:s15], $0x1000  }
0x31f: {  	p0 =	sne.s32 s28, s14;
	[sflag:s15] =	ssyncset.done $0x0  }
.Ltmp49:
0x320: {  	[sflag:s15] =	ssyncadd.s32 $0xFFFFF000;
	(pc) =	sbr.rel @p0 .LBB2_1-.Ltmp49, $4  }
0x321: {  	[hbm4b:s13+s2] =	stream.linear.scatter [tilespmem:s22], [sflag:$0x6], $0x1000, $0x38;
	[tilespmem:$0x7A80] =	vst v63  }
0x322: {  	_ =	swait.ge [sflag:s15], $0x1000  }
0x323: {  	[sflag:s15] =	ssyncset.done $0x0  }
0x324: {  	[sflag:s15] =	ssyncadd.s32 $0xFFFFF000  }
0x325: {  	_ =	sfence.sel $0x180000  }
0x326: {  	[bflag:$0x0] =	sbarrier.arrive $0xFFFF  }
0x327: {  	_ =	strace $0x90000047  }
0x328: {  	s0 =	stileid.u32;
	[bflag:$0x2] =	sbarrier.arrive $0xFFFF  }
0x329: {  	p0 =	sne.s32 s0, $0x0;
	s0 =	rddreg [dreg:$0x4]  }
0x32a: {  	s0 =	sadd.s32 @!p0 $0x100000, s0  }
0x32b: {  	[sflag:s0] =	ssyncadd.tile.s32 @!p0 $0x1;
	_ =	shalt  }
.Lfunc_end2:
_tile_overlayer_lowered:
.L_overlay_start_2:
0x32c: {  	(tag) =	ssettag $0x2  }
0x32d: {  	s0 =	rddreg [dreg:$0x0];
	s2 =	stileid.u32  }
0x32e: {  	s1 =	rddreg [dreg:$0x1];
	p0 =	sne.s32 s2, $0x0  }
0x32f: {  	s3 =	rddreg [dreg:$0x2];
	[bflag:$0x3] =	sbarrier.arrive $0xFFFF;
	s2 =	simm.s32 @!p0 $0x1C06  }
0x330: {  	[timem:s3], [sflag:s2] =	dma.local @!p0 [hbm:s0], s1  }
0x331: {  	s0 =	simm.s32 @!p0 $0x6  }
0x332: {  	_ =	swait.ge @!p0 [sflag:s0], s1  }
0x333: {  	s1 =	ssub.s32 @!p0 $0x0, s1;
	[sflag:s0] =	ssyncset.done @!p0 $0x0  }
0x334: {  	[sflag:s0] =	ssyncadd.s32 @!p0 s1  }
0x335: {  	[bflag:$0x3] =	sbarrier.arrive $0xFFFF  }
0x336: {  	_ =	shalt  }

</sc_bundles>
